<compile_context>
chip_gen: v7x
topology: tpu7x:2x2x1
jax: 0.10.2.dev20260603
libtpu: 0.0.44.dev20260713+nightly
codegen_flags: <defaults>
</compile_context>

<pallas_src>
import jax
import jax.numpy as jnp
from jax import lax
from jax.experimental import pallas as pl
from jax.experimental.pallas import tpu as pltpu
from jax.experimental.pallas import tpu_sc as plsc

B = 64
T = 160000
C = 512
L = 16
W = 16000
NCHUNK = T // W
NB = 4


def _sc_body(wave_hbm, onehot_hbm, coef_hbm,
             out_wave_hbm, out_onehot_hbm,
             ibi0, ibi1, ibi2, ibi3, ibj0, ibj1, ibj2, ibj3,
             hbi, hbj, cvi, cvj,
             sii0, sii1, sii2, sii3, sij0, sij1, sij2, sij3,
             soi0, soi1, soi2, soi3, soj0, soj1, soj2, soj3):
    w = lax.axis_index("s") * 2 + lax.axis_index("c")
    i = w
    j = (B - 1) - w

    ib_i = (ibi0, ibi1, ibi2, ibi3)
    ib_j = (ibj0, ibj1, ibj2, ibj3)
    s_in_i = (sii0, sii1, sii2, sii3)
    s_in_j = (sij0, sij1, sij2, sij3)
    s_out_i = (soi0, soi1, soi2, soi3)
    s_out_j = (soj0, soj1, soj2, soj3)

    in_copies = {}
    out_copies = {}

    def fire_in(c):
        b = c % NB
        ci = pltpu.make_async_copy(
            wave_hbm.at[i, pl.ds(c * W, W)], ib_i[b], s_in_i[b])
        cj = pltpu.make_async_copy(
            wave_hbm.at[j, pl.ds(c * W, W)], ib_j[b], s_in_j[b])
        ci.start()
        cj.start()
        in_copies[c] = (ci, cj)

    def fire_out(c):
        b = c % NB
        ci = pltpu.make_async_copy(
            ib_i[b], out_wave_hbm.at[i, pl.ds(c * W, W)], s_out_i[b])
        cj = pltpu.make_async_copy(
            ib_j[b], out_wave_hbm.at[j, pl.ds(c * W, W)], s_out_j[b])
        ci.start()
        cj.start()
        out_copies[c] = (ci, cj)

    fire_in(0)
    fire_in(1)
    fire_in(2)
    fire_in(3)

    pltpu.sync_copy(coef_hbm.at[i], cvi)
    pltpu.sync_copy(coef_hbm.at[j], cvj)
    a_i = cvi[pl.ds(0, L)]
    c_i = cvi[pl.ds(L, L)]
    a_j = cvj[pl.ds(0, L)]
    c_j = cvj[pl.ds(L, L)]

    pltpu.sync_copy(onehot_hbm.at[i], hbi)
    pltpu.sync_copy(onehot_hbm.at[j], hbj)

    @plsc.parallel_loop(0, C // L, unroll=8)
    def _(k):
        o = k * L
        vi = hbi[pl.ds(o, L)]
        vj = hbj[pl.ds(o, L)]
        hbi[pl.ds(o, L)] = a_i * vi + c_i * vj
        hbj[pl.ds(o, L)] = a_j * vj + c_j * vi

    pltpu.sync_copy(hbi, out_onehot_hbm.at[i])
    pltpu.sync_copy(hbj, out_onehot_hbm.at[j])

    for c in range(NCHUNK):
        b = c % NB
        in_copies[c][0].wait()
        in_copies[c][1].wait()

        src_i = ib_i[b]
        src_j = ib_j[b]

        @plsc.parallel_loop(0, W // L, unroll=8)
        def _(k):
            o = k * L
            vi = src_i[pl.ds(o, L)]
            vj = src_j[pl.ds(o, L)]
            src_i[pl.ds(o, L)] = a_i * vi + c_i * vj
            src_j[pl.ds(o, L)] = a_j * vj + c_j * vi

        fire_out(c)
        if c >= 2 and c + 2 < NCHUNK:
            out_copies[c - 2][0].wait()
            out_copies[c - 2][1].wait()
            fire_in(c + 2)

    for c in range(NCHUNK - 4, NCHUNK):
        out_copies[c][0].wait()
        out_copies[c][1].wait()


@jax.jit
def _mixup_sc(wave, onehot_label, coef):
    mesh = plsc.VectorSubcoreMesh(core_axis_name="c", subcore_axis_name="s",
                                  num_cores=2, num_subcores=16)
    f = pl.kernel(
        _sc_body,
        out_type=(
            jax.ShapeDtypeStruct((B, T), jnp.float32),
            jax.ShapeDtypeStruct((B, C), jnp.float32),
        ),
        mesh=mesh,
        scratch_types=(
            [pltpu.VMEM((W,), jnp.float32)] * 8
            + [pltpu.VMEM((C,), jnp.float32)] * 2
            + [pltpu.VMEM((2 * L,), jnp.float32)] * 2
            + [pltpu.SemaphoreType.DMA] * 16
        ),
    )
    return f(wave, onehot_label, coef)


def kernel(wave, onehot_label, lam, dec, perm):
    d = dec.astype(jnp.float32)
    a = d * lam + (1.0 - d)
    c = d * (1.0 - lam)
    coef = jnp.concatenate(
        [jnp.broadcast_to(a[:, None], (B, L)),
         jnp.broadcast_to(c[:, None], (B, L))], axis=1)
    return _mixup_sc(wave, onehot_label, coef)

# --- scband reference (transcript-rebuilt; emitter-appended) ---
"""Pipeline reference for scband-mixup-2808908612034 (READ-ONLY COPY).

The authoritative reference and input builder live on the scoring server;
editing this copy changes nothing except your own understanding.
"""

import jax, jax.numpy as jnp
import numpy as np

B = 64
T = 160000
C = 512
PROB = 0.5


def setup_inputs(seed: int = 0) -> dict:
    key = jax.random.key(seed)
    k1, k2, k3, k4 = jax.random.split(key, 4)
    wave = jax.random.normal(k1, (B, T), dtype=jnp.float32)
    onehot_label = jax.random.uniform(k2, (B, C), dtype=jnp.float32)
    # lam ~ U[0,1) per sample (torch.rand in forward)
    lam = jax.random.uniform(k3, (B,), dtype=jnp.float32)
    # get_dec: Bernoulli(prob) decision per sample
    dec = (jax.random.uniform(k4, (B,)) < PROB).astype(jnp.int32)
    # get_reverse_perm: reversed index permutation
    perm = jnp.arange(B, dtype=jnp.int64)[::-1]
    return {"wave": wave, "onehot_label": onehot_label, "lam": lam, "dec": dec, "perm": perm}


def _process(lam, perm, dec, data):
    shape = (-1,) + (1,) * (data.ndim - 1)
    l = lam.reshape(shape)
    d = dec.astype(data.dtype).reshape(shape)
    data_mix = l * data + (1.0 - l) * jnp.take(data, perm, axis=0)
    return d * data_mix + (1.0 - d) * data


def reference(wave, onehot_label, lam, dec, perm):
    # Faithful translation of Mixup.forward in training mode:
    # every tensor entry of the batch dict gets the same (lam, perm, dec) mixup.
    new_wave = _process(lam, perm, dec, wave)
    new_onehot = _process(lam, perm, dec, onehot_label)
    return (new_wave, new_onehot)

if __name__ == "__main__":
    import jax
    _d = setup_inputs()
    print(jax.jit(kernel)(*tuple(_d.values())))

</pallas_src>

<mosaic_0001>
#map = affine_map<(d0, d1) -> (0, 0)>
module attributes {stable_mosaic.version = 14 : i64} {
  func.func @_sc_body(%arg0: i32, %arg1: i32, %arg2: memref<64x160000xf32, #tpu.memory_space<hbm>>, %arg3: memref<64x512xf32, #tpu.memory_space<hbm>>, %arg4: memref<64x32xf32, #tpu.memory_space<hbm>>, %arg5: memref<64x160000xf32, #tpu.memory_space<hbm>>, %arg6: memref<64x512xf32, #tpu.memory_space<hbm>>, %arg7: memref<16000xf32, #tpu.memory_space<vmem>>, %arg8: memref<16000xf32, #tpu.memory_space<vmem>>, %arg9: memref<16000xf32, #tpu.memory_space<vmem>>, %arg10: memref<16000xf32, #tpu.memory_space<vmem>>, %arg11: memref<16000xf32, #tpu.memory_space<vmem>>, %arg12: memref<16000xf32, #tpu.memory_space<vmem>>, %arg13: memref<16000xf32, #tpu.memory_space<vmem>>, %arg14: memref<16000xf32, #tpu.memory_space<vmem>>, %arg15: memref<512xf32, #tpu.memory_space<vmem>>, %arg16: memref<512xf32, #tpu.memory_space<vmem>>, %arg17: memref<32xf32, #tpu.memory_space<vmem>>, %arg18: memref<32xf32, #tpu.memory_space<vmem>>, %arg19: memref<!tpu.dma_semaphore, #tpu.memory_space<semaphore_mem>>, %arg20: memref<!tpu.dma_semaphore, #tpu.memory_space<semaphore_mem>>, %arg21: memref<!tpu.dma_semaphore, #tpu.memory_space<semaphore_mem>>, %arg22: memref<!tpu.dma_semaphore, #tpu.memory_space<semaphore_mem>>, %arg23: memref<!tpu.dma_semaphore, #tpu.memory_space<semaphore_mem>>, %arg24: memref<!tpu.dma_semaphore, #tpu.memory_space<semaphore_mem>>, %arg25: memref<!tpu.dma_semaphore, #tpu.memory_space<semaphore_mem>>, %arg26: memref<!tpu.dma_semaphore, #tpu.memory_space<semaphore_mem>>, %arg27: memref<!tpu.dma_semaphore, #tpu.memory_space<semaphore_mem>>, %arg28: memref<!tpu.dma_semaphore, #tpu.memory_space<semaphore_mem>>, %arg29: memref<!tpu.dma_semaphore, #tpu.memory_space<semaphore_mem>>, %arg30: memref<!tpu.dma_semaphore, #tpu.memory_space<semaphore_mem>>, %arg31: memref<!tpu.dma_semaphore, #tpu.memory_space<semaphore_mem>>, %arg32: memref<!tpu.dma_semaphore, #tpu.memory_space<semaphore_mem>>, %arg33: memref<!tpu.dma_semaphore, #tpu.memory_space<semaphore_mem>>, %arg34: memref<!tpu.dma_semaphore, #tpu.memory_space<semaphore_mem>>) attributes {dimension_semantics = [#tpu.dimension_semantics<core_parallel>, #tpu.dimension_semantics<subcore_parallel>], iteration_bounds = array<i64: 2, 16>, scalar_prefetch = 0 : i64, scratch_operands = 28 : i64, tpu.core_type = #tpu.core_type<sc_vector_subcore>, window_params = [{transform_indices = #map}, {transform_indices = #map}, {transform_indices = #map}, {transform_indices = #map}, {transform_indices = #map}]} {
    %mul3A = arith.constant 2 : i32
    %mul3A_0 = arith.muli %arg1, %mul3A : i32
    %add3A = arith.addi %mul3A_0, %arg0 : i32
    %sub3A = arith.constant 63 : i32
    %sub3A_1 = arith.subi %sub3A, %add3A : i32
    %dma_start3A = arith.constant 0 : i32
    %dma_start3A_2 = tpu.memref_slice %arg2[%add3A, %dma_start3A] : memref<64x160000xf32, #tpu.memory_space<hbm>> -> memref<1x16000xf32, #tpu.memory_space<hbm>>
    %dma_start3A_3 = tpu.memref_squeeze %dma_start3A_2 : memref<1x16000xf32, #tpu.memory_space<hbm>> -> memref<16000xf32, #tpu.memory_space<hbm>>
    %dma_start3A_4 = arith.constant 0 : i32
    %dma_start3A_5 = tpu.memref_slice %arg2[%add3A, %dma_start3A_4] : memref<64x160000xf32, #tpu.memory_space<hbm>> -> memref<1x16000xf32, #tpu.memory_space<hbm>>
    %dma_start3A_6 = tpu.memref_squeeze %dma_start3A_5 : memref<1x16000xf32, #tpu.memory_space<hbm>> -> memref<16000xf32, #tpu.memory_space<hbm>>
    tpu.enqueue_dma source(%dma_start3A_6 : memref<16000xf32, #tpu.memory_space<hbm>>) target(%arg7 : memref<16000xf32, #tpu.memory_space<vmem>>) target_semaphore(%arg19 : memref<!tpu.dma_semaphore, #tpu.memory_space<semaphore_mem>>)
    %dma_start3A_7 = arith.constant 0 : i32
    %dma_start3A_8 = tpu.memref_slice %arg2[%sub3A_1, %dma_start3A_7] : memref<64x160000xf32, #tpu.memory_space<hbm>> -> memref<1x16000xf32, #tpu.memory_space<hbm>>
    %dma_start3A_9 = tpu.memref_squeeze %dma_start3A_8 : memref<1x16000xf32, #tpu.memory_space<hbm>> -> memref<16000xf32, #tpu.memory_space<hbm>>
    %dma_start3A_10 = arith.constant 0 : i32
    %dma_start3A_11 = tpu.memref_slice %arg2[%sub3A_1, %dma_start3A_10] : memref<64x160000xf32, #tpu.memory_space<hbm>> -> memref<1x16000xf32, #tpu.memory_space<hbm>>
    %dma_start3A_12 = tpu.memref_squeeze %dma_start3A_11 : memref<1x16000xf32, #tpu.memory_space<hbm>> -> memref<16000xf32, #tpu.memory_space<hbm>>
    tpu.enqueue_dma source(%dma_start3A_12 : memref<16000xf32, #tpu.memory_space<hbm>>) target(%arg11 : memref<16000xf32, #tpu.memory_space<vmem>>) target_semaphore(%arg23 : memref<!tpu.dma_semaphore, #tpu.memory_space<semaphore_mem>>)
    %dma_start3A_13 = arith.constant 16000 : i32
    %dma_start3A_14 = tpu.memref_slice %arg2[%add3A, %dma_start3A_13] : memref<64x160000xf32, #tpu.memory_space<hbm>> -> memref<1x16000xf32, #tpu.memory_space<hbm>>
    %dma_start3A_15 = tpu.memref_squeeze %dma_start3A_14 : memref<1x16000xf32, #tpu.memory_space<hbm>> -> memref<16000xf32, #tpu.memory_space<hbm>>
    %dma_start3A_16 = arith.constant 16000 : i32
    %dma_start3A_17 = tpu.memref_slice %arg2[%add3A, %dma_start3A_16] : memref<64x160000xf32, #tpu.memory_space<hbm>> -> memref<1x16000xf32, #tpu.memory_space<hbm>>
    %dma_start3A_18 = tpu.memref_squeeze %dma_start3A_17 : memref<1x16000xf32, #tpu.memory_space<hbm>> -> memref<16000xf32, #tpu.memory_space<hbm>>
    tpu.enqueue_dma source(%dma_start3A_18 : memref<16000xf32, #tpu.memory_space<hbm>>) target(%arg8 : memref<16000xf32, #tpu.memory_space<vmem>>) target_semaphore(%arg20 : memref<!tpu.dma_semaphore, #tpu.memory_space<semaphore_mem>>)
    %dma_start3A_19 = arith.constant 16000 : i32
    %dma_start3A_20 = tpu.memref_slice %arg2[%sub3A_1, %dma_start3A_19] : memref<64x160000xf32, #tpu.memory_space<hbm>> -> memref<1x16000xf32, #tpu.memory_space<hbm>>
    %dma_start3A_21 = tpu.memref_squeeze %dma_start3A_20 : memref<1x16000xf32, #tpu.memory_space<hbm>> -> memref<16000xf32, #tpu.memory_space<hbm>>
    %dma_start3A_22 = arith.constant 16000 : i32
    %dma_start3A_23 = tpu.memref_slice %arg2[%sub3A_1, %dma_start3A_22] : memref<64x160000xf32, #tpu.memory_space<hbm>> -> memref<1x16000xf32, #tpu.memory_space<hbm>>
    %dma_start3A_24 = tpu.memref_squeeze %dma_start3A_23 : memref<1x16000xf32, #tpu.memory_space<hbm>> -> memref<16000xf32, #tpu.memory_space<hbm>>
    tpu.enqueue_dma source(%dma_start3A_24 : memref<16000xf32, #tpu.memory_space<hbm>>) target(%arg12 : memref<16000xf32, #tpu.memory_space<vmem>>) target_semaphore(%arg24 : memref<!tpu.dma_semaphore, #tpu.memory_space<semaphore_mem>>)
    %dma_start3A_25 = arith.constant 32000 : i32
    %dma_start3A_26 = tpu.memref_slice %arg2[%add3A, %dma_start3A_25] : memref<64x160000xf32, #tpu.memory_space<hbm>> -> memref<1x16000xf32, #tpu.memory_space<hbm>>
    %dma_start3A_27 = tpu.memref_squeeze %dma_start3A_26 : memref<1x16000xf32, #tpu.memory_space<hbm>> -> memref<16000xf32, #tpu.memory_space<hbm>>
    %dma_start3A_28 = arith.constant 32000 : i32
    %dma_start3A_29 = tpu.memref_slice %arg2[%add3A, %dma_start3A_28] : memref<64x160000xf32, #tpu.memory_space<hbm>> -> memref<1x16000xf32, #tpu.memory_space<hbm>>
    %dma_start3A_30 = tpu.memref_squeeze %dma_start3A_29 : memref<1x16000xf32, #tpu.memory_space<hbm>> -> memref<16000xf32, #tpu.memory_space<hbm>>
    tpu.enqueue_dma source(%dma_start3A_30 : memref<16000xf32, #tpu.memory_space<hbm>>) target(%arg9 : memref<16000xf32, #tpu.memory_space<vmem>>) target_semaphore(%arg21 : memref<!tpu.dma_semaphore, #tpu.memory_space<semaphore_mem>>)
    %dma_start3A_31 = arith.constant 32000 : i32
    %dma_start3A_32 = tpu.memref_slice %arg2[%sub3A_1, %dma_start3A_31] : memref<64x160000xf32, #tpu.memory_space<hbm>> -> memref<1x16000xf32, #tpu.memory_space<hbm>>
    %dma_start3A_33 = tpu.memref_squeeze %dma_start3A_32 : memref<1x16000xf32, #tpu.memory_space<hbm>> -> memref<16000xf32, #tpu.memory_space<hbm>>
    %dma_start3A_34 = arith.constant 32000 : i32
    %dma_start3A_35 = tpu.memref_slice %arg2[%sub3A_1, %dma_start3A_34] : memref<64x160000xf32, #tpu.memory_space<hbm>> -> memref<1x16000xf32, #tpu.memory_space<hbm>>
    %dma_start3A_36 = tpu.memref_squeeze %dma_start3A_35 : memref<1x16000xf32, #tpu.memory_space<hbm>> -> memref<16000xf32, #tpu.memory_space<hbm>>
    tpu.enqueue_dma source(%dma_start3A_36 : memref<16000xf32, #tpu.memory_space<hbm>>) target(%arg13 : memref<16000xf32, #tpu.memory_space<vmem>>) target_semaphore(%arg25 : memref<!tpu.dma_semaphore, #tpu.memory_space<semaphore_mem>>)
    %dma_start3A_37 = arith.constant 48000 : i32
    %dma_start3A_38 = tpu.memref_slice %arg2[%add3A, %dma_start3A_37] : memref<64x160000xf32, #tpu.memory_space<hbm>> -> memref<1x16000xf32, #tpu.memory_space<hbm>>
    %dma_start3A_39 = tpu.memref_squeeze %dma_start3A_38 : memref<1x16000xf32, #tpu.memory_space<hbm>> -> memref<16000xf32, #tpu.memory_space<hbm>>
    %dma_start3A_40 = arith.constant 48000 : i32
    %dma_start3A_41 = tpu.memref_slice %arg2[%add3A, %dma_start3A_40] : memref<64x160000xf32, #tpu.memory_space<hbm>> -> memref<1x16000xf32, #tpu.memory_space<hbm>>
    %dma_start3A_42 = tpu.memref_squeeze %dma_start3A_41 : memref<1x16000xf32, #tpu.memory_space<hbm>> -> memref<16000xf32, #tpu.memory_space<hbm>>
    tpu.enqueue_dma source(%dma_start3A_42 : memref<16000xf32, #tpu.memory_space<hbm>>) target(%arg10 : memref<16000xf32, #tpu.memory_space<vmem>>) target_semaphore(%arg22 : memref<!tpu.dma_semaphore, #tpu.memory_space<semaphore_mem>>)
    %dma_start3A_43 = arith.constant 48000 : i32
    %dma_start3A_44 = tpu.memref_slice %arg2[%sub3A_1, %dma_start3A_43] : memref<64x160000xf32, #tpu.memory_space<hbm>> -> memref<1x16000xf32, #tpu.memory_space<hbm>>
    %dma_start3A_45 = tpu.memref_squeeze %dma_start3A_44 : memref<1x16000xf32, #tpu.memory_space<hbm>> -> memref<16000xf32, #tpu.memory_space<hbm>>
    %dma_start3A_46 = arith.constant 48000 : i32
    %dma_start3A_47 = tpu.memref_slice %arg2[%sub3A_1, %dma_start3A_46] : memref<64x160000xf32, #tpu.memory_space<hbm>> -> memref<1x16000xf32, #tpu.memory_space<hbm>>
    %dma_start3A_48 = tpu.memref_squeeze %dma_start3A_47 : memref<1x16000xf32, #tpu.memory_space<hbm>> -> memref<16000xf32, #tpu.memory_space<hbm>>
    tpu.enqueue_dma source(%dma_start3A_48 : memref<16000xf32, #tpu.memory_space<hbm>>) target(%arg14 : memref<16000xf32, #tpu.memory_space<vmem>>) target_semaphore(%arg26 : memref<!tpu.dma_semaphore, #tpu.memory_space<semaphore_mem>>)
    "tpu.region"() ({
      %run_scoped3A = tpu.sem_alloc : memref<!tpu.dma_semaphore, #tpu.memory_space<semaphore_mem>>
      %dma_start3A_523 = arith.constant 0 : i32
      %dma_start3A_524 = tpu.memref_slice %arg4[%add3A, %dma_start3A_523] : memref<64x32xf32, #tpu.memory_space<hbm>> -> memref<1x32xf32, #tpu.memory_space<hbm>>
      %dma_start3A_525 = tpu.memref_squeeze %dma_start3A_524 : memref<1x32xf32, #tpu.memory_space<hbm>> -> memref<32xf32, #tpu.memory_space<hbm>>
      %dma_start3A_526 = arith.constant 0 : i32
      %dma_start3A_527 = tpu.memref_slice %arg4[%add3A, %dma_start3A_526] : memref<64x32xf32, #tpu.memory_space<hbm>> -> memref<1x32xf32, #tpu.memory_space<hbm>>
      %dma_start3A_528 = tpu.memref_squeeze %dma_start3A_527 : memref<1x32xf32, #tpu.memory_space<hbm>> -> memref<32xf32, #tpu.memory_space<hbm>>
      tpu.enqueue_dma source(%dma_start3A_528 : memref<32xf32, #tpu.memory_space<hbm>>) target(%arg17 : memref<32xf32, #tpu.memory_space<vmem>>) target_semaphore(%run_scoped3A : memref<!tpu.dma_semaphore, #tpu.memory_space<semaphore_mem>>)
      %dma_wait3A_529 = arith.constant 0 : i32
      %dma_wait3A_530 = tpu.memref_slice %arg4[%add3A, %dma_wait3A_529] : memref<64x32xf32, #tpu.memory_space<hbm>> -> memref<1x32xf32, #tpu.memory_space<hbm>>
      %dma_wait3A_531 = tpu.memref_squeeze %dma_wait3A_530 : memref<1x32xf32, #tpu.memory_space<hbm>> -> memref<32xf32, #tpu.memory_space<hbm>>
      %dma_wait3A_532 = arith.constant 0 : i32
      %dma_wait3A_533 = tpu.memref_slice %arg4[%add3A, %dma_wait3A_532] : memref<64x32xf32, #tpu.memory_space<hbm>> -> memref<1x32xf32, #tpu.memory_space<hbm>>
      %dma_wait3A_534 = tpu.memref_squeeze %dma_wait3A_533 : memref<1x32xf32, #tpu.memory_space<hbm>> -> memref<32xf32, #tpu.memory_space<hbm>>
      tpu.wait_dma2 semaphore(%run_scoped3A : memref<!tpu.dma_semaphore, #tpu.memory_space<semaphore_mem>>) src(%dma_wait3A_534 : memref<32xf32, #tpu.memory_space<hbm>>) dst(%arg17 : memref<32xf32, #tpu.memory_space<vmem>>)
      tpu.yield
    }) : () -> ()
    "tpu.region"() ({
      %run_scoped3A = tpu.sem_alloc : memref<!tpu.dma_semaphore, #tpu.memory_space<semaphore_mem>>
      %dma_start3A_523 = arith.constant 0 : i32
      %dma_start3A_524 = tpu.memref_slice %arg4[%sub3A_1, %dma_start3A_523] : memref<64x32xf32, #tpu.memory_space<hbm>> -> memref<1x32xf32, #tpu.memory_space<hbm>>
      %dma_start3A_525 = tpu.memref_squeeze %dma_start3A_524 : memref<1x32xf32, #tpu.memory_space<hbm>> -> memref<32xf32, #tpu.memory_space<hbm>>
      %dma_start3A_526 = arith.constant 0 : i32
      %dma_start3A_527 = tpu.memref_slice %arg4[%sub3A_1, %dma_start3A_526] : memref<64x32xf32, #tpu.memory_space<hbm>> -> memref<1x32xf32, #tpu.memory_space<hbm>>
      %dma_start3A_528 = tpu.memref_squeeze %dma_start3A_527 : memref<1x32xf32, #tpu.memory_space<hbm>> -> memref<32xf32, #tpu.memory_space<hbm>>
      tpu.enqueue_dma source(%dma_start3A_528 : memref<32xf32, #tpu.memory_space<hbm>>) target(%arg18 : memref<32xf32, #tpu.memory_space<vmem>>) target_semaphore(%run_scoped3A : memref<!tpu.dma_semaphore, #tpu.memory_space<semaphore_mem>>)
      %dma_wait3A_529 = arith.constant 0 : i32
      %dma_wait3A_530 = tpu.memref_slice %arg4[%sub3A_1, %dma_wait3A_529] : memref<64x32xf32, #tpu.memory_space<hbm>> -> memref<1x32xf32, #tpu.memory_space<hbm>>
      %dma_wait3A_531 = tpu.memref_squeeze %dma_wait3A_530 : memref<1x32xf32, #tpu.memory_space<hbm>> -> memref<32xf32, #tpu.memory_space<hbm>>
      %dma_wait3A_532 = arith.constant 0 : i32
      %dma_wait3A_533 = tpu.memref_slice %arg4[%sub3A_1, %dma_wait3A_532] : memref<64x32xf32, #tpu.memory_space<hbm>> -> memref<1x32xf32, #tpu.memory_space<hbm>>
      %dma_wait3A_534 = tpu.memref_squeeze %dma_wait3A_533 : memref<1x32xf32, #tpu.memory_space<hbm>> -> memref<32xf32, #tpu.memory_space<hbm>>
      tpu.wait_dma2 semaphore(%run_scoped3A : memref<!tpu.dma_semaphore, #tpu.memory_space<semaphore_mem>>) src(%dma_wait3A_534 : memref<32xf32, #tpu.memory_space<hbm>>) dst(%arg18 : memref<32xf32, #tpu.memory_space<vmem>>)
      tpu.yield
    }) : () -> ()
    %get3A = arith.constant 0 : index
    %get3A_49 = tpu.vector_load %arg17[%get3A] {strides = array<i32>} : memref<32xf32, #tpu.memory_space<vmem>>, vector<16xf32>,
    %get3A_50 = vector.shape_cast %get3A_49 : vector<16xf32> to vector<16xf32>
    %get3A_51 = arith.constant 16 : index
    %get3A_52 = tpu.vector_load %arg17[%get3A_51] {strides = array<i32>} : memref<32xf32, #tpu.memory_space<vmem>>, vector<16xf32>,
    %get3A_53 = vector.shape_cast %get3A_52 : vector<16xf32> to vector<16xf32>
    %get3A_54 = arith.constant 0 : index
    %get3A_55 = tpu.vector_load %arg18[%get3A_54] {strides = array<i32>} : memref<32xf32, #tpu.memory_space<vmem>>, vector<16xf32>,
    %get3A_56 = vector.shape_cast %get3A_55 : vector<16xf32> to vector<16xf32>
    %get3A_57 = arith.constant 16 : index
    %get3A_58 = tpu.vector_load %arg18[%get3A_57] {strides = array<i32>} : memref<32xf32, #tpu.memory_space<vmem>>, vector<16xf32>,
    %get3A_59 = vector.shape_cast %get3A_58 : vector<16xf32> to vector<16xf32>
    "tpu.region"() ({
      %run_scoped3A = tpu.sem_alloc : memref<!tpu.dma_semaphore, #tpu.memory_space<semaphore_mem>>
      %dma_start3A_523 = arith.constant 0 : i32
      %dma_start3A_524 = tpu.memref_slice %arg3[%add3A, %dma_start3A_523] : memref<64x512xf32, #tpu.memory_space<hbm>> -> memref<1x512xf32, #tpu.memory_space<hbm>>
      %dma_start3A_525 = tpu.memref_squeeze %dma_start3A_524 : memref<1x512xf32, #tpu.memory_space<hbm>> -> memref<512xf32, #tpu.memory_space<hbm>>
      %dma_start3A_526 = arith.constant 0 : i32
      %dma_start3A_527 = tpu.memref_slice %arg3[%add3A, %dma_start3A_526] : memref<64x512xf32, #tpu.memory_space<hbm>> -> memref<1x512xf32, #tpu.memory_space<hbm>>
      %dma_start3A_528 = tpu.memref_squeeze %dma_start3A_527 : memref<1x512xf32, #tpu.memory_space<hbm>> -> memref<512xf32, #tpu.memory_space<hbm>>
      tpu.enqueue_dma source(%dma_start3A_528 : memref<512xf32, #tpu.memory_space<hbm>>) target(%arg15 : memref<512xf32, #tpu.memory_space<vmem>>) target_semaphore(%run_scoped3A : memref<!tpu.dma_semaphore, #tpu.memory_space<semaphore_mem>>)
      %dma_wait3A_529 = arith.constant 0 : i32
      %dma_wait3A_530 = tpu.memref_slice %arg3[%add3A, %dma_wait3A_529] : memref<64x512xf32, #tpu.memory_space<hbm>> -> memref<1x512xf32, #tpu.memory_space<hbm>>
      %dma_wait3A_531 = tpu.memref_squeeze %dma_wait3A_530 : memref<1x512xf32, #tpu.memory_space<hbm>> -> memref<512xf32, #tpu.memory_space<hbm>>
      %dma_wait3A_532 = arith.constant 0 : i32
      %dma_wait3A_533 = tpu.memref_slice %arg3[%add3A, %dma_wait3A_532] : memref<64x512xf32, #tpu.memory_space<hbm>> -> memref<1x512xf32, #tpu.memory_space<hbm>>
      %dma_wait3A_534 = tpu.memref_squeeze %dma_wait3A_533 : memref<1x512xf32, #tpu.memory_space<hbm>> -> memref<512xf32, #tpu.memory_space<hbm>>
      tpu.wait_dma2 semaphore(%run_scoped3A : memref<!tpu.dma_semaphore, #tpu.memory_space<semaphore_mem>>) src(%dma_wait3A_534 : memref<512xf32, #tpu.memory_space<hbm>>) dst(%arg15 : memref<512xf32, #tpu.memory_space<vmem>>)
      tpu.yield
    }) : () -> ()
    "tpu.region"() ({
      %run_scoped3A = tpu.sem_alloc : memref<!tpu.dma_semaphore, #tpu.memory_space<semaphore_mem>>
      %dma_start3A_523 = arith.constant 0 : i32
      %dma_start3A_524 = tpu.memref_slice %arg3[%sub3A_1, %dma_start3A_523] : memref<64x512xf32, #tpu.memory_space<hbm>> -> memref<1x512xf32, #tpu.memory_space<hbm>>
      %dma_start3A_525 = tpu.memref_squeeze %dma_start3A_524 : memref<1x512xf32, #tpu.memory_space<hbm>> -> memref<512xf32, #tpu.memory_space<hbm>>
      %dma_start3A_526 = arith.constant 0 : i32
      %dma_start3A_527 = tpu.memref_slice %arg3[%sub3A_1, %dma_start3A_526] : memref<64x512xf32, #tpu.memory_space<hbm>> -> memref<1x512xf32, #tpu.memory_space<hbm>>
      %dma_start3A_528 = tpu.memref_squeeze %dma_start3A_527 : memref<1x512xf32, #tpu.memory_space<hbm>> -> memref<512xf32, #tpu.memory_space<hbm>>
      tpu.enqueue_dma source(%dma_start3A_528 : memref<512xf32, #tpu.memory_space<hbm>>) target(%arg16 : memref<512xf32, #tpu.memory_space<vmem>>) target_semaphore(%run_scoped3A : memref<!tpu.dma_semaphore, #tpu.memory_space<semaphore_mem>>)
      %dma_wait3A_529 = arith.constant 0 : i32
      %dma_wait3A_530 = tpu.memref_slice %arg3[%sub3A_1, %dma_wait3A_529] : memref<64x512xf32, #tpu.memory_space<hbm>> -> memref<1x512xf32, #tpu.memory_space<hbm>>
      %dma_wait3A_531 = tpu.memref_squeeze %dma_wait3A_530 : memref<1x512xf32, #tpu.memory_space<hbm>> -> memref<512xf32, #tpu.memory_space<hbm>>
      %dma_wait3A_532 = arith.constant 0 : i32
      %dma_wait3A_533 = tpu.memref_slice %arg3[%sub3A_1, %dma_wait3A_532] : memref<64x512xf32, #tpu.memory_space<hbm>> -> memref<1x512xf32, #tpu.memory_space<hbm>>
      %dma_wait3A_534 = tpu.memref_squeeze %dma_wait3A_533 : memref<1x512xf32, #tpu.memory_space<hbm>> -> memref<512xf32, #tpu.memory_space<hbm>>
      tpu.wait_dma2 semaphore(%run_scoped3A : memref<!tpu.dma_semaphore, #tpu.memory_space<semaphore_mem>>) src(%dma_wait3A_534 : memref<512xf32, #tpu.memory_space<hbm>>) dst(%arg16 : memref<512xf32, #tpu.memory_space<vmem>>)
      tpu.yield
    }) : () -> ()
    %parallel_loop3A = arith.constant 0 : i32
    %parallel_loop3A_60 = arith.constant 32 : i32
    %parallel_loop3A_61 = arith.constant 1 : i32
    scf.for %parallel_loop3A_523 = %parallel_loop3A to %parallel_loop3A_60 step %parallel_loop3A_61  : i32 {
      %parallel_loop3A_524 = arith.constant 16 : i32
      %parallel_loop3A_525 = arith.muli %parallel_loop3A_523, %parallel_loop3A_524 : i32
      %parallel_loop3A_526 = arith.index_cast %parallel_loop3A_525 : i32 to index
      %parallel_loop3A_527 = tpu.vector_load %arg15[%parallel_loop3A_526] {strides = array<i32>} : memref<512xf32, #tpu.memory_space<vmem>>, vector<16xf32>,
      %parallel_loop3A_528 = vector.shape_cast %parallel_loop3A_527 : vector<16xf32> to vector<16xf32>
      %parallel_loop3A_529 = arith.index_cast %parallel_loop3A_525 : i32 to index
      %parallel_loop3A_530 = tpu.vector_load %arg16[%parallel_loop3A_529] {strides = array<i32>} : memref<512xf32, #tpu.memory_space<vmem>>, vector<16xf32>,
      %parallel_loop3A_531 = vector.shape_cast %parallel_loop3A_530 : vector<16xf32> to vector<16xf32>
      %parallel_loop3A_532 = arith.mulf %get3A_50, %parallel_loop3A_528 : vector<16xf32>
      %parallel_loop3A_533 = arith.mulf %get3A_53, %parallel_loop3A_531 : vector<16xf32>
      %parallel_loop3A_534 = arith.addf %parallel_loop3A_532, %parallel_loop3A_533 : vector<16xf32>
      %parallel_loop3A_535 = arith.index_cast %parallel_loop3A_525 : i32 to index
      %parallel_loop3A_536 = tpu.vector_load %arg15[%parallel_loop3A_535] {strides = array<i32>} : memref<512xf32, #tpu.memory_space<vmem>>, vector<16xf32>,
      %parallel_loop3A_537 = vector.shape_cast %parallel_loop3A_536 : vector<16xf32> to vector<16xf32>
      %parallel_loop3A_538 = vector.shape_cast %parallel_loop3A_534 : vector<16xf32> to vector<16xf32>
      tpu.vector_store %arg15[%parallel_loop3A_535], %parallel_loop3A_538 {strides = array<i32>} : memref<512xf32, #tpu.memory_space<vmem>>, vector<16xf32>,
      %parallel_loop3A_539 = arith.mulf %get3A_56, %parallel_loop3A_531 : vector<16xf32>
      %parallel_loop3A_540 = arith.mulf %get3A_59, %parallel_loop3A_528 : vector<16xf32>
      %parallel_loop3A_541 = arith.addf %parallel_loop3A_539, %parallel_loop3A_540 : vector<16xf32>
      %parallel_loop3A_542 = arith.index_cast %parallel_loop3A_525 : i32 to index
      %parallel_loop3A_543 = tpu.vector_load %arg16[%parallel_loop3A_542] {strides = array<i32>} : memref<512xf32, #tpu.memory_space<vmem>>, vector<16xf32>,
      %parallel_loop3A_544 = vector.shape_cast %parallel_loop3A_543 : vector<16xf32> to vector<16xf32>
      %parallel_loop3A_545 = vector.shape_cast %parallel_loop3A_541 : vector<16xf32> to vector<16xf32>
      tpu.vector_store %arg16[%parallel_loop3A_542], %parallel_loop3A_545 {strides = array<i32>} : memref<512xf32, #tpu.memory_space<vmem>>, vector<16xf32>,
    } {sc.loop_unroll_factor = 8 : i64, sc.parallel_access}
    "tpu.region"() ({
      %run_scoped3A = tpu.sem_alloc : memref<!tpu.dma_semaphore, #tpu.memory_space<semaphore_mem>>
      %dma_start3A_523 = arith.constant 0 : i32
      %dma_start3A_524 = tpu.memref_slice %arg6[%add3A, %dma_start3A_523] : memref<64x512xf32, #tpu.memory_space<hbm>> -> memref<1x512xf32, #tpu.memory_space<hbm>>
      %dma_start3A_525 = tpu.memref_squeeze %dma_start3A_524 : memref<1x512xf32, #tpu.memory_space<hbm>> -> memref<512xf32, #tpu.memory_space<hbm>>
      %dma_start3A_526 = arith.constant 0 : i32
      %dma_start3A_527 = tpu.memref_slice %arg6[%add3A, %dma_start3A_526] : memref<64x512xf32, #tpu.memory_space<hbm>> -> memref<1x512xf32, #tpu.memory_space<hbm>>
      %dma_start3A_528 = tpu.memref_squeeze %dma_start3A_527 : memref<1x512xf32, #tpu.memory_space<hbm>> -> memref<512xf32, #tpu.memory_space<hbm>>
      tpu.enqueue_dma source(%arg15 : memref<512xf32, #tpu.memory_space<vmem>>) target(%dma_start3A_528 : memref<512xf32, #tpu.memory_space<hbm>>) target_semaphore(%run_scoped3A : memref<!tpu.dma_semaphore, #tpu.memory_space<semaphore_mem>>)
      %dma_wait3A_529 = arith.constant 0 : i32
      %dma_wait3A_530 = tpu.memref_slice %arg6[%add3A, %dma_wait3A_529] : memref<64x512xf32, #tpu.memory_space<hbm>> -> memref<1x512xf32, #tpu.memory_space<hbm>>
      %dma_wait3A_531 = tpu.memref_squeeze %dma_wait3A_530 : memref<1x512xf32, #tpu.memory_space<hbm>> -> memref<512xf32, #tpu.memory_space<hbm>>
      %dma_wait3A_532 = arith.constant 0 : i32
      %dma_wait3A_533 = tpu.memref_slice %arg6[%add3A, %dma_wait3A_532] : memref<64x512xf32, #tpu.memory_space<hbm>> -> memref<1x512xf32, #tpu.memory_space<hbm>>
      %dma_wait3A_534 = tpu.memref_squeeze %dma_wait3A_533 : memref<1x512xf32, #tpu.memory_space<hbm>> -> memref<512xf32, #tpu.memory_space<hbm>>
      tpu.wait_dma2 semaphore(%run_scoped3A : memref<!tpu.dma_semaphore, #tpu.memory_space<semaphore_mem>>) src(%arg15 : memref<512xf32, #tpu.memory_space<vmem>>) dst(%dma_wait3A_534 : memref<512xf32, #tpu.memory_space<hbm>>)
      tpu.yield
    }) : () -> ()
    "tpu.region"() ({
      %run_scoped3A = tpu.sem_alloc : memref<!tpu.dma_semaphore, #tpu.memory_space<semaphore_mem>>
      %dma_start3A_523 = arith.constant 0 : i32
      %dma_start3A_524 = tpu.memref_slice %arg6[%sub3A_1, %dma_start3A_523] : memref<64x512xf32, #tpu.memory_space<hbm>> -> memref<1x512xf32, #tpu.memory_space<hbm>>
      %dma_start3A_525 = tpu.memref_squeeze %dma_start3A_524 : memref<1x512xf32, #tpu.memory_space<hbm>> -> memref<512xf32, #tpu.memory_space<hbm>>
      %dma_start3A_526 = arith.constant 0 : i32
      %dma_start3A_527 = tpu.memref_slice %arg6[%sub3A_1, %dma_start3A_526] : memref<64x512xf32, #tpu.memory_space<hbm>> -> memref<1x512xf32, #tpu.memory_space<hbm>>
      %dma_start3A_528 = tpu.memref_squeeze %dma_start3A_527 : memref<1x512xf32, #tpu.memory_space<hbm>> -> memref<512xf32, #tpu.memory_space<hbm>>
      tpu.enqueue_dma source(%arg16 : memref<512xf32, #tpu.memory_space<vmem>>) target(%dma_start3A_528 : memref<512xf32, #tpu.memory_space<hbm>>) target_semaphore(%run_scoped3A : memref<!tpu.dma_semaphore, #tpu.memory_space<semaphore_mem>>)
      %dma_wait3A_529 = arith.constant 0 : i32
      %dma_wait3A_530 = tpu.memref_slice %arg6[%sub3A_1, %dma_wait3A_529] : memref<64x512xf32, #tpu.memory_space<hbm>> -> memref<1x512xf32, #tpu.memory_space<hbm>>
      %dma_wait3A_531 = tpu.memref_squeeze %dma_wait3A_530 : memref<1x512xf32, #tpu.memory_space<hbm>> -> memref<512xf32, #tpu.memory_space<hbm>>
      %dma_wait3A_532 = arith.constant 0 : i32
      %dma_wait3A_533 = tpu.memref_slice %arg6[%sub3A_1, %dma_wait3A_532] : memref<64x512xf32, #tpu.memory_space<hbm>> -> memref<1x512xf32, #tpu.memory_space<hbm>>
      %dma_wait3A_534 = tpu.memref_squeeze %dma_wait3A_533 : memref<1x512xf32, #tpu.memory_space<hbm>> -> memref<512xf32, #tpu.memory_space<hbm>>
      tpu.wait_dma2 semaphore(%run_scoped3A : memref<!tpu.dma_semaphore, #tpu.memory_space<semaphore_mem>>) src(%arg16 : memref<512xf32, #tpu.memory_space<vmem>>) dst(%dma_wait3A_534 : memref<512xf32, #tpu.memory_space<hbm>>)
      tpu.yield
    }) : () -> ()
    %dma_wait3A = arith.constant 0 : i32
    %dma_wait3A_62 = tpu.memref_slice %arg2[%add3A, %dma_wait3A] : memref<64x160000xf32, #tpu.memory_space<hbm>> -> memref<1x16000xf32, #tpu.memory_space<hbm>>
    %dma_wait3A_63 = tpu.memref_squeeze %dma_wait3A_62 : memref<1x16000xf32, #tpu.memory_space<hbm>> -> memref<16000xf32, #tpu.memory_space<hbm>>
    %dma_wait3A_64 = arith.constant 0 : i32
    %dma_wait3A_65 = tpu.memref_slice %arg2[%add3A, %dma_wait3A_64] : memref<64x160000xf32, #tpu.memory_space<hbm>> -> memref<1x16000xf32, #tpu.memory_space<hbm>>
    %dma_wait3A_66 = tpu.memref_squeeze %dma_wait3A_65 : memref<1x16000xf32, #tpu.memory_space<hbm>> -> memref<16000xf32, #tpu.memory_space<hbm>>
    tpu.wait_dma2 semaphore(%arg19 : memref<!tpu.dma_semaphore, #tpu.memory_space<semaphore_mem>>) src(%dma_wait3A_66 : memref<16000xf32, #tpu.memory_space<hbm>>) dst(%arg7 : memref<16000xf32, #tpu.memory_space<vmem>>)
    %dma_wait3A_67 = arith.constant 0 : i32
    %dma_wait3A_68 = tpu.memref_slice %arg2[%sub3A_1, %dma_wait3A_67] : memref<64x160000xf32, #tpu.memory_space<hbm>> -> memref<1x16000xf32, #tpu.memory_space<hbm>>
    %dma_wait3A_69 = tpu.memref_squeeze %dma_wait3A_68 : memref<1x16000xf32, #tpu.memory_space<hbm>> -> memref<16000xf32, #tpu.memory_space<hbm>>
    %dma_wait3A_70 = arith.constant 0 : i32
    %dma_wait3A_71 = tpu.memref_slice %arg2[%sub3A_1, %dma_wait3A_70] : memref<64x160000xf32, #tpu.memory_space<hbm>> -> memref<1x16000xf32, #tpu.memory_space<hbm>>
    %dma_wait3A_72 = tpu.memref_squeeze %dma_wait3A_71 : memref<1x16000xf32, #tpu.memory_space<hbm>> -> memref<16000xf32, #tpu.memory_space<hbm>>
    tpu.wait_dma2 semaphore(%arg23 : memref<!tpu.dma_semaphore, #tpu.memory_space<semaphore_mem>>) src(%dma_wait3A_72 : memref<16000xf32, #tpu.memory_space<hbm>>) dst(%arg11 : memref<16000xf32, #tpu.memory_space<vmem>>)
    %parallel_loop3A_73 = arith.constant 0 : i32
    %parallel_loop3A_74 = arith.constant 1000 : i32
    %parallel_loop3A_75 = arith.constant 1 : i32
    scf.for %parallel_loop3A_523 = %parallel_loop3A_73 to %parallel_loop3A_74 step %parallel_loop3A_75  : i32 {
      %parallel_loop3A_524 = arith.constant 16 : i32
      %parallel_loop3A_525 = arith.muli %parallel_loop3A_523, %parallel_loop3A_524 : i32
      %parallel_loop3A_526 = arith.index_cast %parallel_loop3A_525 : i32 to index
      %parallel_loop3A_527 = tpu.vector_load %arg7[%parallel_loop3A_526] {strides = array<i32>} : memref<16000xf32, #tpu.memory_space<vmem>>, vector<16xf32>,
      %parallel_loop3A_528 = vector.shape_cast %parallel_loop3A_527 : vector<16xf32> to vector<16xf32>
      %parallel_loop3A_529 = arith.index_cast %parallel_loop3A_525 : i32 to index
      %parallel_loop3A_530 = tpu.vector_load %arg11[%parallel_loop3A_529] {strides = array<i32>} : memref<16000xf32, #tpu.memory_space<vmem>>, vector<16xf32>,
      %parallel_loop3A_531 = vector.shape_cast %parallel_loop3A_530 : vector<16xf32> to vector<16xf32>
      %parallel_loop3A_532 = arith.mulf %get3A_50, %parallel_loop3A_528 : vector<16xf32>
      %parallel_loop3A_533 = arith.mulf %get3A_53, %parallel_loop3A_531 : vector<16xf32>
      %parallel_loop3A_534 = arith.addf %parallel_loop3A_532, %parallel_loop3A_533 : vector<16xf32>
      %parallel_loop3A_535 = arith.index_cast %parallel_loop3A_525 : i32 to index
      %parallel_loop3A_536 = tpu.vector_load %arg7[%parallel_loop3A_535] {strides = array<i32>} : memref<16000xf32, #tpu.memory_space<vmem>>, vector<16xf32>,
      %parallel_loop3A_537 = vector.shape_cast %parallel_loop3A_536 : vector<16xf32> to vector<16xf32>
      %parallel_loop3A_538 = vector.shape_cast %parallel_loop3A_534 : vector<16xf32> to vector<16xf32>
      tpu.vector_store %arg7[%parallel_loop3A_535], %parallel_loop3A_538 {strides = array<i32>} : memref<16000xf32, #tpu.memory_space<vmem>>, vector<16xf32>,
      %parallel_loop3A_539 = arith.mulf %get3A_56, %parallel_loop3A_531 : vector<16xf32>
      %parallel_loop3A_540 = arith.mulf %get3A_59, %parallel_loop3A_528 : vector<16xf32>
      %parallel_loop3A_541 = arith.addf %parallel_loop3A_539, %parallel_loop3A_540 : vector<16xf32>
      %parallel_loop3A_542 = arith.index_cast %parallel_loop3A_525 : i32 to index
      %parallel_loop3A_543 = tpu.vector_load %arg11[%parallel_loop3A_542] {strides = array<i32>} : memref<16000xf32, #tpu.memory_space<vmem>>, vector<16xf32>,
      %parallel_loop3A_544 = vector.shape_cast %parallel_loop3A_543 : vector<16xf32> to vector<16xf32>
      %parallel_loop3A_545 = vector.shape_cast %parallel_loop3A_541 : vector<16xf32> to vector<16xf32>
      tpu.vector_store %arg11[%parallel_loop3A_542], %parallel_loop3A_545 {strides = array<i32>} : memref<16000xf32, #tpu.memory_space<vmem>>, vector<16xf32>,
    } {sc.loop_unroll_factor = 8 : i64, sc.parallel_access}
    %dma_start3A_76 = arith.constant 0 : i32
    %dma_start3A_77 = tpu.memref_slice %arg5[%add3A, %dma_start3A_76] : memref<64x160000xf32, #tpu.memory_space<hbm>> -> memref<1x16000xf32, #tpu.memory_space<hbm>>
    %dma_start3A_78 = tpu.memref_squeeze %dma_start3A_77 : memref<1x16000xf32, #tpu.memory_space<hbm>> -> memref<16000xf32, #tpu.memory_space<hbm>>
    %dma_start3A_79 = arith.constant 0 : i32
    %dma_start3A_80 = tpu.memref_slice %arg5[%add3A, %dma_start3A_79] : memref<64x160000xf32, #tpu.memory_space<hbm>> -> memref<1x16000xf32, #tpu.memory_space<hbm>>
    %dma_start3A_81 = tpu.memref_squeeze %dma_start3A_80 : memref<1x16000xf32, #tpu.memory_space<hbm>> -> memref<16000xf32, #tpu.memory_space<hbm>>
    tpu.enqueue_dma source(%arg7 : memref<16000xf32, #tpu.memory_space<vmem>>) target(%dma_start3A_81 : memref<16000xf32, #tpu.memory_space<hbm>>) target_semaphore(%arg27 : memref<!tpu.dma_semaphore, #tpu.memory_space<semaphore_mem>>)
    %dma_start3A_82 = arith.constant 0 : i32
    %dma_start3A_83 = tpu.memref_slice %arg5[%sub3A_1, %dma_start3A_82] : memref<64x160000xf32, #tpu.memory_space<hbm>> -> memref<1x16000xf32, #tpu.memory_space<hbm>>
    %dma_start3A_84 = tpu.memref_squeeze %dma_start3A_83 : memref<1x16000xf32, #tpu.memory_space<hbm>> -> memref<16000xf32, #tpu.memory_space<hbm>>
    %dma_start3A_85 = arith.constant 0 : i32
    %dma_start3A_86 = tpu.memref_slice %arg5[%sub3A_1, %dma_start3A_85] : memref<64x160000xf32, #tpu.memory_space<hbm>> -> memref<1x16000xf32, #tpu.memory_space<hbm>>
    %dma_start3A_87 = tpu.memref_squeeze %dma_start3A_86 : memref<1x16000xf32, #tpu.memory_space<hbm>> -> memref<16000xf32, #tpu.memory_space<hbm>>
    tpu.enqueue_dma source(%arg11 : memref<16000xf32, #tpu.memory_space<vmem>>) target(%dma_start3A_87 : memref<16000xf32, #tpu.memory_space<hbm>>) target_semaphore(%arg31 : memref<!tpu.dma_semaphore, #tpu.memory_space<semaphore_mem>>)
    %dma_wait3A_88 = arith.constant 16000 : i32
    %dma_wait3A_89 = tpu.memref_slice %arg2[%add3A, %dma_wait3A_88] : memref<64x160000xf32, #tpu.memory_space<hbm>> -> memref<1x16000xf32, #tpu.memory_space<hbm>>
    %dma_wait3A_90 = tpu.memref_squeeze %dma_wait3A_89 : memref<1x16000xf32, #tpu.memory_space<hbm>> -> memref<16000xf32, #tpu.memory_space<hbm>>
    %dma_wait3A_91 = arith.constant 16000 : i32
    %dma_wait3A_92 = tpu.memref_slice %arg2[%add3A, %dma_wait3A_91] : memref<64x160000xf32, #tpu.memory_space<hbm>> -> memref<1x16000xf32, #tpu.memory_space<hbm>>
    %dma_wait3A_93 = tpu.memref_squeeze %dma_wait3A_92 : memref<1x16000xf32, #tpu.memory_space<hbm>> -> memref<16000xf32, #tpu.memory_space<hbm>>
    tpu.wait_dma2 semaphore(%arg20 : memref<!tpu.dma_semaphore, #tpu.memory_space<semaphore_mem>>) src(%dma_wait3A_93 : memref<16000xf32, #tpu.memory_space<hbm>>) dst(%arg8 : memref<16000xf32, #tpu.memory_space<vmem>>)
    %dma_wait3A_94 = arith.constant 16000 : i32
    %dma_wait3A_95 = tpu.memref_slice %arg2[%sub3A_1, %dma_wait3A_94] : memref<64x160000xf32, #tpu.memory_space<hbm>> -> memref<1x16000xf32, #tpu.memory_space<hbm>>
    %dma_wait3A_96 = tpu.memref_squeeze %dma_wait3A_95 : memref<1x16000xf32, #tpu.memory_space<hbm>> -> memref<16000xf32, #tpu.memory_space<hbm>>
    %dma_wait3A_97 = arith.constant 16000 : i32
    %dma_wait3A_98 = tpu.memref_slice %arg2[%sub3A_1, %dma_wait3A_97] : memref<64x160000xf32, #tpu.memory_space<hbm>> -> memref<1x16000xf32, #tpu.memory_space<hbm>>
    %dma_wait3A_99 = tpu.memref_squeeze %dma_wait3A_98 : memref<1x16000xf32, #tpu.memory_space<hbm>> -> memref<16000xf32, #tpu.memory_space<hbm>>
    tpu.wait_dma2 semaphore(%arg24 : memref<!tpu.dma_semaphore, #tpu.memory_space<semaphore_mem>>) src(%dma_wait3A_99 : memref<16000xf32, #tpu.memory_space<hbm>>) dst(%arg12 : memref<16000xf32, #tpu.memory_space<vmem>>)
    %parallel_loop3A_100 = arith.constant 0 : i32
    %parallel_loop3A_101 = arith.constant 1000 : i32
    %parallel_loop3A_102 = arith.constant 1 : i32
    scf.for %parallel_loop3A_523 = %parallel_loop3A_100 to %parallel_loop3A_101 step %parallel_loop3A_102  : i32 {
      %parallel_loop3A_524 = arith.constant 16 : i32
      %parallel_loop3A_525 = arith.muli %parallel_loop3A_523, %parallel_loop3A_524 : i32
      %parallel_loop3A_526 = arith.index_cast %parallel_loop3A_525 : i32 to index
      %parallel_loop3A_527 = tpu.vector_load %arg8[%parallel_loop3A_526] {strides = array<i32>} : memref<16000xf32, #tpu.memory_space<vmem>>, vector<16xf32>,
      %parallel_loop3A_528 = vector.shape_cast %parallel_loop3A_527 : vector<16xf32> to vector<16xf32>
      %parallel_loop3A_529 = arith.index_cast %parallel_loop3A_525 : i32 to index
      %parallel_loop3A_530 = tpu.vector_load %arg12[%parallel_loop3A_529] {strides = array<i32>} : memref<16000xf32, #tpu.memory_space<vmem>>, vector<16xf32>,
      %parallel_loop3A_531 = vector.shape_cast %parallel_loop3A_530 : vector<16xf32> to vector<16xf32>
      %parallel_loop3A_532 = arith.mulf %get3A_50, %parallel_loop3A_528 : vector<16xf32>
      %parallel_loop3A_533 = arith.mulf %get3A_53, %parallel_loop3A_531 : vector<16xf32>
      %parallel_loop3A_534 = arith.addf %parallel_loop3A_532, %parallel_loop3A_533 : vector<16xf32>
      %parallel_loop3A_535 = arith.index_cast %parallel_loop3A_525 : i32 to index
      %parallel_loop3A_536 = tpu.vector_load %arg8[%parallel_loop3A_535] {strides = array<i32>} : memref<16000xf32, #tpu.memory_space<vmem>>, vector<16xf32>,
      %parallel_loop3A_537 = vector.shape_cast %parallel_loop3A_536 : vector<16xf32> to vector<16xf32>
      %parallel_loop3A_538 = vector.shape_cast %parallel_loop3A_534 : vector<16xf32> to vector<16xf32>
      tpu.vector_store %arg8[%parallel_loop3A_535], %parallel_loop3A_538 {strides = array<i32>} : memref<16000xf32, #tpu.memory_space<vmem>>, vector<16xf32>,
      %parallel_loop3A_539 = arith.mulf %get3A_56, %parallel_loop3A_531 : vector<16xf32>
      %parallel_loop3A_540 = arith.mulf %get3A_59, %parallel_loop3A_528 : vector<16xf32>
      %parallel_loop3A_541 = arith.addf %parallel_loop3A_539, %parallel_loop3A_540 : vector<16xf32>
      %parallel_loop3A_542 = arith.index_cast %parallel_loop3A_525 : i32 to index
      %parallel_loop3A_543 = tpu.vector_load %arg12[%parallel_loop3A_542] {strides = array<i32>} : memref<16000xf32, #tpu.memory_space<vmem>>, vector<16xf32>,
      %parallel_loop3A_544 = vector.shape_cast %parallel_loop3A_543 : vector<16xf32> to vector<16xf32>
      %parallel_loop3A_545 = vector.shape_cast %parallel_loop3A_541 : vector<16xf32> to vector<16xf32>
      tpu.vector_store %arg12[%parallel_loop3A_542], %parallel_loop3A_545 {strides = array<i32>} : memref<16000xf32, #tpu.memory_space<vmem>>, vector<16xf32>,
    } {sc.loop_unroll_factor = 8 : i64, sc.parallel_access}
    %dma_start3A_103 = arith.constant 16000 : i32
    %dma_start3A_104 = tpu.memref_slice %arg5[%add3A, %dma_start3A_103] : memref<64x160000xf32, #tpu.memory_space<hbm>> -> memref<1x16000xf32, #tpu.memory_space<hbm>>
    %dma_start3A_105 = tpu.memref_squeeze %dma_start3A_104 : memref<1x16000xf32, #tpu.memory_space<hbm>> -> memref<16000xf32, #tpu.memory_space<hbm>>
    %dma_start3A_106 = arith.constant 16000 : i32
    %dma_start3A_107 = tpu.memref_slice %arg5[%add3A, %dma_start3A_106] : memref<64x160000xf32, #tpu.memory_space<hbm>> -> memref<1x16000xf32, #tpu.memory_space<hbm>>
    %dma_start3A_108 = tpu.memref_squeeze %dma_start3A_107 : memref<1x16000xf32, #tpu.memory_space<hbm>> -> memref<16000xf32, #tpu.memory_space<hbm>>
    tpu.enqueue_dma source(%arg8 : memref<16000xf32, #tpu.memory_space<vmem>>) target(%dma_start3A_108 : memref<16000xf32, #tpu.memory_space<hbm>>) target_semaphore(%arg28 : memref<!tpu.dma_semaphore, #tpu.memory_space<semaphore_mem>>)
    %dma_start3A_109 = arith.constant 16000 : i32
    %dma_start3A_110 = tpu.memref_slice %arg5[%sub3A_1, %dma_start3A_109] : memref<64x160000xf32, #tpu.memory_space<hbm>> -> memref<1x16000xf32, #tpu.memory_space<hbm>>
    %dma_start3A_111 = tpu.memref_squeeze %dma_start3A_110 : memref<1x16000xf32, #tpu.memory_space<hbm>> -> memref<16000xf32, #tpu.memory_space<hbm>>
    %dma_start3A_112 = arith.constant 16000 : i32
    %dma_start3A_113 = tpu.memref_slice %arg5[%sub3A_1, %dma_start3A_112] : memref<64x160000xf32, #tpu.memory_space<hbm>> -> memref<1x16000xf32, #tpu.memory_space<hbm>>
    %dma_start3A_114 = tpu.memref_squeeze %dma_start3A_113 : memref<1x16000xf32, #tpu.memory_space<hbm>> -> memref<16000xf32, #tpu.memory_space<hbm>>
    tpu.enqueue_dma source(%arg12 : memref<16000xf32, #tpu.memory_space<vmem>>) target(%dma_start3A_114 : memref<16000xf32, #tpu.memory_space<hbm>>) target_semaphore(%arg32 : memref<!tpu.dma_semaphore, #tpu.memory_space<semaphore_mem>>)
    %dma_wait3A_115 = arith.constant 32000 : i32
    %dma_wait3A_116 = tpu.memref_slice %arg2[%add3A, %dma_wait3A_115] : memref<64x160000xf32, #tpu.memory_space<hbm>> -> memref<1x16000xf32, #tpu.memory_space<hbm>>
    %dma_wait3A_117 = tpu.memref_squeeze %dma_wait3A_116 : memref<1x16000xf32, #tpu.memory_space<hbm>> -> memref<16000xf32, #tpu.memory_space<hbm>>
    %dma_wait3A_118 = arith.constant 32000 : i32
    %dma_wait3A_119 = tpu.memref_slice %arg2[%add3A, %dma_wait3A_118] : memref<64x160000xf32, #tpu.memory_space<hbm>> -> memref<1x16000xf32, #tpu.memory_space<hbm>>
    %dma_wait3A_120 = tpu.memref_squeeze %dma_wait3A_119 : memref<1x16000xf32, #tpu.memory_space<hbm>> -> memref<16000xf32, #tpu.memory_space<hbm>>
    tpu.wait_dma2 semaphore(%arg21 : memref<!tpu.dma_semaphore, #tpu.memory_space<semaphore_mem>>) src(%dma_wait3A_120 : memref<16000xf32, #tpu.memory_space<hbm>>) dst(%arg9 : memref<16000xf32, #tpu.memory_space<vmem>>)
    %dma_wait3A_121 = arith.constant 32000 : i32
    %dma_wait3A_122 = tpu.memref_slice %arg2[%sub3A_1, %dma_wait3A_121] : memref<64x160000xf32, #tpu.memory_space<hbm>> -> memref<1x16000xf32, #tpu.memory_space<hbm>>
    %dma_wait3A_123 = tpu.memref_squeeze %dma_wait3A_122 : memref<1x16000xf32, #tpu.memory_space<hbm>> -> memref<16000xf32, #tpu.memory_space<hbm>>
    %dma_wait3A_124 = arith.constant 32000 : i32
    %dma_wait3A_125 = tpu.memref_slice %arg2[%sub3A_1, %dma_wait3A_124] : memref<64x160000xf32, #tpu.memory_space<hbm>> -> memref<1x16000xf32, #tpu.memory_space<hbm>>
    %dma_wait3A_126 = tpu.memref_squeeze %dma_wait3A_125 : memref<1x16000xf32, #tpu.memory_space<hbm>> -> memref<16000xf32, #tpu.memory_space<hbm>>
    tpu.wait_dma2 semaphore(%arg25 : memref<!tpu.dma_semaphore, #tpu.memory_space<semaphore_mem>>) src(%dma_wait3A_126 : memref<16000xf32, #tpu.memory_space<hbm>>) dst(%arg13 : memref<16000xf32, #tpu.memory_space<vmem>>)
    %parallel_loop3A_127 = arith.constant 0 : i32
    %parallel_loop3A_128 = arith.constant 1000 : i32
    %parallel_loop3A_129 = arith.constant 1 : i32
    scf.for %parallel_loop3A_523 = %parallel_loop3A_127 to %parallel_loop3A_128 step %parallel_loop3A_129  : i32 {
      %parallel_loop3A_524 = arith.constant 16 : i32
      %parallel_loop3A_525 = arith.muli %parallel_loop3A_523, %parallel_loop3A_524 : i32
      %parallel_loop3A_526 = arith.index_cast %parallel_loop3A_525 : i32 to index
      %parallel_loop3A_527 = tpu.vector_load %arg9[%parallel_loop3A_526] {strides = array<i32>} : memref<16000xf32, #tpu.memory_space<vmem>>, vector<16xf32>,
      %parallel_loop3A_528 = vector.shape_cast %parallel_loop3A_527 : vector<16xf32> to vector<16xf32>
      %parallel_loop3A_529 = arith.index_cast %parallel_loop3A_525 : i32 to index
      %parallel_loop3A_530 = tpu.vector_load %arg13[%parallel_loop3A_529] {strides = array<i32>} : memref<16000xf32, #tpu.memory_space<vmem>>, vector<16xf32>,
      %parallel_loop3A_531 = vector.shape_cast %parallel_loop3A_530 : vector<16xf32> to vector<16xf32>
      %parallel_loop3A_532 = arith.mulf %get3A_50, %parallel_loop3A_528 : vector<16xf32>
      %parallel_loop3A_533 = arith.mulf %get3A_53, %parallel_loop3A_531 : vector<16xf32>
      %parallel_loop3A_534 = arith.addf %parallel_loop3A_532, %parallel_loop3A_533 : vector<16xf32>
      %parallel_loop3A_535 = arith.index_cast %parallel_loop3A_525 : i32 to index
      %parallel_loop3A_536 = tpu.vector_load %arg9[%parallel_loop3A_535] {strides = array<i32>} : memref<16000xf32, #tpu.memory_space<vmem>>, vector<16xf32>,
      %parallel_loop3A_537 = vector.shape_cast %parallel_loop3A_536 : vector<16xf32> to vector<16xf32>
      %parallel_loop3A_538 = vector.shape_cast %parallel_loop3A_534 : vector<16xf32> to vector<16xf32>
      tpu.vector_store %arg9[%parallel_loop3A_535], %parallel_loop3A_538 {strides = array<i32>} : memref<16000xf32, #tpu.memory_space<vmem>>, vector<16xf32>,
      %parallel_loop3A_539 = arith.mulf %get3A_56, %parallel_loop3A_531 : vector<16xf32>
      %parallel_loop3A_540 = arith.mulf %get3A_59, %parallel_loop3A_528 : vector<16xf32>
      %parallel_loop3A_541 = arith.addf %parallel_loop3A_539, %parallel_loop3A_540 : vector<16xf32>
      %parallel_loop3A_542 = arith.index_cast %parallel_loop3A_525 : i32 to index
      %parallel_loop3A_543 = tpu.vector_load %arg13[%parallel_loop3A_542] {strides = array<i32>} : memref<16000xf32, #tpu.memory_space<vmem>>, vector<16xf32>,
      %parallel_loop3A_544 = vector.shape_cast %parallel_loop3A_543 : vector<16xf32> to vector<16xf32>
      %parallel_loop3A_545 = vector.shape_cast %parallel_loop3A_541 : vector<16xf32> to vector<16xf32>
      tpu.vector_store %arg13[%parallel_loop3A_542], %parallel_loop3A_545 {strides = array<i32>} : memref<16000xf32, #tpu.memory_space<vmem>>, vector<16xf32>,
    } {sc.loop_unroll_factor = 8 : i64, sc.parallel_access}
    %dma_start3A_130 = arith.constant 32000 : i32
    %dma_start3A_131 = tpu.memref_slice %arg5[%add3A, %dma_start3A_130] : memref<64x160000xf32, #tpu.memory_space<hbm>> -> memref<1x16000xf32, #tpu.memory_space<hbm>>
    %dma_start3A_132 = tpu.memref_squeeze %dma_start3A_131 : memref<1x16000xf32, #tpu.memory_space<hbm>> -> memref<16000xf32, #tpu.memory_space<hbm>>
    %dma_start3A_133 = arith.constant 32000 : i32
    %dma_start3A_134 = tpu.memref_slice %arg5[%add3A, %dma_start3A_133] : memref<64x160000xf32, #tpu.memory_space<hbm>> -> memref<1x16000xf32, #tpu.memory_space<hbm>>
    %dma_start3A_135 = tpu.memref_squeeze %dma_start3A_134 : memref<1x16000xf32, #tpu.memory_space<hbm>> -> memref<16000xf32, #tpu.memory_space<hbm>>
    tpu.enqueue_dma source(%arg9 : memref<16000xf32, #tpu.memory_space<vmem>>) target(%dma_start3A_135 : memref<16000xf32, #tpu.memory_space<hbm>>) target_semaphore(%arg29 : memref<!tpu.dma_semaphore, #tpu.memory_space<semaphore_mem>>)
    %dma_start3A_136 = arith.constant 32000 : i32
    %dma_start3A_137 = tpu.memref_slice %arg5[%sub3A_1, %dma_start3A_136] : memref<64x160000xf32, #tpu.memory_space<hbm>> -> memref<1x16000xf32, #tpu.memory_space<hbm>>
    %dma_start3A_138 = tpu.memref_squeeze %dma_start3A_137 : memref<1x16000xf32, #tpu.memory_space<hbm>> -> memref<16000xf32, #tpu.memory_space<hbm>>
    %dma_start3A_139 = arith.constant 32000 : i32
    %dma_start3A_140 = tpu.memref_slice %arg5[%sub3A_1, %dma_start3A_139] : memref<64x160000xf32, #tpu.memory_space<hbm>> -> memref<1x16000xf32, #tpu.memory_space<hbm>>
    %dma_start3A_141 = tpu.memref_squeeze %dma_start3A_140 : memref<1x16000xf32, #tpu.memory_space<hbm>> -> memref<16000xf32, #tpu.memory_space<hbm>>
    tpu.enqueue_dma source(%arg13 : memref<16000xf32, #tpu.memory_space<vmem>>) target(%dma_start3A_141 : memref<16000xf32, #tpu.memory_space<hbm>>) target_semaphore(%arg33 : memref<!tpu.dma_semaphore, #tpu.memory_space<semaphore_mem>>)
    %dma_wait3A_142 = arith.constant 0 : i32
    %dma_wait3A_143 = tpu.memref_slice %arg5[%add3A, %dma_wait3A_142] : memref<64x160000xf32, #tpu.memory_space<hbm>> -> memref<1x16000xf32, #tpu.memory_space<hbm>>
    %dma_wait3A_144 = tpu.memref_squeeze %dma_wait3A_143 : memref<1x16000xf32, #tpu.memory_space<hbm>> -> memref<16000xf32, #tpu.memory_space<hbm>>
    %dma_wait3A_145 = arith.constant 0 : i32
    %dma_wait3A_146 = tpu.memref_slice %arg5[%add3A, %dma_wait3A_145] : memref<64x160000xf32, #tpu.memory_space<hbm>> -> memref<1x16000xf32, #tpu.memory_space<hbm>>
    %dma_wait3A_147 = tpu.memref_squeeze %dma_wait3A_146 : memref<1x16000xf32, #tpu.memory_space<hbm>> -> memref<16000xf32, #tpu.memory_space<hbm>>
    tpu.wait_dma2 semaphore(%arg27 : memref<!tpu.dma_semaphore, #tpu.memory_space<semaphore_mem>>) src(%arg7 : memref<16000xf32, #tpu.memory_space<vmem>>) dst(%dma_wait3A_147 : memref<16000xf32, #tpu.memory_space<hbm>>)
    %dma_wait3A_148 = arith.constant 0 : i32
    %dma_wait3A_149 = tpu.memref_slice %arg5[%sub3A_1, %dma_wait3A_148] : memref<64x160000xf32, #tpu.memory_space<hbm>> -> memref<1x16000xf32, #tpu.memory_space<hbm>>
    %dma_wait3A_150 = tpu.memref_squeeze %dma_wait3A_149 : memref<1x16000xf32, #tpu.memory_space<hbm>> -> memref<16000xf32, #tpu.memory_space<hbm>>
    %dma_wait3A_151 = arith.constant 0 : i32
    %dma_wait3A_152 = tpu.memref_slice %arg5[%sub3A_1, %dma_wait3A_151] : memref<64x160000xf32, #tpu.memory_space<hbm>> -> memref<1x16000xf32, #tpu.memory_space<hbm>>
    %dma_wait3A_153 = tpu.memref_squeeze %dma_wait3A_152 : memref<1x16000xf32, #tpu.memory_space<hbm>> -> memref<16000xf32, #tpu.memory_space<hbm>>
    tpu.wait_dma2 semaphore(%arg31 : memref<!tpu.dma_semaphore, #tpu.memory_space<semaphore_mem>>) src(%arg11 : memref<16000xf32, #tpu.memory_space<vmem>>) dst(%dma_wait3A_153 : memref<16000xf32, #tpu.memory_space<hbm>>)
    %dma_start3A_154 = arith.constant 64000 : i32
    %dma_start3A_155 = tpu.memref_slice %arg2[%add3A, %dma_start3A_154] : memref<64x160000xf32, #tpu.memory_space<hbm>> -> memref<1x16000xf32, #tpu.memory_space<hbm>>
    %dma_start3A_156 = tpu.memref_squeeze %dma_start3A_155 : memref<1x16000xf32, #tpu.memory_space<hbm>> -> memref<16000xf32, #tpu.memory_space<hbm>>
    %dma_start3A_157 = arith.constant 64000 : i32
    %dma_start3A_158 = tpu.memref_slice %arg2[%add3A, %dma_start3A_157] : memref<64x160000xf32, #tpu.memory_space<hbm>> -> memref<1x16000xf32, #tpu.memory_space<hbm>>
    %dma_start3A_159 = tpu.memref_squeeze %dma_start3A_158 : memref<1x16000xf32, #tpu.memory_space<hbm>> -> memref<16000xf32, #tpu.memory_space<hbm>>
    tpu.enqueue_dma source(%dma_start3A_159 : memref<16000xf32, #tpu.memory_space<hbm>>) target(%arg7 : memref<16000xf32, #tpu.memory_space<vmem>>) target_semaphore(%arg19 : memref<!tpu.dma_semaphore, #tpu.memory_space<semaphore_mem>>)
    %dma_start3A_160 = arith.constant 64000 : i32
    %dma_start3A_161 = tpu.memref_slice %arg2[%sub3A_1, %dma_start3A_160] : memref<64x160000xf32, #tpu.memory_space<hbm>> -> memref<1x16000xf32, #tpu.memory_space<hbm>>
    %dma_start3A_162 = tpu.memref_squeeze %dma_start3A_161 : memref<1x16000xf32, #tpu.memory_space<hbm>> -> memref<16000xf32, #tpu.memory_space<hbm>>
    %dma_start3A_163 = arith.constant 64000 : i32
    %dma_start3A_164 = tpu.memref_slice %arg2[%sub3A_1, %dma_start3A_163] : memref<64x160000xf32, #tpu.memory_space<hbm>> -> memref<1x16000xf32, #tpu.memory_space<hbm>>
    %dma_start3A_165 = tpu.memref_squeeze %dma_start3A_164 : memref<1x16000xf32, #tpu.memory_space<hbm>> -> memref<16000xf32, #tpu.memory_space<hbm>>
    tpu.enqueue_dma source(%dma_start3A_165 : memref<16000xf32, #tpu.memory_space<hbm>>) target(%arg11 : memref<16000xf32, #tpu.memory_space<vmem>>) target_semaphore(%arg23 : memref<!tpu.dma_semaphore, #tpu.memory_space<semaphore_mem>>)
    %dma_wait3A_166 = arith.constant 48000 : i32
    %dma_wait3A_167 = tpu.memref_slice %arg2[%add3A, %dma_wait3A_166] : memref<64x160000xf32, #tpu.memory_space<hbm>> -> memref<1x16000xf32, #tpu.memory_space<hbm>>
    %dma_wait3A_168 = tpu.memref_squeeze %dma_wait3A_167 : memref<1x16000xf32, #tpu.memory_space<hbm>> -> memref<16000xf32, #tpu.memory_space<hbm>>
    %dma_wait3A_169 = arith.constant 48000 : i32
    %dma_wait3A_170 = tpu.memref_slice %arg2[%add3A, %dma_wait3A_169] : memref<64x160000xf32, #tpu.memory_space<hbm>> -> memref<1x16000xf32, #tpu.memory_space<hbm>>
    %dma_wait3A_171 = tpu.memref_squeeze %dma_wait3A_170 : memref<1x16000xf32, #tpu.memory_space<hbm>> -> memref<16000xf32, #tpu.memory_space<hbm>>
    tpu.wait_dma2 semaphore(%arg22 : memref<!tpu.dma_semaphore, #tpu.memory_space<semaphore_mem>>) src(%dma_wait3A_171 : memref<16000xf32, #tpu.memory_space<hbm>>) dst(%arg10 : memref<16000xf32, #tpu.memory_space<vmem>>)
    %dma_wait3A_172 = arith.constant 48000 : i32
    %dma_wait3A_173 = tpu.memref_slice %arg2[%sub3A_1, %dma_wait3A_172] : memref<64x160000xf32, #tpu.memory_space<hbm>> -> memref<1x16000xf32, #tpu.memory_space<hbm>>
    %dma_wait3A_174 = tpu.memref_squeeze %dma_wait3A_173 : memref<1x16000xf32, #tpu.memory_space<hbm>> -> memref<16000xf32, #tpu.memory_space<hbm>>
    %dma_wait3A_175 = arith.constant 48000 : i32
    %dma_wait3A_176 = tpu.memref_slice %arg2[%sub3A_1, %dma_wait3A_175] : memref<64x160000xf32, #tpu.memory_space<hbm>> -> memref<1x16000xf32, #tpu.memory_space<hbm>>
    %dma_wait3A_177 = tpu.memref_squeeze %dma_wait3A_176 : memref<1x16000xf32, #tpu.memory_space<hbm>> -> memref<16000xf32, #tpu.memory_space<hbm>>
    tpu.wait_dma2 semaphore(%arg26 : memref<!tpu.dma_semaphore, #tpu.memory_space<semaphore_mem>>) src(%dma_wait3A_177 : memref<16000xf32, #tpu.memory_space<hbm>>) dst(%arg14 : memref<16000xf32, #tpu.memory_space<vmem>>)
    %parallel_loop3A_178 = arith.constant 0 : i32
    %parallel_loop3A_179 = arith.constant 1000 : i32
    %parallel_loop3A_180 = arith.constant 1 : i32
    scf.for %parallel_loop3A_523 = %parallel_loop3A_178 to %parallel_loop3A_179 step %parallel_loop3A_180  : i32 {
      %parallel_loop3A_524 = arith.constant 16 : i32
      %parallel_loop3A_525 = arith.muli %parallel_loop3A_523, %parallel_loop3A_524 : i32
      %parallel_loop3A_526 = arith.index_cast %parallel_loop3A_525 : i32 to index
      %parallel_loop3A_527 = tpu.vector_load %arg10[%parallel_loop3A_526] {strides = array<i32>} : memref<16000xf32, #tpu.memory_space<vmem>>, vector<16xf32>,
      %parallel_loop3A_528 = vector.shape_cast %parallel_loop3A_527 : vector<16xf32> to vector<16xf32>
      %parallel_loop3A_529 = arith.index_cast %parallel_loop3A_525 : i32 to index
      %parallel_loop3A_530 = tpu.vector_load %arg14[%parallel_loop3A_529] {strides = array<i32>} : memref<16000xf32, #tpu.memory_space<vmem>>, vector<16xf32>,
      %parallel_loop3A_531 = vector.shape_cast %parallel_loop3A_530 : vector<16xf32> to vector<16xf32>
      %parallel_loop3A_532 = arith.mulf %get3A_50, %parallel_loop3A_528 : vector<16xf32>
      %parallel_loop3A_533 = arith.mulf %get3A_53, %parallel_loop3A_531 : vector<16xf32>
      %parallel_loop3A_534 = arith.addf %parallel_loop3A_532, %parallel_loop3A_533 : vector<16xf32>
      %parallel_loop3A_535 = arith.index_cast %parallel_loop3A_525 : i32 to index
      %parallel_loop3A_536 = tpu.vector_load %arg10[%parallel_loop3A_535] {strides = array<i32>} : memref<16000xf32, #tpu.memory_space<vmem>>, vector<16xf32>,
      %parallel_loop3A_537 = vector.shape_cast %parallel_loop3A_536 : vector<16xf32> to vector<16xf32>
      %parallel_loop3A_538 = vector.shape_cast %parallel_loop3A_534 : vector<16xf32> to vector<16xf32>
      tpu.vector_store %arg10[%parallel_loop3A_535], %parallel_loop3A_538 {strides = array<i32>} : memref<16000xf32, #tpu.memory_space<vmem>>, vector<16xf32>,
      %parallel_loop3A_539 = arith.mulf %get3A_56, %parallel_loop3A_531 : vector<16xf32>
      %parallel_loop3A_540 = arith.mulf %get3A_59, %parallel_loop3A_528 : vector<16xf32>
      %parallel_loop3A_541 = arith.addf %parallel_loop3A_539, %parallel_loop3A_540 : vector<16xf32>
      %parallel_loop3A_542 = arith.index_cast %parallel_loop3A_525 : i32 to index
      %parallel_loop3A_543 = tpu.vector_load %arg14[%parallel_loop3A_542] {strides = array<i32>} : memref<16000xf32, #tpu.memory_space<vmem>>, vector<16xf32>,
      %parallel_loop3A_544 = vector.shape_cast %parallel_loop3A_543 : vector<16xf32> to vector<16xf32>
      %parallel_loop3A_545 = vector.shape_cast %parallel_loop3A_541 : vector<16xf32> to vector<16xf32>
      tpu.vector_store %arg14[%parallel_loop3A_542], %parallel_loop3A_545 {strides = array<i32>} : memref<16000xf32, #tpu.memory_space<vmem>>, vector<16xf32>,
    } {sc.loop_unroll_factor = 8 : i64, sc.parallel_access}
    %dma_start3A_181 = arith.constant 48000 : i32
    %dma_start3A_182 = tpu.memref_slice %arg5[%add3A, %dma_start3A_181] : memref<64x160000xf32, #tpu.memory_space<hbm>> -> memref<1x16000xf32, #tpu.memory_space<hbm>>
    %dma_start3A_183 = tpu.memref_squeeze %dma_start3A_182 : memref<1x16000xf32, #tpu.memory_space<hbm>> -> memref<16000xf32, #tpu.memory_space<hbm>>
    %dma_start3A_184 = arith.constant 48000 : i32
    %dma_start3A_185 = tpu.memref_slice %arg5[%add3A, %dma_start3A_184] : memref<64x160000xf32, #tpu.memory_space<hbm>> -> memref<1x16000xf32, #tpu.memory_space<hbm>>
    %dma_start3A_186 = tpu.memref_squeeze %dma_start3A_185 : memref<1x16000xf32, #tpu.memory_space<hbm>> -> memref<16000xf32, #tpu.memory_space<hbm>>
    tpu.enqueue_dma source(%arg10 : memref<16000xf32, #tpu.memory_space<vmem>>) target(%dma_start3A_186 : memref<16000xf32, #tpu.memory_space<hbm>>) target_semaphore(%arg30 : memref<!tpu.dma_semaphore, #tpu.memory_space<semaphore_mem>>)
    %dma_start3A_187 = arith.constant 48000 : i32
    %dma_start3A_188 = tpu.memref_slice %arg5[%sub3A_1, %dma_start3A_187] : memref<64x160000xf32, #tpu.memory_space<hbm>> -> memref<1x16000xf32, #tpu.memory_space<hbm>>
    %dma_start3A_189 = tpu.memref_squeeze %dma_start3A_188 : memref<1x16000xf32, #tpu.memory_space<hbm>> -> memref<16000xf32, #tpu.memory_space<hbm>>
    %dma_start3A_190 = arith.constant 48000 : i32
    %dma_start3A_191 = tpu.memref_slice %arg5[%sub3A_1, %dma_start3A_190] : memref<64x160000xf32, #tpu.memory_space<hbm>> -> memref<1x16000xf32, #tpu.memory_space<hbm>>
    %dma_start3A_192 = tpu.memref_squeeze %dma_start3A_191 : memref<1x16000xf32, #tpu.memory_space<hbm>> -> memref<16000xf32, #tpu.memory_space<hbm>>
    tpu.enqueue_dma source(%arg14 : memref<16000xf32, #tpu.memory_space<vmem>>) target(%dma_start3A_192 : memref<16000xf32, #tpu.memory_space<hbm>>) target_semaphore(%arg34 : memref<!tpu.dma_semaphore, #tpu.memory_space<semaphore_mem>>)
    %dma_wait3A_193 = arith.constant 16000 : i32
    %dma_wait3A_194 = tpu.memref_slice %arg5[%add3A, %dma_wait3A_193] : memref<64x160000xf32, #tpu.memory_space<hbm>> -> memref<1x16000xf32, #tpu.memory_space<hbm>>
    %dma_wait3A_195 = tpu.memref_squeeze %dma_wait3A_194 : memref<1x16000xf32, #tpu.memory_space<hbm>> -> memref<16000xf32, #tpu.memory_space<hbm>>
    %dma_wait3A_196 = arith.constant 16000 : i32
    %dma_wait3A_197 = tpu.memref_slice %arg5[%add3A, %dma_wait3A_196] : memref<64x160000xf32, #tpu.memory_space<hbm>> -> memref<1x16000xf32, #tpu.memory_space<hbm>>
    %dma_wait3A_198 = tpu.memref_squeeze %dma_wait3A_197 : memref<1x16000xf32, #tpu.memory_space<hbm>> -> memref<16000xf32, #tpu.memory_space<hbm>>
    tpu.wait_dma2 semaphore(%arg28 : memref<!tpu.dma_semaphore, #tpu.memory_space<semaphore_mem>>) src(%arg8 : memref<16000xf32, #tpu.memory_space<vmem>>) dst(%dma_wait3A_198 : memref<16000xf32, #tpu.memory_space<hbm>>)
    %dma_wait3A_199 = arith.constant 16000 : i32
    %dma_wait3A_200 = tpu.memref_slice %arg5[%sub3A_1, %dma_wait3A_199] : memref<64x160000xf32, #tpu.memory_space<hbm>> -> memref<1x16000xf32, #tpu.memory_space<hbm>>
    %dma_wait3A_201 = tpu.memref_squeeze %dma_wait3A_200 : memref<1x16000xf32, #tpu.memory_space<hbm>> -> memref<16000xf32, #tpu.memory_space<hbm>>
    %dma_wait3A_202 = arith.constant 16000 : i32
    %dma_wait3A_203 = tpu.memref_slice %arg5[%sub3A_1, %dma_wait3A_202] : memref<64x160000xf32, #tpu.memory_space<hbm>> -> memref<1x16000xf32, #tpu.memory_space<hbm>>
    %dma_wait3A_204 = tpu.memref_squeeze %dma_wait3A_203 : memref<1x16000xf32, #tpu.memory_space<hbm>> -> memref<16000xf32, #tpu.memory_space<hbm>>
    tpu.wait_dma2 semaphore(%arg32 : memref<!tpu.dma_semaphore, #tpu.memory_space<semaphore_mem>>) src(%arg12 : memref<16000xf32, #tpu.memory_space<vmem>>) dst(%dma_wait3A_204 : memref<16000xf32, #tpu.memory_space<hbm>>)
    %dma_start3A_205 = arith.constant 80000 : i32
    %dma_start3A_206 = tpu.memref_slice %arg2[%add3A, %dma_start3A_205] : memref<64x160000xf32, #tpu.memory_space<hbm>> -> memref<1x16000xf32, #tpu.memory_space<hbm>>
    %dma_start3A_207 = tpu.memref_squeeze %dma_start3A_206 : memref<1x16000xf32, #tpu.memory_space<hbm>> -> memref<16000xf32, #tpu.memory_space<hbm>>
    %dma_start3A_208 = arith.constant 80000 : i32
    %dma_start3A_209 = tpu.memref_slice %arg2[%add3A, %dma_start3A_208] : memref<64x160000xf32, #tpu.memory_space<hbm>> -> memref<1x16000xf32, #tpu.memory_space<hbm>>
    %dma_start3A_210 = tpu.memref_squeeze %dma_start3A_209 : memref<1x16000xf32, #tpu.memory_space<hbm>> -> memref<16000xf32, #tpu.memory_space<hbm>>
    tpu.enqueue_dma source(%dma_start3A_210 : memref<16000xf32, #tpu.memory_space<hbm>>) target(%arg8 : memref<16000xf32, #tpu.memory_space<vmem>>) target_semaphore(%arg20 : memref<!tpu.dma_semaphore, #tpu.memory_space<semaphore_mem>>)
    %dma_start3A_211 = arith.constant 80000 : i32
    %dma_start3A_212 = tpu.memref_slice %arg2[%sub3A_1, %dma_start3A_211] : memref<64x160000xf32, #tpu.memory_space<hbm>> -> memref<1x16000xf32, #tpu.memory_space<hbm>>
    %dma_start3A_213 = tpu.memref_squeeze %dma_start3A_212 : memref<1x16000xf32, #tpu.memory_space<hbm>> -> memref<16000xf32, #tpu.memory_space<hbm>>
    %dma_start3A_214 = arith.constant 80000 : i32
    %dma_start3A_215 = tpu.memref_slice %arg2[%sub3A_1, %dma_start3A_214] : memref<64x160000xf32, #tpu.memory_space<hbm>> -> memref<1x16000xf32, #tpu.memory_space<hbm>>
    %dma_start3A_216 = tpu.memref_squeeze %dma_start3A_215 : memref<1x16000xf32, #tpu.memory_space<hbm>> -> memref<16000xf32, #tpu.memory_space<hbm>>
    tpu.enqueue_dma source(%dma_start3A_216 : memref<16000xf32, #tpu.memory_space<hbm>>) target(%arg12 : memref<16000xf32, #tpu.memory_space<vmem>>) target_semaphore(%arg24 : memref<!tpu.dma_semaphore, #tpu.memory_space<semaphore_mem>>)
    %dma_wait3A_217 = arith.constant 64000 : i32
    %dma_wait3A_218 = tpu.memref_slice %arg2[%add3A, %dma_wait3A_217] : memref<64x160000xf32, #tpu.memory_space<hbm>> -> memref<1x16000xf32, #tpu.memory_space<hbm>>
    %dma_wait3A_219 = tpu.memref_squeeze %dma_wait3A_218 : memref<1x16000xf32, #tpu.memory_space<hbm>> -> memref<16000xf32, #tpu.memory_space<hbm>>
    %dma_wait3A_220 = arith.constant 64000 : i32
    %dma_wait3A_221 = tpu.memref_slice %arg2[%add3A, %dma_wait3A_220] : memref<64x160000xf32, #tpu.memory_space<hbm>> -> memref<1x16000xf32, #tpu.memory_space<hbm>>
    %dma_wait3A_222 = tpu.memref_squeeze %dma_wait3A_221 : memref<1x16000xf32, #tpu.memory_space<hbm>> -> memref<16000xf32, #tpu.memory_space<hbm>>
    tpu.wait_dma2 semaphore(%arg19 : memref<!tpu.dma_semaphore, #tpu.memory_space<semaphore_mem>>) src(%dma_wait3A_222 : memref<16000xf32, #tpu.memory_space<hbm>>) dst(%arg7 : memref<16000xf32, #tpu.memory_space<vmem>>)
    %dma_wait3A_223 = arith.constant 64000 : i32
    %dma_wait3A_224 = tpu.memref_slice %arg2[%sub3A_1, %dma_wait3A_223] : memref<64x160000xf32, #tpu.memory_space<hbm>> -> memref<1x16000xf32, #tpu.memory_space<hbm>>
    %dma_wait3A_225 = tpu.memref_squeeze %dma_wait3A_224 : memref<1x16000xf32, #tpu.memory_space<hbm>> -> memref<16000xf32, #tpu.memory_space<hbm>>
    %dma_wait3A_226 = arith.constant 64000 : i32
    %dma_wait3A_227 = tpu.memref_slice %arg2[%sub3A_1, %dma_wait3A_226] : memref<64x160000xf32, #tpu.memory_space<hbm>> -> memref<1x16000xf32, #tpu.memory_space<hbm>>
    %dma_wait3A_228 = tpu.memref_squeeze %dma_wait3A_227 : memref<1x16000xf32, #tpu.memory_space<hbm>> -> memref<16000xf32, #tpu.memory_space<hbm>>
    tpu.wait_dma2 semaphore(%arg23 : memref<!tpu.dma_semaphore, #tpu.memory_space<semaphore_mem>>) src(%dma_wait3A_228 : memref<16000xf32, #tpu.memory_space<hbm>>) dst(%arg11 : memref<16000xf32, #tpu.memory_space<vmem>>)
    %parallel_loop3A_229 = arith.constant 0 : i32
    %parallel_loop3A_230 = arith.constant 1000 : i32
    %parallel_loop3A_231 = arith.constant 1 : i32
    scf.for %parallel_loop3A_523 = %parallel_loop3A_229 to %parallel_loop3A_230 step %parallel_loop3A_231  : i32 {
      %parallel_loop3A_524 = arith.constant 16 : i32
      %parallel_loop3A_525 = arith.muli %parallel_loop3A_523, %parallel_loop3A_524 : i32
      %parallel_loop3A_526 = arith.index_cast %parallel_loop3A_525 : i32 to index
      %parallel_loop3A_527 = tpu.vector_load %arg7[%parallel_loop3A_526] {strides = array<i32>} : memref<16000xf32, #tpu.memory_space<vmem>>, vector<16xf32>,
      %parallel_loop3A_528 = vector.shape_cast %parallel_loop3A_527 : vector<16xf32> to vector<16xf32>
      %parallel_loop3A_529 = arith.index_cast %parallel_loop3A_525 : i32 to index
      %parallel_loop3A_530 = tpu.vector_load %arg11[%parallel_loop3A_529] {strides = array<i32>} : memref<16000xf32, #tpu.memory_space<vmem>>, vector<16xf32>,
      %parallel_loop3A_531 = vector.shape_cast %parallel_loop3A_530 : vector<16xf32> to vector<16xf32>
      %parallel_loop3A_532 = arith.mulf %get3A_50, %parallel_loop3A_528 : vector<16xf32>
      %parallel_loop3A_533 = arith.mulf %get3A_53, %parallel_loop3A_531 : vector<16xf32>
      %parallel_loop3A_534 = arith.addf %parallel_loop3A_532, %parallel_loop3A_533 : vector<16xf32>
      %parallel_loop3A_535 = arith.index_cast %parallel_loop3A_525 : i32 to index
      %parallel_loop3A_536 = tpu.vector_load %arg7[%parallel_loop3A_535] {strides = array<i32>} : memref<16000xf32, #tpu.memory_space<vmem>>, vector<16xf32>,
      %parallel_loop3A_537 = vector.shape_cast %parallel_loop3A_536 : vector<16xf32> to vector<16xf32>
      %parallel_loop3A_538 = vector.shape_cast %parallel_loop3A_534 : vector<16xf32> to vector<16xf32>
      tpu.vector_store %arg7[%parallel_loop3A_535], %parallel_loop3A_538 {strides = array<i32>} : memref<16000xf32, #tpu.memory_space<vmem>>, vector<16xf32>,
      %parallel_loop3A_539 = arith.mulf %get3A_56, %parallel_loop3A_531 : vector<16xf32>
      %parallel_loop3A_540 = arith.mulf %get3A_59, %parallel_loop3A_528 : vector<16xf32>
      %parallel_loop3A_541 = arith.addf %parallel_loop3A_539, %parallel_loop3A_540 : vector<16xf32>
      %parallel_loop3A_542 = arith.index_cast %parallel_loop3A_525 : i32 to index
      %parallel_loop3A_543 = tpu.vector_load %arg11[%parallel_loop3A_542] {strides = array<i32>} : memref<16000xf32, #tpu.memory_space<vmem>>, vector<16xf32>,
      %parallel_loop3A_544 = vector.shape_cast %parallel_loop3A_543 : vector<16xf32> to vector<16xf32>
      %parallel_loop3A_545 = vector.shape_cast %parallel_loop3A_541 : vector<16xf32> to vector<16xf32>
      tpu.vector_store %arg11[%parallel_loop3A_542], %parallel_loop3A_545 {strides = array<i32>} : memref<16000xf32, #tpu.memory_space<vmem>>, vector<16xf32>,
    } {sc.loop_unroll_factor = 8 : i64, sc.parallel_access}
    %dma_start3A_232 = arith.constant 64000 : i32
    %dma_start3A_233 = tpu.memref_slice %arg5[%add3A, %dma_start3A_232] : memref<64x160000xf32, #tpu.memory_space<hbm>> -> memref<1x16000xf32, #tpu.memory_space<hbm>>
    %dma_start3A_234 = tpu.memref_squeeze %dma_start3A_233 : memref<1x16000xf32, #tpu.memory_space<hbm>> -> memref<16000xf32, #tpu.memory_space<hbm>>
    %dma_start3A_235 = arith.constant 64000 : i32
    %dma_start3A_236 = tpu.memref_slice %arg5[%add3A, %dma_start3A_235] : memref<64x160000xf32, #tpu.memory_space<hbm>> -> memref<1x16000xf32, #tpu.memory_space<hbm>>
    %dma_start3A_237 = tpu.memref_squeeze %dma_start3A_236 : memref<1x16000xf32, #tpu.memory_space<hbm>> -> memref<16000xf32, #tpu.memory_space<hbm>>
    tpu.enqueue_dma source(%arg7 : memref<16000xf32, #tpu.memory_space<vmem>>) target(%dma_start3A_237 : memref<16000xf32, #tpu.memory_space<hbm>>) target_semaphore(%arg27 : memref<!tpu.dma_semaphore, #tpu.memory_space<semaphore_mem>>)
    %dma_start3A_238 = arith.constant 64000 : i32
    %dma_start3A_239 = tpu.memref_slice %arg5[%sub3A_1, %dma_start3A_238] : memref<64x160000xf32, #tpu.memory_space<hbm>> -> memref<1x16000xf32, #tpu.memory_space<hbm>>
    %dma_start3A_240 = tpu.memref_squeeze %dma_start3A_239 : memref<1x16000xf32, #tpu.memory_space<hbm>> -> memref<16000xf32, #tpu.memory_space<hbm>>
    %dma_start3A_241 = arith.constant 64000 : i32
    %dma_start3A_242 = tpu.memref_slice %arg5[%sub3A_1, %dma_start3A_241] : memref<64x160000xf32, #tpu.memory_space<hbm>> -> memref<1x16000xf32, #tpu.memory_space<hbm>>
    %dma_start3A_243 = tpu.memref_squeeze %dma_start3A_242 : memref<1x16000xf32, #tpu.memory_space<hbm>> -> memref<16000xf32, #tpu.memory_space<hbm>>
    tpu.enqueue_dma source(%arg11 : memref<16000xf32, #tpu.memory_space<vmem>>) target(%dma_start3A_243 : memref<16000xf32, #tpu.memory_space<hbm>>) target_semaphore(%arg31 : memref<!tpu.dma_semaphore, #tpu.memory_space<semaphore_mem>>)
    %dma_wait3A_244 = arith.constant 32000 : i32
    %dma_wait3A_245 = tpu.memref_slice %arg5[%add3A, %dma_wait3A_244] : memref<64x160000xf32, #tpu.memory_space<hbm>> -> memref<1x16000xf32, #tpu.memory_space<hbm>>
    %dma_wait3A_246 = tpu.memref_squeeze %dma_wait3A_245 : memref<1x16000xf32, #tpu.memory_space<hbm>> -> memref<16000xf32, #tpu.memory_space<hbm>>
    %dma_wait3A_247 = arith.constant 32000 : i32
    %dma_wait3A_248 = tpu.memref_slice %arg5[%add3A, %dma_wait3A_247] : memref<64x160000xf32, #tpu.memory_space<hbm>> -> memref<1x16000xf32, #tpu.memory_space<hbm>>
    %dma_wait3A_249 = tpu.memref_squeeze %dma_wait3A_248 : memref<1x16000xf32, #tpu.memory_space<hbm>> -> memref<16000xf32, #tpu.memory_space<hbm>>
    tpu.wait_dma2 semaphore(%arg29 : memref<!tpu.dma_semaphore, #tpu.memory_space<semaphore_mem>>) src(%arg9 : memref<16000xf32, #tpu.memory_space<vmem>>) dst(%dma_wait3A_249 : memref<16000xf32, #tpu.memory_space<hbm>>)
    %dma_wait3A_250 = arith.constant 32000 : i32
    %dma_wait3A_251 = tpu.memref_slice %arg5[%sub3A_1, %dma_wait3A_250] : memref<64x160000xf32, #tpu.memory_space<hbm>> -> memref<1x16000xf32, #tpu.memory_space<hbm>>
    %dma_wait3A_252 = tpu.memref_squeeze %dma_wait3A_251 : memref<1x16000xf32, #tpu.memory_space<hbm>> -> memref<16000xf32, #tpu.memory_space<hbm>>
    %dma_wait3A_253 = arith.constant 32000 : i32
    %dma_wait3A_254 = tpu.memref_slice %arg5[%sub3A_1, %dma_wait3A_253] : memref<64x160000xf32, #tpu.memory_space<hbm>> -> memref<1x16000xf32, #tpu.memory_space<hbm>>
    %dma_wait3A_255 = tpu.memref_squeeze %dma_wait3A_254 : memref<1x16000xf32, #tpu.memory_space<hbm>> -> memref<16000xf32, #tpu.memory_space<hbm>>
    tpu.wait_dma2 semaphore(%arg33 : memref<!tpu.dma_semaphore, #tpu.memory_space<semaphore_mem>>) src(%arg13 : memref<16000xf32, #tpu.memory_space<vmem>>) dst(%dma_wait3A_255 : memref<16000xf32, #tpu.memory_space<hbm>>)
    %dma_start3A_256 = arith.constant 96000 : i32
    %dma_start3A_257 = tpu.memref_slice %arg2[%add3A, %dma_start3A_256] : memref<64x160000xf32, #tpu.memory_space<hbm>> -> memref<1x16000xf32, #tpu.memory_space<hbm>>
    %dma_start3A_258 = tpu.memref_squeeze %dma_start3A_257 : memref<1x16000xf32, #tpu.memory_space<hbm>> -> memref<16000xf32, #tpu.memory_space<hbm>>
    %dma_start3A_259 = arith.constant 96000 : i32
    %dma_start3A_260 = tpu.memref_slice %arg2[%add3A, %dma_start3A_259] : memref<64x160000xf32, #tpu.memory_space<hbm>> -> memref<1x16000xf32, #tpu.memory_space<hbm>>
    %dma_start3A_261 = tpu.memref_squeeze %dma_start3A_260 : memref<1x16000xf32, #tpu.memory_space<hbm>> -> memref<16000xf32, #tpu.memory_space<hbm>>
    tpu.enqueue_dma source(%dma_start3A_261 : memref<16000xf32, #tpu.memory_space<hbm>>) target(%arg9 : memref<16000xf32, #tpu.memory_space<vmem>>) target_semaphore(%arg21 : memref<!tpu.dma_semaphore, #tpu.memory_space<semaphore_mem>>)
    %dma_start3A_262 = arith.constant 96000 : i32
    %dma_start3A_263 = tpu.memref_slice %arg2[%sub3A_1, %dma_start3A_262] : memref<64x160000xf32, #tpu.memory_space<hbm>> -> memref<1x16000xf32, #tpu.memory_space<hbm>>
    %dma_start3A_264 = tpu.memref_squeeze %dma_start3A_263 : memref<1x16000xf32, #tpu.memory_space<hbm>> -> memref<16000xf32, #tpu.memory_space<hbm>>
    %dma_start3A_265 = arith.constant 96000 : i32
    %dma_start3A_266 = tpu.memref_slice %arg2[%sub3A_1, %dma_start3A_265] : memref<64x160000xf32, #tpu.memory_space<hbm>> -> memref<1x16000xf32, #tpu.memory_space<hbm>>
    %dma_start3A_267 = tpu.memref_squeeze %dma_start3A_266 : memref<1x16000xf32, #tpu.memory_space<hbm>> -> memref<16000xf32, #tpu.memory_space<hbm>>
    tpu.enqueue_dma source(%dma_start3A_267 : memref<16000xf32, #tpu.memory_space<hbm>>) target(%arg13 : memref<16000xf32, #tpu.memory_space<vmem>>) target_semaphore(%arg25 : memref<!tpu.dma_semaphore, #tpu.memory_space<semaphore_mem>>)
    %dma_wait3A_268 = arith.constant 80000 : i32
    %dma_wait3A_269 = tpu.memref_slice %arg2[%add3A, %dma_wait3A_268] : memref<64x160000xf32, #tpu.memory_space<hbm>> -> memref<1x16000xf32, #tpu.memory_space<hbm>>
    %dma_wait3A_270 = tpu.memref_squeeze %dma_wait3A_269 : memref<1x16000xf32, #tpu.memory_space<hbm>> -> memref<16000xf32, #tpu.memory_space<hbm>>
    %dma_wait3A_271 = arith.constant 80000 : i32
    %dma_wait3A_272 = tpu.memref_slice %arg2[%add3A, %dma_wait3A_271] : memref<64x160000xf32, #tpu.memory_space<hbm>> -> memref<1x16000xf32, #tpu.memory_space<hbm>>
    %dma_wait3A_273 = tpu.memref_squeeze %dma_wait3A_272 : memref<1x16000xf32, #tpu.memory_space<hbm>> -> memref<16000xf32, #tpu.memory_space<hbm>>
    tpu.wait_dma2 semaphore(%arg20 : memref<!tpu.dma_semaphore, #tpu.memory_space<semaphore_mem>>) src(%dma_wait3A_273 : memref<16000xf32, #tpu.memory_space<hbm>>) dst(%arg8 : memref<16000xf32, #tpu.memory_space<vmem>>)
    %dma_wait3A_274 = arith.constant 80000 : i32
    %dma_wait3A_275 = tpu.memref_slice %arg2[%sub3A_1, %dma_wait3A_274] : memref<64x160000xf32, #tpu.memory_space<hbm>> -> memref<1x16000xf32, #tpu.memory_space<hbm>>
    %dma_wait3A_276 = tpu.memref_squeeze %dma_wait3A_275 : memref<1x16000xf32, #tpu.memory_space<hbm>> -> memref<16000xf32, #tpu.memory_space<hbm>>
    %dma_wait3A_277 = arith.constant 80000 : i32
    %dma_wait3A_278 = tpu.memref_slice %arg2[%sub3A_1, %dma_wait3A_277] : memref<64x160000xf32, #tpu.memory_space<hbm>> -> memref<1x16000xf32, #tpu.memory_space<hbm>>
    %dma_wait3A_279 = tpu.memref_squeeze %dma_wait3A_278 : memref<1x16000xf32, #tpu.memory_space<hbm>> -> memref<16000xf32, #tpu.memory_space<hbm>>
    tpu.wait_dma2 semaphore(%arg24 : memref<!tpu.dma_semaphore, #tpu.memory_space<semaphore_mem>>) src(%dma_wait3A_279 : memref<16000xf32, #tpu.memory_space<hbm>>) dst(%arg12 : memref<16000xf32, #tpu.memory_space<vmem>>)
    %parallel_loop3A_280 = arith.constant 0 : i32
    %parallel_loop3A_281 = arith.constant 1000 : i32
    %parallel_loop3A_282 = arith.constant 1 : i32
    scf.for %parallel_loop3A_523 = %parallel_loop3A_280 to %parallel_loop3A_281 step %parallel_loop3A_282  : i32 {
      %parallel_loop3A_524 = arith.constant 16 : i32
      %parallel_loop3A_525 = arith.muli %parallel_loop3A_523, %parallel_loop3A_524 : i32
      %parallel_loop3A_526 = arith.index_cast %parallel_loop3A_525 : i32 to index
      %parallel_loop3A_527 = tpu.vector_load %arg8[%parallel_loop3A_526] {strides = array<i32>} : memref<16000xf32, #tpu.memory_space<vmem>>, vector<16xf32>,
      %parallel_loop3A_528 = vector.shape_cast %parallel_loop3A_527 : vector<16xf32> to vector<16xf32>
      %parallel_loop3A_529 = arith.index_cast %parallel_loop3A_525 : i32 to index
      %parallel_loop3A_530 = tpu.vector_load %arg12[%parallel_loop3A_529] {strides = array<i32>} : memref<16000xf32, #tpu.memory_space<vmem>>, vector<16xf32>,
      %parallel_loop3A_531 = vector.shape_cast %parallel_loop3A_530 : vector<16xf32> to vector<16xf32>
      %parallel_loop3A_532 = arith.mulf %get3A_50, %parallel_loop3A_528 : vector<16xf32>
      %parallel_loop3A_533 = arith.mulf %get3A_53, %parallel_loop3A_531 : vector<16xf32>
      %parallel_loop3A_534 = arith.addf %parallel_loop3A_532, %parallel_loop3A_533 : vector<16xf32>
      %parallel_loop3A_535 = arith.index_cast %parallel_loop3A_525 : i32 to index
      %parallel_loop3A_536 = tpu.vector_load %arg8[%parallel_loop3A_535] {strides = array<i32>} : memref<16000xf32, #tpu.memory_space<vmem>>, vector<16xf32>,
      %parallel_loop3A_537 = vector.shape_cast %parallel_loop3A_536 : vector<16xf32> to vector<16xf32>
      %parallel_loop3A_538 = vector.shape_cast %parallel_loop3A_534 : vector<16xf32> to vector<16xf32>
      tpu.vector_store %arg8[%parallel_loop3A_535], %parallel_loop3A_538 {strides = array<i32>} : memref<16000xf32, #tpu.memory_space<vmem>>, vector<16xf32>,
      %parallel_loop3A_539 = arith.mulf %get3A_56, %parallel_loop3A_531 : vector<16xf32>
      %parallel_loop3A_540 = arith.mulf %get3A_59, %parallel_loop3A_528 : vector<16xf32>
      %parallel_loop3A_541 = arith.addf %parallel_loop3A_539, %parallel_loop3A_540 : vector<16xf32>
      %parallel_loop3A_542 = arith.index_cast %parallel_loop3A_525 : i32 to index
      %parallel_loop3A_543 = tpu.vector_load %arg12[%parallel_loop3A_542] {strides = array<i32>} : memref<16000xf32, #tpu.memory_space<vmem>>, vector<16xf32>,
      %parallel_loop3A_544 = vector.shape_cast %parallel_loop3A_543 : vector<16xf32> to vector<16xf32>
      %parallel_loop3A_545 = vector.shape_cast %parallel_loop3A_541 : vector<16xf32> to vector<16xf32>
      tpu.vector_store %arg12[%parallel_loop3A_542], %parallel_loop3A_545 {strides = array<i32>} : memref<16000xf32, #tpu.memory_space<vmem>>, vector<16xf32>,
    } {sc.loop_unroll_factor = 8 : i64, sc.parallel_access}
    %dma_start3A_283 = arith.constant 80000 : i32
    %dma_start3A_284 = tpu.memref_slice %arg5[%add3A, %dma_start3A_283] : memref<64x160000xf32, #tpu.memory_space<hbm>> -> memref<1x16000xf32, #tpu.memory_space<hbm>>
    %dma_start3A_285 = tpu.memref_squeeze %dma_start3A_284 : memref<1x16000xf32, #tpu.memory_space<hbm>> -> memref<16000xf32, #tpu.memory_space<hbm>>
    %dma_start3A_286 = arith.constant 80000 : i32
    %dma_start3A_287 = tpu.memref_slice %arg5[%add3A, %dma_start3A_286] : memref<64x160000xf32, #tpu.memory_space<hbm>> -> memref<1x16000xf32, #tpu.memory_space<hbm>>
    %dma_start3A_288 = tpu.memref_squeeze %dma_start3A_287 : memref<1x16000xf32, #tpu.memory_space<hbm>> -> memref<16000xf32, #tpu.memory_space<hbm>>
    tpu.enqueue_dma source(%arg8 : memref<16000xf32, #tpu.memory_space<vmem>>) target(%dma_start3A_288 : memref<16000xf32, #tpu.memory_space<hbm>>) target_semaphore(%arg28 : memref<!tpu.dma_semaphore, #tpu.memory_space<semaphore_mem>>)
    %dma_start3A_289 = arith.constant 80000 : i32
    %dma_start3A_290 = tpu.memref_slice %arg5[%sub3A_1, %dma_start3A_289] : memref<64x160000xf32, #tpu.memory_space<hbm>> -> memref<1x16000xf32, #tpu.memory_space<hbm>>
    %dma_start3A_291 = tpu.memref_squeeze %dma_start3A_290 : memref<1x16000xf32, #tpu.memory_space<hbm>> -> memref<16000xf32, #tpu.memory_space<hbm>>
    %dma_start3A_292 = arith.constant 80000 : i32
    %dma_start3A_293 = tpu.memref_slice %arg5[%sub3A_1, %dma_start3A_292] : memref<64x160000xf32, #tpu.memory_space<hbm>> -> memref<1x16000xf32, #tpu.memory_space<hbm>>
    %dma_start3A_294 = tpu.memref_squeeze %dma_start3A_293 : memref<1x16000xf32, #tpu.memory_space<hbm>> -> memref<16000xf32, #tpu.memory_space<hbm>>
    tpu.enqueue_dma source(%arg12 : memref<16000xf32, #tpu.memory_space<vmem>>) target(%dma_start3A_294 : memref<16000xf32, #tpu.memory_space<hbm>>) target_semaphore(%arg32 : memref<!tpu.dma_semaphore, #tpu.memory_space<semaphore_mem>>)
    %dma_wait3A_295 = arith.constant 48000 : i32
    %dma_wait3A_296 = tpu.memref_slice %arg5[%add3A, %dma_wait3A_295] : memref<64x160000xf32, #tpu.memory_space<hbm>> -> memref<1x16000xf32, #tpu.memory_space<hbm>>
    %dma_wait3A_297 = tpu.memref_squeeze %dma_wait3A_296 : memref<1x16000xf32, #tpu.memory_space<hbm>> -> memref<16000xf32, #tpu.memory_space<hbm>>
    %dma_wait3A_298 = arith.constant 48000 : i32
    %dma_wait3A_299 = tpu.memref_slice %arg5[%add3A, %dma_wait3A_298] : memref<64x160000xf32, #tpu.memory_space<hbm>> -> memref<1x16000xf32, #tpu.memory_space<hbm>>
    %dma_wait3A_300 = tpu.memref_squeeze %dma_wait3A_299 : memref<1x16000xf32, #tpu.memory_space<hbm>> -> memref<16000xf32, #tpu.memory_space<hbm>>
    tpu.wait_dma2 semaphore(%arg30 : memref<!tpu.dma_semaphore, #tpu.memory_space<semaphore_mem>>) src(%arg10 : memref<16000xf32, #tpu.memory_space<vmem>>) dst(%dma_wait3A_300 : memref<16000xf32, #tpu.memory_space<hbm>>)
    %dma_wait3A_301 = arith.constant 48000 : i32
    %dma_wait3A_302 = tpu.memref_slice %arg5[%sub3A_1, %dma_wait3A_301] : memref<64x160000xf32, #tpu.memory_space<hbm>> -> memref<1x16000xf32, #tpu.memory_space<hbm>>
    %dma_wait3A_303 = tpu.memref_squeeze %dma_wait3A_302 : memref<1x16000xf32, #tpu.memory_space<hbm>> -> memref<16000xf32, #tpu.memory_space<hbm>>
    %dma_wait3A_304 = arith.constant 48000 : i32
    %dma_wait3A_305 = tpu.memref_slice %arg5[%sub3A_1, %dma_wait3A_304] : memref<64x160000xf32, #tpu.memory_space<hbm>> -> memref<1x16000xf32, #tpu.memory_space<hbm>>
    %dma_wait3A_306 = tpu.memref_squeeze %dma_wait3A_305 : memref<1x16000xf32, #tpu.memory_space<hbm>> -> memref<16000xf32, #tpu.memory_space<hbm>>
    tpu.wait_dma2 semaphore(%arg34 : memref<!tpu.dma_semaphore, #tpu.memory_space<semaphore_mem>>) src(%arg14 : memref<16000xf32, #tpu.memory_space<vmem>>) dst(%dma_wait3A_306 : memref<16000xf32, #tpu.memory_space<hbm>>)
    %dma_start3A_307 = arith.constant 112000 : i32
    %dma_start3A_308 = tpu.memref_slice %arg2[%add3A, %dma_start3A_307] : memref<64x160000xf32, #tpu.memory_space<hbm>> -> memref<1x16000xf32, #tpu.memory_space<hbm>>
    %dma_start3A_309 = tpu.memref_squeeze %dma_start3A_308 : memref<1x16000xf32, #tpu.memory_space<hbm>> -> memref<16000xf32, #tpu.memory_space<hbm>>
    %dma_start3A_310 = arith.constant 112000 : i32
    %dma_start3A_311 = tpu.memref_slice %arg2[%add3A, %dma_start3A_310] : memref<64x160000xf32, #tpu.memory_space<hbm>> -> memref<1x16000xf32, #tpu.memory_space<hbm>>
    %dma_start3A_312 = tpu.memref_squeeze %dma_start3A_311 : memref<1x16000xf32, #tpu.memory_space<hbm>> -> memref<16000xf32, #tpu.memory_space<hbm>>
    tpu.enqueue_dma source(%dma_start3A_312 : memref<16000xf32, #tpu.memory_space<hbm>>) target(%arg10 : memref<16000xf32, #tpu.memory_space<vmem>>) target_semaphore(%arg22 : memref<!tpu.dma_semaphore, #tpu.memory_space<semaphore_mem>>)
    %dma_start3A_313 = arith.constant 112000 : i32
    %dma_start3A_314 = tpu.memref_slice %arg2[%sub3A_1, %dma_start3A_313] : memref<64x160000xf32, #tpu.memory_space<hbm>> -> memref<1x16000xf32, #tpu.memory_space<hbm>>
    %dma_start3A_315 = tpu.memref_squeeze %dma_start3A_314 : memref<1x16000xf32, #tpu.memory_space<hbm>> -> memref<16000xf32, #tpu.memory_space<hbm>>
    %dma_start3A_316 = arith.constant 112000 : i32
    %dma_start3A_317 = tpu.memref_slice %arg2[%sub3A_1, %dma_start3A_316] : memref<64x160000xf32, #tpu.memory_space<hbm>> -> memref<1x16000xf32, #tpu.memory_space<hbm>>
    %dma_start3A_318 = tpu.memref_squeeze %dma_start3A_317 : memref<1x16000xf32, #tpu.memory_space<hbm>> -> memref<16000xf32, #tpu.memory_space<hbm>>
    tpu.enqueue_dma source(%dma_start3A_318 : memref<16000xf32, #tpu.memory_space<hbm>>) target(%arg14 : memref<16000xf32, #tpu.memory_space<vmem>>) target_semaphore(%arg26 : memref<!tpu.dma_semaphore, #tpu.memory_space<semaphore_mem>>)
    %dma_wait3A_319 = arith.constant 96000 : i32
    %dma_wait3A_320 = tpu.memref_slice %arg2[%add3A, %dma_wait3A_319] : memref<64x160000xf32, #tpu.memory_space<hbm>> -> memref<1x16000xf32, #tpu.memory_space<hbm>>
    %dma_wait3A_321 = tpu.memref_squeeze %dma_wait3A_320 : memref<1x16000xf32, #tpu.memory_space<hbm>> -> memref<16000xf32, #tpu.memory_space<hbm>>
    %dma_wait3A_322 = arith.constant 96000 : i32
    %dma_wait3A_323 = tpu.memref_slice %arg2[%add3A, %dma_wait3A_322] : memref<64x160000xf32, #tpu.memory_space<hbm>> -> memref<1x16000xf32, #tpu.memory_space<hbm>>
    %dma_wait3A_324 = tpu.memref_squeeze %dma_wait3A_323 : memref<1x16000xf32, #tpu.memory_space<hbm>> -> memref<16000xf32, #tpu.memory_space<hbm>>
    tpu.wait_dma2 semaphore(%arg21 : memref<!tpu.dma_semaphore, #tpu.memory_space<semaphore_mem>>) src(%dma_wait3A_324 : memref<16000xf32, #tpu.memory_space<hbm>>) dst(%arg9 : memref<16000xf32, #tpu.memory_space<vmem>>)
    %dma_wait3A_325 = arith.constant 96000 : i32
    %dma_wait3A_326 = tpu.memref_slice %arg2[%sub3A_1, %dma_wait3A_325] : memref<64x160000xf32, #tpu.memory_space<hbm>> -> memref<1x16000xf32, #tpu.memory_space<hbm>>
    %dma_wait3A_327 = tpu.memref_squeeze %dma_wait3A_326 : memref<1x16000xf32, #tpu.memory_space<hbm>> -> memref<16000xf32, #tpu.memory_space<hbm>>
    %dma_wait3A_328 = arith.constant 96000 : i32
    %dma_wait3A_329 = tpu.memref_slice %arg2[%sub3A_1, %dma_wait3A_328] : memref<64x160000xf32, #tpu.memory_space<hbm>> -> memref<1x16000xf32, #tpu.memory_space<hbm>>
    %dma_wait3A_330 = tpu.memref_squeeze %dma_wait3A_329 : memref<1x16000xf32, #tpu.memory_space<hbm>> -> memref<16000xf32, #tpu.memory_space<hbm>>
    tpu.wait_dma2 semaphore(%arg25 : memref<!tpu.dma_semaphore, #tpu.memory_space<semaphore_mem>>) src(%dma_wait3A_330 : memref<16000xf32, #tpu.memory_space<hbm>>) dst(%arg13 : memref<16000xf32, #tpu.memory_space<vmem>>)
    %parallel_loop3A_331 = arith.constant 0 : i32
    %parallel_loop3A_332 = arith.constant 1000 : i32
    %parallel_loop3A_333 = arith.constant 1 : i32
    scf.for %parallel_loop3A_523 = %parallel_loop3A_331 to %parallel_loop3A_332 step %parallel_loop3A_333  : i32 {
      %parallel_loop3A_524 = arith.constant 16 : i32
      %parallel_loop3A_525 = arith.muli %parallel_loop3A_523, %parallel_loop3A_524 : i32
      %parallel_loop3A_526 = arith.index_cast %parallel_loop3A_525 : i32 to index
      %parallel_loop3A_527 = tpu.vector_load %arg9[%parallel_loop3A_526] {strides = array<i32>} : memref<16000xf32, #tpu.memory_space<vmem>>, vector<16xf32>,
      %parallel_loop3A_528 = vector.shape_cast %parallel_loop3A_527 : vector<16xf32> to vector<16xf32>
      %parallel_loop3A_529 = arith.index_cast %parallel_loop3A_525 : i32 to index
      %parallel_loop3A_530 = tpu.vector_load %arg13[%parallel_loop3A_529] {strides = array<i32>} : memref<16000xf32, #tpu.memory_space<vmem>>, vector<16xf32>,
      %parallel_loop3A_531 = vector.shape_cast %parallel_loop3A_530 : vector<16xf32> to vector<16xf32>
      %parallel_loop3A_532 = arith.mulf %get3A_50, %parallel_loop3A_528 : vector<16xf32>
      %parallel_loop3A_533 = arith.mulf %get3A_53, %parallel_loop3A_531 : vector<16xf32>
      %parallel_loop3A_534 = arith.addf %parallel_loop3A_532, %parallel_loop3A_533 : vector<16xf32>
      %parallel_loop3A_535 = arith.index_cast %parallel_loop3A_525 : i32 to index
      %parallel_loop3A_536 = tpu.vector_load %arg9[%parallel_loop3A_535] {strides = array<i32>} : memref<16000xf32, #tpu.memory_space<vmem>>, vector<16xf32>,
      %parallel_loop3A_537 = vector.shape_cast %parallel_loop3A_536 : vector<16xf32> to vector<16xf32>
      %parallel_loop3A_538 = vector.shape_cast %parallel_loop3A_534 : vector<16xf32> to vector<16xf32>
      tpu.vector_store %arg9[%parallel_loop3A_535], %parallel_loop3A_538 {strides = array<i32>} : memref<16000xf32, #tpu.memory_space<vmem>>, vector<16xf32>,
      %parallel_loop3A_539 = arith.mulf %get3A_56, %parallel_loop3A_531 : vector<16xf32>
      %parallel_loop3A_540 = arith.mulf %get3A_59, %parallel_loop3A_528 : vector<16xf32>
      %parallel_loop3A_541 = arith.addf %parallel_loop3A_539, %parallel_loop3A_540 : vector<16xf32>
      %parallel_loop3A_542 = arith.index_cast %parallel_loop3A_525 : i32 to index
      %parallel_loop3A_543 = tpu.vector_load %arg13[%parallel_loop3A_542] {strides = array<i32>} : memref<16000xf32, #tpu.memory_space<vmem>>, vector<16xf32>,
      %parallel_loop3A_544 = vector.shape_cast %parallel_loop3A_543 : vector<16xf32> to vector<16xf32>
      %parallel_loop3A_545 = vector.shape_cast %parallel_loop3A_541 : vector<16xf32> to vector<16xf32>
      tpu.vector_store %arg13[%parallel_loop3A_542], %parallel_loop3A_545 {strides = array<i32>} : memref<16000xf32, #tpu.memory_space<vmem>>, vector<16xf32>,
    } {sc.loop_unroll_factor = 8 : i64, sc.parallel_access}
    %dma_start3A_334 = arith.constant 96000 : i32
    %dma_start3A_335 = tpu.memref_slice %arg5[%add3A, %dma_start3A_334] : memref<64x160000xf32, #tpu.memory_space<hbm>> -> memref<1x16000xf32, #tpu.memory_space<hbm>>
    %dma_start3A_336 = tpu.memref_squeeze %dma_start3A_335 : memref<1x16000xf32, #tpu.memory_space<hbm>> -> memref<16000xf32, #tpu.memory_space<hbm>>
    %dma_start3A_337 = arith.constant 96000 : i32
    %dma_start3A_338 = tpu.memref_slice %arg5[%add3A, %dma_start3A_337] : memref<64x160000xf32, #tpu.memory_space<hbm>> -> memref<1x16000xf32, #tpu.memory_space<hbm>>
    %dma_start3A_339 = tpu.memref_squeeze %dma_start3A_338 : memref<1x16000xf32, #tpu.memory_space<hbm>> -> memref<16000xf32, #tpu.memory_space<hbm>>
    tpu.enqueue_dma source(%arg9 : memref<16000xf32, #tpu.memory_space<vmem>>) target(%dma_start3A_339 : memref<16000xf32, #tpu.memory_space<hbm>>) target_semaphore(%arg29 : memref<!tpu.dma_semaphore, #tpu.memory_space<semaphore_mem>>)
    %dma_start3A_340 = arith.constant 96000 : i32
    %dma_start3A_341 = tpu.memref_slice %arg5[%sub3A_1, %dma_start3A_340] : memref<64x160000xf32, #tpu.memory_space<hbm>> -> memref<1x16000xf32, #tpu.memory_space<hbm>>
    %dma_start3A_342 = tpu.memref_squeeze %dma_start3A_341 : memref<1x16000xf32, #tpu.memory_space<hbm>> -> memref<16000xf32, #tpu.memory_space<hbm>>
    %dma_start3A_343 = arith.constant 96000 : i32
    %dma_start3A_344 = tpu.memref_slice %arg5[%sub3A_1, %dma_start3A_343] : memref<64x160000xf32, #tpu.memory_space<hbm>> -> memref<1x16000xf32, #tpu.memory_space<hbm>>
    %dma_start3A_345 = tpu.memref_squeeze %dma_start3A_344 : memref<1x16000xf32, #tpu.memory_space<hbm>> -> memref<16000xf32, #tpu.memory_space<hbm>>
    tpu.enqueue_dma source(%arg13 : memref<16000xf32, #tpu.memory_space<vmem>>) target(%dma_start3A_345 : memref<16000xf32, #tpu.memory_space<hbm>>) target_semaphore(%arg33 : memref<!tpu.dma_semaphore, #tpu.memory_space<semaphore_mem>>)
    %dma_wait3A_346 = arith.constant 64000 : i32
    %dma_wait3A_347 = tpu.memref_slice %arg5[%add3A, %dma_wait3A_346] : memref<64x160000xf32, #tpu.memory_space<hbm>> -> memref<1x16000xf32, #tpu.memory_space<hbm>>
    %dma_wait3A_348 = tpu.memref_squeeze %dma_wait3A_347 : memref<1x16000xf32, #tpu.memory_space<hbm>> -> memref<16000xf32, #tpu.memory_space<hbm>>
    %dma_wait3A_349 = arith.constant 64000 : i32
    %dma_wait3A_350 = tpu.memref_slice %arg5[%add3A, %dma_wait3A_349] : memref<64x160000xf32, #tpu.memory_space<hbm>> -> memref<1x16000xf32, #tpu.memory_space<hbm>>
    %dma_wait3A_351 = tpu.memref_squeeze %dma_wait3A_350 : memref<1x16000xf32, #tpu.memory_space<hbm>> -> memref<16000xf32, #tpu.memory_space<hbm>>
    tpu.wait_dma2 semaphore(%arg27 : memref<!tpu.dma_semaphore, #tpu.memory_space<semaphore_mem>>) src(%arg7 : memref<16000xf32, #tpu.memory_space<vmem>>) dst(%dma_wait3A_351 : memref<16000xf32, #tpu.memory_space<hbm>>)
    %dma_wait3A_352 = arith.constant 64000 : i32
    %dma_wait3A_353 = tpu.memref_slice %arg5[%sub3A_1, %dma_wait3A_352] : memref<64x160000xf32, #tpu.memory_space<hbm>> -> memref<1x16000xf32, #tpu.memory_space<hbm>>
    %dma_wait3A_354 = tpu.memref_squeeze %dma_wait3A_353 : memref<1x16000xf32, #tpu.memory_space<hbm>> -> memref<16000xf32, #tpu.memory_space<hbm>>
    %dma_wait3A_355 = arith.constant 64000 : i32
    %dma_wait3A_356 = tpu.memref_slice %arg5[%sub3A_1, %dma_wait3A_355] : memref<64x160000xf32, #tpu.memory_space<hbm>> -> memref<1x16000xf32, #tpu.memory_space<hbm>>
    %dma_wait3A_357 = tpu.memref_squeeze %dma_wait3A_356 : memref<1x16000xf32, #tpu.memory_space<hbm>> -> memref<16000xf32, #tpu.memory_space<hbm>>
    tpu.wait_dma2 semaphore(%arg31 : memref<!tpu.dma_semaphore, #tpu.memory_space<semaphore_mem>>) src(%arg11 : memref<16000xf32, #tpu.memory_space<vmem>>) dst(%dma_wait3A_357 : memref<16000xf32, #tpu.memory_space<hbm>>)
    %dma_start3A_358 = arith.constant 128000 : i32
    %dma_start3A_359 = tpu.memref_slice %arg2[%add3A, %dma_start3A_358] : memref<64x160000xf32, #tpu.memory_space<hbm>> -> memref<1x16000xf32, #tpu.memory_space<hbm>>
    %dma_start3A_360 = tpu.memref_squeeze %dma_start3A_359 : memref<1x16000xf32, #tpu.memory_space<hbm>> -> memref<16000xf32, #tpu.memory_space<hbm>>
    %dma_start3A_361 = arith.constant 128000 : i32
    %dma_start3A_362 = tpu.memref_slice %arg2[%add3A, %dma_start3A_361] : memref<64x160000xf32, #tpu.memory_space<hbm>> -> memref<1x16000xf32, #tpu.memory_space<hbm>>
    %dma_start3A_363 = tpu.memref_squeeze %dma_start3A_362 : memref<1x16000xf32, #tpu.memory_space<hbm>> -> memref<16000xf32, #tpu.memory_space<hbm>>
    tpu.enqueue_dma source(%dma_start3A_363 : memref<16000xf32, #tpu.memory_space<hbm>>) target(%arg7 : memref<16000xf32, #tpu.memory_space<vmem>>) target_semaphore(%arg19 : memref<!tpu.dma_semaphore, #tpu.memory_space<semaphore_mem>>)
    %dma_start3A_364 = arith.constant 128000 : i32
    %dma_start3A_365 = tpu.memref_slice %arg2[%sub3A_1, %dma_start3A_364] : memref<64x160000xf32, #tpu.memory_space<hbm>> -> memref<1x16000xf32, #tpu.memory_space<hbm>>
    %dma_start3A_366 = tpu.memref_squeeze %dma_start3A_365 : memref<1x16000xf32, #tpu.memory_space<hbm>> -> memref<16000xf32, #tpu.memory_space<hbm>>
    %dma_start3A_367 = arith.constant 128000 : i32
    %dma_start3A_368 = tpu.memref_slice %arg2[%sub3A_1, %dma_start3A_367] : memref<64x160000xf32, #tpu.memory_space<hbm>> -> memref<1x16000xf32, #tpu.memory_space<hbm>>
    %dma_start3A_369 = tpu.memref_squeeze %dma_start3A_368 : memref<1x16000xf32, #tpu.memory_space<hbm>> -> memref<16000xf32, #tpu.memory_space<hbm>>
    tpu.enqueue_dma source(%dma_start3A_369 : memref<16000xf32, #tpu.memory_space<hbm>>) target(%arg11 : memref<16000xf32, #tpu.memory_space<vmem>>) target_semaphore(%arg23 : memref<!tpu.dma_semaphore, #tpu.memory_space<semaphore_mem>>)
    %dma_wait3A_370 = arith.constant 112000 : i32
    %dma_wait3A_371 = tpu.memref_slice %arg2[%add3A, %dma_wait3A_370] : memref<64x160000xf32, #tpu.memory_space<hbm>> -> memref<1x16000xf32, #tpu.memory_space<hbm>>
    %dma_wait3A_372 = tpu.memref_squeeze %dma_wait3A_371 : memref<1x16000xf32, #tpu.memory_space<hbm>> -> memref<16000xf32, #tpu.memory_space<hbm>>
    %dma_wait3A_373 = arith.constant 112000 : i32
    %dma_wait3A_374 = tpu.memref_slice %arg2[%add3A, %dma_wait3A_373] : memref<64x160000xf32, #tpu.memory_space<hbm>> -> memref<1x16000xf32, #tpu.memory_space<hbm>>
    %dma_wait3A_375 = tpu.memref_squeeze %dma_wait3A_374 : memref<1x16000xf32, #tpu.memory_space<hbm>> -> memref<16000xf32, #tpu.memory_space<hbm>>
    tpu.wait_dma2 semaphore(%arg22 : memref<!tpu.dma_semaphore, #tpu.memory_space<semaphore_mem>>) src(%dma_wait3A_375 : memref<16000xf32, #tpu.memory_space<hbm>>) dst(%arg10 : memref<16000xf32, #tpu.memory_space<vmem>>)
    %dma_wait3A_376 = arith.constant 112000 : i32
    %dma_wait3A_377 = tpu.memref_slice %arg2[%sub3A_1, %dma_wait3A_376] : memref<64x160000xf32, #tpu.memory_space<hbm>> -> memref<1x16000xf32, #tpu.memory_space<hbm>>
    %dma_wait3A_378 = tpu.memref_squeeze %dma_wait3A_377 : memref<1x16000xf32, #tpu.memory_space<hbm>> -> memref<16000xf32, #tpu.memory_space<hbm>>
    %dma_wait3A_379 = arith.constant 112000 : i32
    %dma_wait3A_380 = tpu.memref_slice %arg2[%sub3A_1, %dma_wait3A_379] : memref<64x160000xf32, #tpu.memory_space<hbm>> -> memref<1x16000xf32, #tpu.memory_space<hbm>>
    %dma_wait3A_381 = tpu.memref_squeeze %dma_wait3A_380 : memref<1x16000xf32, #tpu.memory_space<hbm>> -> memref<16000xf32, #tpu.memory_space<hbm>>
    tpu.wait_dma2 semaphore(%arg26 : memref<!tpu.dma_semaphore, #tpu.memory_space<semaphore_mem>>) src(%dma_wait3A_381 : memref<16000xf32, #tpu.memory_space<hbm>>) dst(%arg14 : memref<16000xf32, #tpu.memory_space<vmem>>)
    %parallel_loop3A_382 = arith.constant 0 : i32
    %parallel_loop3A_383 = arith.constant 1000 : i32
    %parallel_loop3A_384 = arith.constant 1 : i32
    scf.for %parallel_loop3A_523 = %parallel_loop3A_382 to %parallel_loop3A_383 step %parallel_loop3A_384  : i32 {
      %parallel_loop3A_524 = arith.constant 16 : i32
      %parallel_loop3A_525 = arith.muli %parallel_loop3A_523, %parallel_loop3A_524 : i32
      %parallel_loop3A_526 = arith.index_cast %parallel_loop3A_525 : i32 to index
      %parallel_loop3A_527 = tpu.vector_load %arg10[%parallel_loop3A_526] {strides = array<i32>} : memref<16000xf32, #tpu.memory_space<vmem>>, vector<16xf32>,
      %parallel_loop3A_528 = vector.shape_cast %parallel_loop3A_527 : vector<16xf32> to vector<16xf32>
      %parallel_loop3A_529 = arith.index_cast %parallel_loop3A_525 : i32 to index
      %parallel_loop3A_530 = tpu.vector_load %arg14[%parallel_loop3A_529] {strides = array<i32>} : memref<16000xf32, #tpu.memory_space<vmem>>, vector<16xf32>,
      %parallel_loop3A_531 = vector.shape_cast %parallel_loop3A_530 : vector<16xf32> to vector<16xf32>
      %parallel_loop3A_532 = arith.mulf %get3A_50, %parallel_loop3A_528 : vector<16xf32>
      %parallel_loop3A_533 = arith.mulf %get3A_53, %parallel_loop3A_531 : vector<16xf32>
      %parallel_loop3A_534 = arith.addf %parallel_loop3A_532, %parallel_loop3A_533 : vector<16xf32>
      %parallel_loop3A_535 = arith.index_cast %parallel_loop3A_525 : i32 to index
      %parallel_loop3A_536 = tpu.vector_load %arg10[%parallel_loop3A_535] {strides = array<i32>} : memref<16000xf32, #tpu.memory_space<vmem>>, vector<16xf32>,
      %parallel_loop3A_537 = vector.shape_cast %parallel_loop3A_536 : vector<16xf32> to vector<16xf32>
      %parallel_loop3A_538 = vector.shape_cast %parallel_loop3A_534 : vector<16xf32> to vector<16xf32>
      tpu.vector_store %arg10[%parallel_loop3A_535], %parallel_loop3A_538 {strides = array<i32>} : memref<16000xf32, #tpu.memory_space<vmem>>, vector<16xf32>,
      %parallel_loop3A_539 = arith.mulf %get3A_56, %parallel_loop3A_531 : vector<16xf32>
      %parallel_loop3A_540 = arith.mulf %get3A_59, %parallel_loop3A_528 : vector<16xf32>
      %parallel_loop3A_541 = arith.addf %parallel_loop3A_539, %parallel_loop3A_540 : vector<16xf32>
      %parallel_loop3A_542 = arith.index_cast %parallel_loop3A_525 : i32 to index
      %parallel_loop3A_543 = tpu.vector_load %arg14[%parallel_loop3A_542] {strides = array<i32>} : memref<16000xf32, #tpu.memory_space<vmem>>, vector<16xf32>,
      %parallel_loop3A_544 = vector.shape_cast %parallel_loop3A_543 : vector<16xf32> to vector<16xf32>
      %parallel_loop3A_545 = vector.shape_cast %parallel_loop3A_541 : vector<16xf32> to vector<16xf32>
      tpu.vector_store %arg14[%parallel_loop3A_542], %parallel_loop3A_545 {strides = array<i32>} : memref<16000xf32, #tpu.memory_space<vmem>>, vector<16xf32>,
    } {sc.loop_unroll_factor = 8 : i64, sc.parallel_access}
    %dma_start3A_385 = arith.constant 112000 : i32
    %dma_start3A_386 = tpu.memref_slice %arg5[%add3A, %dma_start3A_385] : memref<64x160000xf32, #tpu.memory_space<hbm>> -> memref<1x16000xf32, #tpu.memory_space<hbm>>
    %dma_start3A_387 = tpu.memref_squeeze %dma_start3A_386 : memref<1x16000xf32, #tpu.memory_space<hbm>> -> memref<16000xf32, #tpu.memory_space<hbm>>
    %dma_start3A_388 = arith.constant 112000 : i32
    %dma_start3A_389 = tpu.memref_slice %arg5[%add3A, %dma_start3A_388] : memref<64x160000xf32, #tpu.memory_space<hbm>> -> memref<1x16000xf32, #tpu.memory_space<hbm>>
    %dma_start3A_390 = tpu.memref_squeeze %dma_start3A_389 : memref<1x16000xf32, #tpu.memory_space<hbm>> -> memref<16000xf32, #tpu.memory_space<hbm>>
    tpu.enqueue_dma source(%arg10 : memref<16000xf32, #tpu.memory_space<vmem>>) target(%dma_start3A_390 : memref<16000xf32, #tpu.memory_space<hbm>>) target_semaphore(%arg30 : memref<!tpu.dma_semaphore, #tpu.memory_space<semaphore_mem>>)
    %dma_start3A_391 = arith.constant 112000 : i32
    %dma_start3A_392 = tpu.memref_slice %arg5[%sub3A_1, %dma_start3A_391] : memref<64x160000xf32, #tpu.memory_space<hbm>> -> memref<1x16000xf32, #tpu.memory_space<hbm>>
    %dma_start3A_393 = tpu.memref_squeeze %dma_start3A_392 : memref<1x16000xf32, #tpu.memory_space<hbm>> -> memref<16000xf32, #tpu.memory_space<hbm>>
    %dma_start3A_394 = arith.constant 112000 : i32
    %dma_start3A_395 = tpu.memref_slice %arg5[%sub3A_1, %dma_start3A_394] : memref<64x160000xf32, #tpu.memory_space<hbm>> -> memref<1x16000xf32, #tpu.memory_space<hbm>>
    %dma_start3A_396 = tpu.memref_squeeze %dma_start3A_395 : memref<1x16000xf32, #tpu.memory_space<hbm>> -> memref<16000xf32, #tpu.memory_space<hbm>>
    tpu.enqueue_dma source(%arg14 : memref<16000xf32, #tpu.memory_space<vmem>>) target(%dma_start3A_396 : memref<16000xf32, #tpu.memory_space<hbm>>) target_semaphore(%arg34 : memref<!tpu.dma_semaphore, #tpu.memory_space<semaphore_mem>>)
    %dma_wait3A_397 = arith.constant 80000 : i32
    %dma_wait3A_398 = tpu.memref_slice %arg5[%add3A, %dma_wait3A_397] : memref<64x160000xf32, #tpu.memory_space<hbm>> -> memref<1x16000xf32, #tpu.memory_space<hbm>>
    %dma_wait3A_399 = tpu.memref_squeeze %dma_wait3A_398 : memref<1x16000xf32, #tpu.memory_space<hbm>> -> memref<16000xf32, #tpu.memory_space<hbm>>
    %dma_wait3A_400 = arith.constant 80000 : i32
    %dma_wait3A_401 = tpu.memref_slice %arg5[%add3A, %dma_wait3A_400] : memref<64x160000xf32, #tpu.memory_space<hbm>> -> memref<1x16000xf32, #tpu.memory_space<hbm>>
    %dma_wait3A_402 = tpu.memref_squeeze %dma_wait3A_401 : memref<1x16000xf32, #tpu.memory_space<hbm>> -> memref<16000xf32, #tpu.memory_space<hbm>>
    tpu.wait_dma2 semaphore(%arg28 : memref<!tpu.dma_semaphore, #tpu.memory_space<semaphore_mem>>) src(%arg8 : memref<16000xf32, #tpu.memory_space<vmem>>) dst(%dma_wait3A_402 : memref<16000xf32, #tpu.memory_space<hbm>>)
    %dma_wait3A_403 = arith.constant 80000 : i32
    %dma_wait3A_404 = tpu.memref_slice %arg5[%sub3A_1, %dma_wait3A_403] : memref<64x160000xf32, #tpu.memory_space<hbm>> -> memref<1x16000xf32, #tpu.memory_space<hbm>>
    %dma_wait3A_405 = tpu.memref_squeeze %dma_wait3A_404 : memref<1x16000xf32, #tpu.memory_space<hbm>> -> memref<16000xf32, #tpu.memory_space<hbm>>
    %dma_wait3A_406 = arith.constant 80000 : i32
    %dma_wait3A_407 = tpu.memref_slice %arg5[%sub3A_1, %dma_wait3A_406] : memref<64x160000xf32, #tpu.memory_space<hbm>> -> memref<1x16000xf32, #tpu.memory_space<hbm>>
    %dma_wait3A_408 = tpu.memref_squeeze %dma_wait3A_407 : memref<1x16000xf32, #tpu.memory_space<hbm>> -> memref<16000xf32, #tpu.memory_space<hbm>>
    tpu.wait_dma2 semaphore(%arg32 : memref<!tpu.dma_semaphore, #tpu.memory_space<semaphore_mem>>) src(%arg12 : memref<16000xf32, #tpu.memory_space<vmem>>) dst(%dma_wait3A_408 : memref<16000xf32, #tpu.memory_space<hbm>>)
    %dma_start3A_409 = arith.constant 144000 : i32
    %dma_start3A_410 = tpu.memref_slice %arg2[%add3A, %dma_start3A_409] : memref<64x160000xf32, #tpu.memory_space<hbm>> -> memref<1x16000xf32, #tpu.memory_space<hbm>>
    %dma_start3A_411 = tpu.memref_squeeze %dma_start3A_410 : memref<1x16000xf32, #tpu.memory_space<hbm>> -> memref<16000xf32, #tpu.memory_space<hbm>>
    %dma_start3A_412 = arith.constant 144000 : i32
    %dma_start3A_413 = tpu.memref_slice %arg2[%add3A, %dma_start3A_412] : memref<64x160000xf32, #tpu.memory_space<hbm>> -> memref<1x16000xf32, #tpu.memory_space<hbm>>
    %dma_start3A_414 = tpu.memref_squeeze %dma_start3A_413 : memref<1x16000xf32, #tpu.memory_space<hbm>> -> memref<16000xf32, #tpu.memory_space<hbm>>
    tpu.enqueue_dma source(%dma_start3A_414 : memref<16000xf32, #tpu.memory_space<hbm>>) target(%arg8 : memref<16000xf32, #tpu.memory_space<vmem>>) target_semaphore(%arg20 : memref<!tpu.dma_semaphore, #tpu.memory_space<semaphore_mem>>)
    %dma_start3A_415 = arith.constant 144000 : i32
    %dma_start3A_416 = tpu.memref_slice %arg2[%sub3A_1, %dma_start3A_415] : memref<64x160000xf32, #tpu.memory_space<hbm>> -> memref<1x16000xf32, #tpu.memory_space<hbm>>
    %dma_start3A_417 = tpu.memref_squeeze %dma_start3A_416 : memref<1x16000xf32, #tpu.memory_space<hbm>> -> memref<16000xf32, #tpu.memory_space<hbm>>
    %dma_start3A_418 = arith.constant 144000 : i32
    %dma_start3A_419 = tpu.memref_slice %arg2[%sub3A_1, %dma_start3A_418] : memref<64x160000xf32, #tpu.memory_space<hbm>> -> memref<1x16000xf32, #tpu.memory_space<hbm>>
    %dma_start3A_420 = tpu.memref_squeeze %dma_start3A_419 : memref<1x16000xf32, #tpu.memory_space<hbm>> -> memref<16000xf32, #tpu.memory_space<hbm>>
    tpu.enqueue_dma source(%dma_start3A_420 : memref<16000xf32, #tpu.memory_space<hbm>>) target(%arg12 : memref<16000xf32, #tpu.memory_space<vmem>>) target_semaphore(%arg24 : memref<!tpu.dma_semaphore, #tpu.memory_space<semaphore_mem>>)
    %dma_wait3A_421 = arith.constant 128000 : i32
    %dma_wait3A_422 = tpu.memref_slice %arg2[%add3A, %dma_wait3A_421] : memref<64x160000xf32, #tpu.memory_space<hbm>> -> memref<1x16000xf32, #tpu.memory_space<hbm>>
    %dma_wait3A_423 = tpu.memref_squeeze %dma_wait3A_422 : memref<1x16000xf32, #tpu.memory_space<hbm>> -> memref<16000xf32, #tpu.memory_space<hbm>>
    %dma_wait3A_424 = arith.constant 128000 : i32
    %dma_wait3A_425 = tpu.memref_slice %arg2[%add3A, %dma_wait3A_424] : memref<64x160000xf32, #tpu.memory_space<hbm>> -> memref<1x16000xf32, #tpu.memory_space<hbm>>
    %dma_wait3A_426 = tpu.memref_squeeze %dma_wait3A_425 : memref<1x16000xf32, #tpu.memory_space<hbm>> -> memref<16000xf32, #tpu.memory_space<hbm>>
    tpu.wait_dma2 semaphore(%arg19 : memref<!tpu.dma_semaphore, #tpu.memory_space<semaphore_mem>>) src(%dma_wait3A_426 : memref<16000xf32, #tpu.memory_space<hbm>>) dst(%arg7 : memref<16000xf32, #tpu.memory_space<vmem>>)
    %dma_wait3A_427 = arith.constant 128000 : i32
    %dma_wait3A_428 = tpu.memref_slice %arg2[%sub3A_1, %dma_wait3A_427] : memref<64x160000xf32, #tpu.memory_space<hbm>> -> memref<1x16000xf32, #tpu.memory_space<hbm>>
    %dma_wait3A_429 = tpu.memref_squeeze %dma_wait3A_428 : memref<1x16000xf32, #tpu.memory_space<hbm>> -> memref<16000xf32, #tpu.memory_space<hbm>>
    %dma_wait3A_430 = arith.constant 128000 : i32
    %dma_wait3A_431 = tpu.memref_slice %arg2[%sub3A_1, %dma_wait3A_430] : memref<64x160000xf32, #tpu.memory_space<hbm>> -> memref<1x16000xf32, #tpu.memory_space<hbm>>
    %dma_wait3A_432 = tpu.memref_squeeze %dma_wait3A_431 : memref<1x16000xf32, #tpu.memory_space<hbm>> -> memref<16000xf32, #tpu.memory_space<hbm>>
    tpu.wait_dma2 semaphore(%arg23 : memref<!tpu.dma_semaphore, #tpu.memory_space<semaphore_mem>>) src(%dma_wait3A_432 : memref<16000xf32, #tpu.memory_space<hbm>>) dst(%arg11 : memref<16000xf32, #tpu.memory_space<vmem>>)
    %parallel_loop3A_433 = arith.constant 0 : i32
    %parallel_loop3A_434 = arith.constant 1000 : i32
    %parallel_loop3A_435 = arith.constant 1 : i32
    scf.for %parallel_loop3A_523 = %parallel_loop3A_433 to %parallel_loop3A_434 step %parallel_loop3A_435  : i32 {
      %parallel_loop3A_524 = arith.constant 16 : i32
      %parallel_loop3A_525 = arith.muli %parallel_loop3A_523, %parallel_loop3A_524 : i32
      %parallel_loop3A_526 = arith.index_cast %parallel_loop3A_525 : i32 to index
      %parallel_loop3A_527 = tpu.vector_load %arg7[%parallel_loop3A_526] {strides = array<i32>} : memref<16000xf32, #tpu.memory_space<vmem>>, vector<16xf32>,
      %parallel_loop3A_528 = vector.shape_cast %parallel_loop3A_527 : vector<16xf32> to vector<16xf32>
      %parallel_loop3A_529 = arith.index_cast %parallel_loop3A_525 : i32 to index
      %parallel_loop3A_530 = tpu.vector_load %arg11[%parallel_loop3A_529] {strides = array<i32>} : memref<16000xf32, #tpu.memory_space<vmem>>, vector<16xf32>,
      %parallel_loop3A_531 = vector.shape_cast %parallel_loop3A_530 : vector<16xf32> to vector<16xf32>
      %parallel_loop3A_532 = arith.mulf %get3A_50, %parallel_loop3A_528 : vector<16xf32>
      %parallel_loop3A_533 = arith.mulf %get3A_53, %parallel_loop3A_531 : vector<16xf32>
      %parallel_loop3A_534 = arith.addf %parallel_loop3A_532, %parallel_loop3A_533 : vector<16xf32>
      %parallel_loop3A_535 = arith.index_cast %parallel_loop3A_525 : i32 to index
      %parallel_loop3A_536 = tpu.vector_load %arg7[%parallel_loop3A_535] {strides = array<i32>} : memref<16000xf32, #tpu.memory_space<vmem>>, vector<16xf32>,
      %parallel_loop3A_537 = vector.shape_cast %parallel_loop3A_536 : vector<16xf32> to vector<16xf32>
      %parallel_loop3A_538 = vector.shape_cast %parallel_loop3A_534 : vector<16xf32> to vector<16xf32>
      tpu.vector_store %arg7[%parallel_loop3A_535], %parallel_loop3A_538 {strides = array<i32>} : memref<16000xf32, #tpu.memory_space<vmem>>, vector<16xf32>,
      %parallel_loop3A_539 = arith.mulf %get3A_56, %parallel_loop3A_531 : vector<16xf32>
      %parallel_loop3A_540 = arith.mulf %get3A_59, %parallel_loop3A_528 : vector<16xf32>
      %parallel_loop3A_541 = arith.addf %parallel_loop3A_539, %parallel_loop3A_540 : vector<16xf32>
      %parallel_loop3A_542 = arith.index_cast %parallel_loop3A_525 : i32 to index
      %parallel_loop3A_543 = tpu.vector_load %arg11[%parallel_loop3A_542] {strides = array<i32>} : memref<16000xf32, #tpu.memory_space<vmem>>, vector<16xf32>,
      %parallel_loop3A_544 = vector.shape_cast %parallel_loop3A_543 : vector<16xf32> to vector<16xf32>
      %parallel_loop3A_545 = vector.shape_cast %parallel_loop3A_541 : vector<16xf32> to vector<16xf32>
      tpu.vector_store %arg11[%parallel_loop3A_542], %parallel_loop3A_545 {strides = array<i32>} : memref<16000xf32, #tpu.memory_space<vmem>>, vector<16xf32>,
    } {sc.loop_unroll_factor = 8 : i64, sc.parallel_access}
    %dma_start3A_436 = arith.constant 128000 : i32
    %dma_start3A_437 = tpu.memref_slice %arg5[%add3A, %dma_start3A_436] : memref<64x160000xf32, #tpu.memory_space<hbm>> -> memref<1x16000xf32, #tpu.memory_space<hbm>>
    %dma_start3A_438 = tpu.memref_squeeze %dma_start3A_437 : memref<1x16000xf32, #tpu.memory_space<hbm>> -> memref<16000xf32, #tpu.memory_space<hbm>>
    %dma_start3A_439 = arith.constant 128000 : i32
    %dma_start3A_440 = tpu.memref_slice %arg5[%add3A, %dma_start3A_439] : memref<64x160000xf32, #tpu.memory_space<hbm>> -> memref<1x16000xf32, #tpu.memory_space<hbm>>
    %dma_start3A_441 = tpu.memref_squeeze %dma_start3A_440 : memref<1x16000xf32, #tpu.memory_space<hbm>> -> memref<16000xf32, #tpu.memory_space<hbm>>
    tpu.enqueue_dma source(%arg7 : memref<16000xf32, #tpu.memory_space<vmem>>) target(%dma_start3A_441 : memref<16000xf32, #tpu.memory_space<hbm>>) target_semaphore(%arg27 : memref<!tpu.dma_semaphore, #tpu.memory_space<semaphore_mem>>)
    %dma_start3A_442 = arith.constant 128000 : i32
    %dma_start3A_443 = tpu.memref_slice %arg5[%sub3A_1, %dma_start3A_442] : memref<64x160000xf32, #tpu.memory_space<hbm>> -> memref<1x16000xf32, #tpu.memory_space<hbm>>
    %dma_start3A_444 = tpu.memref_squeeze %dma_start3A_443 : memref<1x16000xf32, #tpu.memory_space<hbm>> -> memref<16000xf32, #tpu.memory_space<hbm>>
    %dma_start3A_445 = arith.constant 128000 : i32
    %dma_start3A_446 = tpu.memref_slice %arg5[%sub3A_1, %dma_start3A_445] : memref<64x160000xf32, #tpu.memory_space<hbm>> -> memref<1x16000xf32, #tpu.memory_space<hbm>>
    %dma_start3A_447 = tpu.memref_squeeze %dma_start3A_446 : memref<1x16000xf32, #tpu.memory_space<hbm>> -> memref<16000xf32, #tpu.memory_space<hbm>>
    tpu.enqueue_dma source(%arg11 : memref<16000xf32, #tpu.memory_space<vmem>>) target(%dma_start3A_447 : memref<16000xf32, #tpu.memory_space<hbm>>) target_semaphore(%arg31 : memref<!tpu.dma_semaphore, #tpu.memory_space<semaphore_mem>>)
    %dma_wait3A_448 = arith.constant 144000 : i32
    %dma_wait3A_449 = tpu.memref_slice %arg2[%add3A, %dma_wait3A_448] : memref<64x160000xf32, #tpu.memory_space<hbm>> -> memref<1x16000xf32, #tpu.memory_space<hbm>>
    %dma_wait3A_450 = tpu.memref_squeeze %dma_wait3A_449 : memref<1x16000xf32, #tpu.memory_space<hbm>> -> memref<16000xf32, #tpu.memory_space<hbm>>
    %dma_wait3A_451 = arith.constant 144000 : i32
    %dma_wait3A_452 = tpu.memref_slice %arg2[%add3A, %dma_wait3A_451] : memref<64x160000xf32, #tpu.memory_space<hbm>> -> memref<1x16000xf32, #tpu.memory_space<hbm>>
    %dma_wait3A_453 = tpu.memref_squeeze %dma_wait3A_452 : memref<1x16000xf32, #tpu.memory_space<hbm>> -> memref<16000xf32, #tpu.memory_space<hbm>>
    tpu.wait_dma2 semaphore(%arg20 : memref<!tpu.dma_semaphore, #tpu.memory_space<semaphore_mem>>) src(%dma_wait3A_453 : memref<16000xf32, #tpu.memory_space<hbm>>) dst(%arg8 : memref<16000xf32, #tpu.memory_space<vmem>>)
    %dma_wait3A_454 = arith.constant 144000 : i32
    %dma_wait3A_455 = tpu.memref_slice %arg2[%sub3A_1, %dma_wait3A_454] : memref<64x160000xf32, #tpu.memory_space<hbm>> -> memref<1x16000xf32, #tpu.memory_space<hbm>>
    %dma_wait3A_456 = tpu.memref_squeeze %dma_wait3A_455 : memref<1x16000xf32, #tpu.memory_space<hbm>> -> memref<16000xf32, #tpu.memory_space<hbm>>
    %dma_wait3A_457 = arith.constant 144000 : i32
    %dma_wait3A_458 = tpu.memref_slice %arg2[%sub3A_1, %dma_wait3A_457] : memref<64x160000xf32, #tpu.memory_space<hbm>> -> memref<1x16000xf32, #tpu.memory_space<hbm>>
    %dma_wait3A_459 = tpu.memref_squeeze %dma_wait3A_458 : memref<1x16000xf32, #tpu.memory_space<hbm>> -> memref<16000xf32, #tpu.memory_space<hbm>>
    tpu.wait_dma2 semaphore(%arg24 : memref<!tpu.dma_semaphore, #tpu.memory_space<semaphore_mem>>) src(%dma_wait3A_459 : memref<16000xf32, #tpu.memory_space<hbm>>) dst(%arg12 : memref<16000xf32, #tpu.memory_space<vmem>>)
    %parallel_loop3A_460 = arith.constant 0 : i32
    %parallel_loop3A_461 = arith.constant 1000 : i32
    %parallel_loop3A_462 = arith.constant 1 : i32
    scf.for %parallel_loop3A_523 = %parallel_loop3A_460 to %parallel_loop3A_461 step %parallel_loop3A_462  : i32 {
      %parallel_loop3A_524 = arith.constant 16 : i32
      %parallel_loop3A_525 = arith.muli %parallel_loop3A_523, %parallel_loop3A_524 : i32
      %parallel_loop3A_526 = arith.index_cast %parallel_loop3A_525 : i32 to index
      %parallel_loop3A_527 = tpu.vector_load %arg8[%parallel_loop3A_526] {strides = array<i32>} : memref<16000xf32, #tpu.memory_space<vmem>>, vector<16xf32>,
      %parallel_loop3A_528 = vector.shape_cast %parallel_loop3A_527 : vector<16xf32> to vector<16xf32>
      %parallel_loop3A_529 = arith.index_cast %parallel_loop3A_525 : i32 to index
      %parallel_loop3A_530 = tpu.vector_load %arg12[%parallel_loop3A_529] {strides = array<i32>} : memref<16000xf32, #tpu.memory_space<vmem>>, vector<16xf32>,
      %parallel_loop3A_531 = vector.shape_cast %parallel_loop3A_530 : vector<16xf32> to vector<16xf32>
      %parallel_loop3A_532 = arith.mulf %get3A_50, %parallel_loop3A_528 : vector<16xf32>
      %parallel_loop3A_533 = arith.mulf %get3A_53, %parallel_loop3A_531 : vector<16xf32>
      %parallel_loop3A_534 = arith.addf %parallel_loop3A_532, %parallel_loop3A_533 : vector<16xf32>
      %parallel_loop3A_535 = arith.index_cast %parallel_loop3A_525 : i32 to index
      %parallel_loop3A_536 = tpu.vector_load %arg8[%parallel_loop3A_535] {strides = array<i32>} : memref<16000xf32, #tpu.memory_space<vmem>>, vector<16xf32>,
      %parallel_loop3A_537 = vector.shape_cast %parallel_loop3A_536 : vector<16xf32> to vector<16xf32>
      %parallel_loop3A_538 = vector.shape_cast %parallel_loop3A_534 : vector<16xf32> to vector<16xf32>
      tpu.vector_store %arg8[%parallel_loop3A_535], %parallel_loop3A_538 {strides = array<i32>} : memref<16000xf32, #tpu.memory_space<vmem>>, vector<16xf32>,
      %parallel_loop3A_539 = arith.mulf %get3A_56, %parallel_loop3A_531 : vector<16xf32>
      %parallel_loop3A_540 = arith.mulf %get3A_59, %parallel_loop3A_528 : vector<16xf32>
      %parallel_loop3A_541 = arith.addf %parallel_loop3A_539, %parallel_loop3A_540 : vector<16xf32>
      %parallel_loop3A_542 = arith.index_cast %parallel_loop3A_525 : i32 to index
      %parallel_loop3A_543 = tpu.vector_load %arg12[%parallel_loop3A_542] {strides = array<i32>} : memref<16000xf32, #tpu.memory_space<vmem>>, vector<16xf32>,
      %parallel_loop3A_544 = vector.shape_cast %parallel_loop3A_543 : vector<16xf32> to vector<16xf32>
      %parallel_loop3A_545 = vector.shape_cast %parallel_loop3A_541 : vector<16xf32> to vector<16xf32>
      tpu.vector_store %arg12[%parallel_loop3A_542], %parallel_loop3A_545 {strides = array<i32>} : memref<16000xf32, #tpu.memory_space<vmem>>, vector<16xf32>,
    } {sc.loop_unroll_factor = 8 : i64, sc.parallel_access}
    %dma_start3A_463 = arith.constant 144000 : i32
    %dma_start3A_464 = tpu.memref_slice %arg5[%add3A, %dma_start3A_463] : memref<64x160000xf32, #tpu.memory_space<hbm>> -> memref<1x16000xf32, #tpu.memory_space<hbm>>
    %dma_start3A_465 = tpu.memref_squeeze %dma_start3A_464 : memref<1x16000xf32, #tpu.memory_space<hbm>> -> memref<16000xf32, #tpu.memory_space<hbm>>
    %dma_start3A_466 = arith.constant 144000 : i32
    %dma_start3A_467 = tpu.memref_slice %arg5[%add3A, %dma_start3A_466] : memref<64x160000xf32, #tpu.memory_space<hbm>> -> memref<1x16000xf32, #tpu.memory_space<hbm>>
    %dma_start3A_468 = tpu.memref_squeeze %dma_start3A_467 : memref<1x16000xf32, #tpu.memory_space<hbm>> -> memref<16000xf32, #tpu.memory_space<hbm>>
    tpu.enqueue_dma source(%arg8 : memref<16000xf32, #tpu.memory_space<vmem>>) target(%dma_start3A_468 : memref<16000xf32, #tpu.memory_space<hbm>>) target_semaphore(%arg28 : memref<!tpu.dma_semaphore, #tpu.memory_space<semaphore_mem>>)
    %dma_start3A_469 = arith.constant 144000 : i32
    %dma_start3A_470 = tpu.memref_slice %arg5[%sub3A_1, %dma_start3A_469] : memref<64x160000xf32, #tpu.memory_space<hbm>> -> memref<1x16000xf32, #tpu.memory_space<hbm>>
    %dma_start3A_471 = tpu.memref_squeeze %dma_start3A_470 : memref<1x16000xf32, #tpu.memory_space<hbm>> -> memref<16000xf32, #tpu.memory_space<hbm>>
    %dma_start3A_472 = arith.constant 144000 : i32
    %dma_start3A_473 = tpu.memref_slice %arg5[%sub3A_1, %dma_start3A_472] : memref<64x160000xf32, #tpu.memory_space<hbm>> -> memref<1x16000xf32, #tpu.memory_space<hbm>>
    %dma_start3A_474 = tpu.memref_squeeze %dma_start3A_473 : memref<1x16000xf32, #tpu.memory_space<hbm>> -> memref<16000xf32, #tpu.memory_space<hbm>>
    tpu.enqueue_dma source(%arg12 : memref<16000xf32, #tpu.memory_space<vmem>>) target(%dma_start3A_474 : memref<16000xf32, #tpu.memory_space<hbm>>) target_semaphore(%arg32 : memref<!tpu.dma_semaphore, #tpu.memory_space<semaphore_mem>>)
    %dma_wait3A_475 = arith.constant 96000 : i32
    %dma_wait3A_476 = tpu.memref_slice %arg5[%add3A, %dma_wait3A_475] : memref<64x160000xf32, #tpu.memory_space<hbm>> -> memref<1x16000xf32, #tpu.memory_space<hbm>>
    %dma_wait3A_477 = tpu.memref_squeeze %dma_wait3A_476 : memref<1x16000xf32, #tpu.memory_space<hbm>> -> memref<16000xf32, #tpu.memory_space<hbm>>
    %dma_wait3A_478 = arith.constant 96000 : i32
    %dma_wait3A_479 = tpu.memref_slice %arg5[%add3A, %dma_wait3A_478] : memref<64x160000xf32, #tpu.memory_space<hbm>> -> memref<1x16000xf32, #tpu.memory_space<hbm>>
    %dma_wait3A_480 = tpu.memref_squeeze %dma_wait3A_479 : memref<1x16000xf32, #tpu.memory_space<hbm>> -> memref<16000xf32, #tpu.memory_space<hbm>>
    tpu.wait_dma2 semaphore(%arg29 : memref<!tpu.dma_semaphore, #tpu.memory_space<semaphore_mem>>) src(%arg9 : memref<16000xf32, #tpu.memory_space<vmem>>) dst(%dma_wait3A_480 : memref<16000xf32, #tpu.memory_space<hbm>>)
    %dma_wait3A_481 = arith.constant 96000 : i32
    %dma_wait3A_482 = tpu.memref_slice %arg5[%sub3A_1, %dma_wait3A_481] : memref<64x160000xf32, #tpu.memory_space<hbm>> -> memref<1x16000xf32, #tpu.memory_space<hbm>>
    %dma_wait3A_483 = tpu.memref_squeeze %dma_wait3A_482 : memref<1x16000xf32, #tpu.memory_space<hbm>> -> memref<16000xf32, #tpu.memory_space<hbm>>
    %dma_wait3A_484 = arith.constant 96000 : i32
    %dma_wait3A_485 = tpu.memref_slice %arg5[%sub3A_1, %dma_wait3A_484] : memref<64x160000xf32, #tpu.memory_space<hbm>> -> memref<1x16000xf32, #tpu.memory_space<hbm>>
    %dma_wait3A_486 = tpu.memref_squeeze %dma_wait3A_485 : memref<1x16000xf32, #tpu.memory_space<hbm>> -> memref<16000xf32, #tpu.memory_space<hbm>>
    tpu.wait_dma2 semaphore(%arg33 : memref<!tpu.dma_semaphore, #tpu.memory_space<semaphore_mem>>) src(%arg13 : memref<16000xf32, #tpu.memory_space<vmem>>) dst(%dma_wait3A_486 : memref<16000xf32, #tpu.memory_space<hbm>>)
    %dma_wait3A_487 = arith.constant 112000 : i32
    %dma_wait3A_488 = tpu.memref_slice %arg5[%add3A, %dma_wait3A_487] : memref<64x160000xf32, #tpu.memory_space<hbm>> -> memref<1x16000xf32, #tpu.memory_space<hbm>>
    %dma_wait3A_489 = tpu.memref_squeeze %dma_wait3A_488 : memref<1x16000xf32, #tpu.memory_space<hbm>> -> memref<16000xf32, #tpu.memory_space<hbm>>
    %dma_wait3A_490 = arith.constant 112000 : i32
    %dma_wait3A_491 = tpu.memref_slice %arg5[%add3A, %dma_wait3A_490] : memref<64x160000xf32, #tpu.memory_space<hbm>> -> memref<1x16000xf32, #tpu.memory_space<hbm>>
    %dma_wait3A_492 = tpu.memref_squeeze %dma_wait3A_491 : memref<1x16000xf32, #tpu.memory_space<hbm>> -> memref<16000xf32, #tpu.memory_space<hbm>>
    tpu.wait_dma2 semaphore(%arg30 : memref<!tpu.dma_semaphore, #tpu.memory_space<semaphore_mem>>) src(%arg10 : memref<16000xf32, #tpu.memory_space<vmem>>) dst(%dma_wait3A_492 : memref<16000xf32, #tpu.memory_space<hbm>>)
    %dma_wait3A_493 = arith.constant 112000 : i32
    %dma_wait3A_494 = tpu.memref_slice %arg5[%sub3A_1, %dma_wait3A_493] : memref<64x160000xf32, #tpu.memory_space<hbm>> -> memref<1x16000xf32, #tpu.memory_space<hbm>>
    %dma_wait3A_495 = tpu.memref_squeeze %dma_wait3A_494 : memref<1x16000xf32, #tpu.memory_space<hbm>> -> memref<16000xf32, #tpu.memory_space<hbm>>
    %dma_wait3A_496 = arith.constant 112000 : i32
    %dma_wait3A_497 = tpu.memref_slice %arg5[%sub3A_1, %dma_wait3A_496] : memref<64x160000xf32, #tpu.memory_space<hbm>> -> memref<1x16000xf32, #tpu.memory_space<hbm>>
    %dma_wait3A_498 = tpu.memref_squeeze %dma_wait3A_497 : memref<1x16000xf32, #tpu.memory_space<hbm>> -> memref<16000xf32, #tpu.memory_space<hbm>>
    tpu.wait_dma2 semaphore(%arg34 : memref<!tpu.dma_semaphore, #tpu.memory_space<semaphore_mem>>) src(%arg14 : memref<16000xf32, #tpu.memory_space<vmem>>) dst(%dma_wait3A_498 : memref<16000xf32, #tpu.memory_space<hbm>>)
    %dma_wait3A_499 = arith.constant 128000 : i32
    %dma_wait3A_500 = tpu.memref_slice %arg5[%add3A, %dma_wait3A_499] : memref<64x160000xf32, #tpu.memory_space<hbm>> -> memref<1x16000xf32, #tpu.memory_space<hbm>>
    %dma_wait3A_501 = tpu.memref_squeeze %dma_wait3A_500 : memref<1x16000xf32, #tpu.memory_space<hbm>> -> memref<16000xf32, #tpu.memory_space<hbm>>
    %dma_wait3A_502 = arith.constant 128000 : i32
    %dma_wait3A_503 = tpu.memref_slice %arg5[%add3A, %dma_wait3A_502] : memref<64x160000xf32, #tpu.memory_space<hbm>> -> memref<1x16000xf32, #tpu.memory_space<hbm>>
    %dma_wait3A_504 = tpu.memref_squeeze %dma_wait3A_503 : memref<1x16000xf32, #tpu.memory_space<hbm>> -> memref<16000xf32, #tpu.memory_space<hbm>>
    tpu.wait_dma2 semaphore(%arg27 : memref<!tpu.dma_semaphore, #tpu.memory_space<semaphore_mem>>) src(%arg7 : memref<16000xf32, #tpu.memory_space<vmem>>) dst(%dma_wait3A_504 : memref<16000xf32, #tpu.memory_space<hbm>>)
    %dma_wait3A_505 = arith.constant 128000 : i32
    %dma_wait3A_506 = tpu.memref_slice %arg5[%sub3A_1, %dma_wait3A_505] : memref<64x160000xf32, #tpu.memory_space<hbm>> -> memref<1x16000xf32, #tpu.memory_space<hbm>>
    %dma_wait3A_507 = tpu.memref_squeeze %dma_wait3A_506 : memref<1x16000xf32, #tpu.memory_space<hbm>> -> memref<16000xf32, #tpu.memory_space<hbm>>
    %dma_wait3A_508 = arith.constant 128000 : i32
    %dma_wait3A_509 = tpu.memref_slice %arg5[%sub3A_1, %dma_wait3A_508] : memref<64x160000xf32, #tpu.memory_space<hbm>> -> memref<1x16000xf32, #tpu.memory_space<hbm>>
    %dma_wait3A_510 = tpu.memref_squeeze %dma_wait3A_509 : memref<1x16000xf32, #tpu.memory_space<hbm>> -> memref<16000xf32, #tpu.memory_space<hbm>>
    tpu.wait_dma2 semaphore(%arg31 : memref<!tpu.dma_semaphore, #tpu.memory_space<semaphore_mem>>) src(%arg11 : memref<16000xf32, #tpu.memory_space<vmem>>) dst(%dma_wait3A_510 : memref<16000xf32, #tpu.memory_space<hbm>>)
    %dma_wait3A_511 = arith.constant 144000 : i32
    %dma_wait3A_512 = tpu.memref_slice %arg5[%add3A, %dma_wait3A_511] : memref<64x160000xf32, #tpu.memory_space<hbm>> -> memref<1x16000xf32, #tpu.memory_space<hbm>>
    %dma_wait3A_513 = tpu.memref_squeeze %dma_wait3A_512 : memref<1x16000xf32, #tpu.memory_space<hbm>> -> memref<16000xf32, #tpu.memory_space<hbm>>
    %dma_wait3A_514 = arith.constant 144000 : i32
    %dma_wait3A_515 = tpu.memref_slice %arg5[%add3A, %dma_wait3A_514] : memref<64x160000xf32, #tpu.memory_space<hbm>> -> memref<1x16000xf32, #tpu.memory_space<hbm>>
    %dma_wait3A_516 = tpu.memref_squeeze %dma_wait3A_515 : memref<1x16000xf32, #tpu.memory_space<hbm>> -> memref<16000xf32, #tpu.memory_space<hbm>>
    tpu.wait_dma2 semaphore(%arg28 : memref<!tpu.dma_semaphore, #tpu.memory_space<semaphore_mem>>) src(%arg8 : memref<16000xf32, #tpu.memory_space<vmem>>) dst(%dma_wait3A_516 : memref<16000xf32, #tpu.memory_space<hbm>>)
    %dma_wait3A_517 = arith.constant 144000 : i32
    %dma_wait3A_518 = tpu.memref_slice %arg5[%sub3A_1, %dma_wait3A_517] : memref<64x160000xf32, #tpu.memory_space<hbm>> -> memref<1x16000xf32, #tpu.memory_space<hbm>>
    %dma_wait3A_519 = tpu.memref_squeeze %dma_wait3A_518 : memref<1x16000xf32, #tpu.memory_space<hbm>> -> memref<16000xf32, #tpu.memory_space<hbm>>
    %dma_wait3A_520 = arith.constant 144000 : i32
    %dma_wait3A_521 = tpu.memref_slice %arg5[%sub3A_1, %dma_wait3A_520] : memref<64x160000xf32, #tpu.memory_space<hbm>> -> memref<1x16000xf32, #tpu.memory_space<hbm>>
    %dma_wait3A_522 = tpu.memref_squeeze %dma_wait3A_521 : memref<1x16000xf32, #tpu.memory_space<hbm>> -> memref<16000xf32, #tpu.memory_space<hbm>>
    tpu.wait_dma2 semaphore(%arg32 : memref<!tpu.dma_semaphore, #tpu.memory_space<semaphore_mem>>) src(%arg12 : memref<16000xf32, #tpu.memory_space<vmem>>) dst(%dma_wait3A_522 : memref<16000xf32, #tpu.memory_space<hbm>>)
    return
  }
}

</mosaic_0001>

<sc_bundles>
// kernel: _mixup_sc.3.cloned.1.call-start
scs
__scs_entry_jumppad:
0x0: {  	(pc) =	sbr.rel $0x88, $3  }
0x1: {  	(tag) =	ssettag $0x0;
	lr =	simm.s32 $0x1  }
0x2: {  	[smem:$0x3F9E] =	sst lr;
	_ =	strace $0xD0000000  }
0x3: {  	_ = 	snop  }
0x4: {  	_ = 	snop  }
0x5: {  	_ = 	snop  }
0x6: {  	_ = 	snop  }
0x7: {  	_ = 	snop  }
__scs_overlays_trampoline_lowered:
0x8: {  	[smem:$0x3FAD] =	sst s0  }
0x9: {  	[smem:$0x3FAE] =	sst s1  }
0xa: {  	[smem:$0x3FAF] =	sst s2  }
0xb: {  	[smem:$0x3FB0] =	sst s3  }
0xc: {  	[smem:$0x3FB1] =	sst s4  }
0xd: {  	[smem:$0x3FB2] =	sst s5  }
0xe: {  	[smem:$0x3FB3] =	sst s6  }
0xf: {  	[smem:$0x3FB4] =	sst s7  }
0x10: {  	[smem:$0x3FB5] =	sst s8  }
0x11: {  	[smem:$0x3FB6] =	sst s9;
	s0 =	simm.s32 @!p0 $0x0  }
0x12: {  	s1 =	sld [smem:$0x3F9C];
	s0 =	simm.s32 @p0 $0x1  }
0x13: {  	[smem:$0x3FB7] =	sst s0;
	s0 =	simm.s32 @!p1 $0x0  }
0x14: {  	s2 =	sld [smem:$0x3F9B];
	s0 =	simm.s32 @p1 $0x1  }
0x15: {  	[smem:$0x3FB8] =	sst s0;
	s0 =	simm.s32 @!p2 $0x0  }
0x16: {  	s3 =	sld [smem:$0x3FDB];
	s0 =	simm.s32 @p2 $0x1  }
0x17: {  	s4 =	simm.s32 $0x1BF5;
	[smem:$0x3FBA] =	sst s0  }
0x18: {  	s0 =	sld [smem:$0x3F9D];
	_ =	swait.ge [sflag:s4], $0x0  }
0x19: {  	s7 =	sld [smem:$0x3F9E]  }
0x1a: {  	s8 =	sadd.s32 $0xFFFFE003, lr  }
0x1b: {  	s9 =	sadd.s32 $0xFFFFFEF7, lr;
	s5 =	simm.s32 $0xFFFFFFFF;
	p2 =	slt.u32 s8, $0xFFFFF086  }
0x1c: {  	p1 =	slt.u32 s9, $0xF7A;
	s5 =	simm.s32 @!p2 $0x0  }
0x1d: {  	s5 =	simm.s32 @p1 $0x1;
	p0 =	seq.s32 s7, s2  }
0x1e: {  	s7 =	smul.u32 @!p0 $0xF7A, s2;
	p2 =	seq.s32 @!p0 s5, $0x0  }
0x1f: {  	s9 =	smul.u32 $0xF7A, s1;
	s8 =	simm.s32 @!p0 $0x1BF5;
	p2 =	por !p2, p0  }
0x20: {  	[sflag:s8] =	ssyncset.s32 @!p0 $0xFFFFF086;
	s6 =	sadd.s32 @!p0 s3, s7;
	s7 =	simm.s32 @!p0 $0x108  }
0x21: {  	s3 =	sadd.s32 s3, s9;
	s6 =	sadd.s32 @!p0 $0x88, s6;
	s7 =	simm.s32 @p2 $0x1082  }
0x22: {  	[simem:s7], [sflag:s8] =	dma.local @!p0 [hbm:s6], $0xF7A  }
0x23: {  	s9 =	sor.u32 $0xD0000000, s2;
	s6 =	simm.s32 $0x108;
	_ =	swait.ge @!p0 [sflag:s8], $0x0  }
0x24: {  	s3 =	sadd.s32 $0x88, s3;
	s6 =	simm.s32 @!p1 $0x1082;
	[sflag:s4] =	ssyncset.s32 $0xFFFFF086  }
0x25: {  	[simem:s6], [sflag:s4] =	dma.local [hbm:s3], $0xF7A  }
0x26: {  	[smem:$0x3F9E] =	sst s1;
	(tag) =	ssettag s2;
	_ =	strace s9  }
0x27: {  	s1 =	sld [smem:$0x3FAE]  }
0x28: {  	s2 =	sld [smem:$0x3FAF]  }
0x29: {  	s4 =	sld [smem:$0x3FB1]  }
0x2a: {  	p0 =	seq.s32 s5, $0x0;
	s5 =	sld [smem:$0x3FB2]  }
0x2b: {  	s6 =	sld [smem:$0x3FB3]  }
0x2c: {  	s7 =	sld [smem:$0x3FB4]  }
0x2d: {  	s3 =	simm.s32 $0x108;
	s8 =	sld [smem:$0x3FB5]  }
0x2e: {  	s3 =	simm.s32 @!p0 $0x1082;
	s9 =	sld [smem:$0x3FB6]  }
0x2f: {  	lr =	sadd.s32 s0, s3;
	s0 =	sld [smem:$0x3FAD]  }
0x30: {  	s3 =	sld [smem:$0x3FB0]  }
0x31: {  	[smem:$0x3FB9] =	sst s10  }
0x32: {  	s10 =	sld [smem:$0x3FB7];
	_ =	sdelay $0x3  }
0x33: {  	p0 =	seq.s32 s10, $0x1;
	s10 =	sld [smem:$0x3FB9];
	_ =	sdelay $0x3  }
0x34: {  	[smem:$0x3FB9] =	sst s10  }
0x35: {  	s10 =	sld [smem:$0x3FB8];
	_ =	sdelay $0x3  }
0x36: {  	p1 =	seq.s32 s10, $0x1;
	s10 =	sld [smem:$0x3FB9];
	_ =	sdelay $0x3  }
0x37: {  	[smem:$0x3FB9] =	sst s10  }
0x38: {  	s10 =	sld [smem:$0x3FBA]  }
0x39: {  	_ = 	snop;
	(pc) =	sbr.ind lr, $3  }
0x3a: {  	_ = 	snop  }
0x3b: {  	_ = 	snop  }
0x3c: {  	p2 =	seq.s32 s10, $0x1;
	s10 =	sld [smem:$0x3FB9]  }
0x3d: {  	_ =	shalt  }
0x3e: {  	_ =	shalt  }
0x3f: {  	_ =	shalt  }
0x40: {  	_ =	shalt  }
0x41: {  	_ =	shalt  }
0x42: {  	_ =	shalt  }
0x43: {  	_ =	shalt  }
0x44: {  	_ =	shalt  }
0x45: {  	_ =	shalt  }
0x46: {  	_ =	shalt  }
0x47: {  	_ =	shalt  }
0x48: {  	_ =	shalt  }
0x49: {  	_ =	shalt  }
0x4a: {  	_ =	shalt  }
0x4b: {  	_ =	shalt  }
0x4c: {  	_ =	shalt  }
0x4d: {  	_ =	shalt  }
0x4e: {  	_ =	shalt  }
0x4f: {  	_ =	shalt  }
0x50: {  	_ =	shalt  }
0x51: {  	_ =	shalt  }
0x52: {  	_ =	shalt  }
0x53: {  	_ =	shalt  }
0x54: {  	_ =	shalt  }
0x55: {  	_ =	shalt  }
0x56: {  	_ =	shalt  }
0x57: {  	_ =	shalt  }
0x58: {  	_ =	shalt  }
0x59: {  	_ =	shalt  }
0x5a: {  	_ =	shalt  }
0x5b: {  	_ =	shalt  }
0x5c: {  	_ =	shalt  }
0x5d: {  	_ =	shalt  }
0x5e: {  	_ =	shalt  }
0x5f: {  	_ =	shalt  }
0x60: {  	_ =	shalt  }
0x61: {  	_ =	shalt  }
0x62: {  	_ =	shalt  }
0x63: {  	_ =	shalt  }
0x64: {  	_ =	shalt  }
0x65: {  	_ =	shalt  }
0x66: {  	_ =	shalt  }
0x67: {  	_ =	shalt  }
0x68: {  	_ =	shalt  }
0x69: {  	_ =	shalt  }
0x6a: {  	_ =	shalt  }
0x6b: {  	_ =	shalt  }
0x6c: {  	_ =	shalt  }
0x6d: {  	_ =	shalt  }
0x6e: {  	_ =	shalt  }
0x6f: {  	_ =	shalt  }
0x70: {  	_ =	shalt  }
0x71: {  	_ =	shalt  }
0x72: {  	_ =	shalt  }
0x73: {  	_ =	shalt  }
0x74: {  	_ =	shalt  }
0x75: {  	_ =	shalt  }
0x76: {  	_ =	shalt  }
0x77: {  	_ =	shalt  }
0x78: {  	_ =	shalt  }
0x79: {  	_ =	shalt  }
0x7a: {  	_ =	shalt  }
0x7b: {  	_ =	shalt  }
0x7c: {  	_ =	shalt  }
0x7d: {  	_ =	shalt  }
0x7e: {  	_ =	shalt  }
0x7f: {  	_ =	shalt  }
0x80: {  	_ =	shalt  }
0x81: {  	_ =	shalt  }
0x82: {  	_ =	shalt  }
0x83: {  	_ =	shalt  }
0x84: {  	_ =	shalt  }
0x85: {  	_ =	shalt  }
0x86: {  	_ =	shalt  }
0x87: {  	_ =	shalt  }
.Lfunc_end0:
.L_simem_size_0:
called_computation_lowered:
.L_overlay_start_0:
0x88: {  	s2 =	sld [smem:$0x3FD9]  }
0x89: {  	s3 =	sld [smem:$0x3FFE];
	_ =	sdelay $0x1  }
0x8a: {  	s1 =	srdreg.scid  }
0x8b: {  	s0 =	sand.u32 $0x1, s1  }
0x8c: {  	s14 =	sshll.u32 s0, $0xA;
	s2 =	sadd.s32 s3, s2  }
0x8d: {  	s2 =	sadd.s32 s2, s14  }
0x8e: {  	[smem:$0x3FC5] =	sst s2  }
0x8f: {  	_ = 	snop  }
0x90: {  	s2 =	sld [smem:$0x3FD0];
	_ =	sdelay $0x1  }
0x91: {  	s15 =	sld [smem:$0x3FC9]  }
0x92: {  	s5 =	simm.s32 $0xA;
	s6 =	simm.s32 $0x10;
	s4 =	sld [smem:$0x3FC8]  }
0x93: {  	[smem:s6], [sflag:s5] =	dma.local [hbm:s2], $0x1  }
0x94: {  	_ =	swait.eq [sflag:s5], $0x1  }
0x95: {  	[sflag:s5] =	ssyncset.done $0x0  }
0x96: {  	s16 =	sld [smem:$0x10];
	[sflag:s5] =	ssyncadd.s32 $0xFFFFFFFF  }
0x97: {  	s17 =	sld [smem:$0x11];
	(tm) =	ssettm $0x1  }
0x98: {  	s18 =	sld [smem:$0x3FFB];
	_ =	sdelay $0x3  }
0x99: {  	_ =	strace s18  }
0x9a: {  	s6 =	sld [smem:$0x3FFC];
	_ =	sdelay $0x3  }
0x9b: {  	_ =	strace s6  }
0x9c: {  	s6 =	sld [smem:$0x3FFD];
	_ =	sdelay $0x3  }
0x9d: {  	_ =	strace s6  }
0x9e: {  	_ =	strace $0x8FFFFFFF  }
0x9f: {  	s19 =	sld [smem:$0x3FDB];
	_ =	sdelay $0x1  }
0xa0: {  	s7 =	simm.s32 $_scs_section_size  }
0xa1: {  	s8 =	simm.s32 $_size__tile_overlayer_lowered;
	s9 =	simm.s32 $_tile_overlayer_lowered  }
0xa2: {  	s22 =	simm.s32 $0x1BFF;
	s21 =	sshll.u32 s9, $0x1;
	s6 =	sadd.s32 s7, s19  }
0xa3: {  	s10 =	simm.s32 $0x0;
	s20 =	sshll.u32 s8, $0x1;
	s8 =	sadd.s32 s21, s6  }
0xa4: {  	[timem:s10], [sflag:s22] =	dma.local [hbm:s8], s20  }
0xa5: {  	_ =	swait.ge [sflag:s22], s20  }
0xa6: {  	s7 =	ssub.s32 $0x0, s20;
	[sflag:s22] =	ssyncset.done $0x0  }
0xa7: {  	[sflag:s22] =	ssyncadd.s32 s7;
	_ =	sdelay $0x1  }
0xa8: {  	s23 =	simm.s32 $0x1B8B  }
0xa9: {  	_ =	swait.ge [sflag:s23], $0x1  }
0xaa: {  	[sflag:s23] =	ssyncset.done $0x0  }
0xab: {  	s25 =	simm.s32 $0x1B8E;
	s24 =	sld [smem:$0x3FFE];
	[sflag:s23] =	ssyncadd.s32 $0xFFFFFFFF  }
0xac: {  	s26 =	simm.s32 $execute0_lowered;
	[smem:$0x3FD2] =	sst s25  }
0xad: {  	s8 =	sshll.u32 s26, $0x1;
	_ =	strace $0x80000046;
	[dreg:$0x1] =	wrdreg $0xFFFFFFFF  }
0xae: {  	s28 =	simm.s32 $_size_execute0_lowered;
	s6 =	sadd.s32 s6, s8;
	[dreg:$0x0] =	wrdreg $0x0  }
0xaf: {  	s8 =	sshll.u32 s28, $0x1;
	[dreg:$0x2] =	wrdreg s6  }
0xb0: {  	[dreg:$0x3] =	wrdreg s8  }
0xb1: {  	[dreg:$0x4] =	wrdreg $0xC0  }
0xb2: {  	_ =	task [dreg:s10], $0x5FFFF  }
0xb3: {  	[dreg:$0x1] =	wrdreg $0xFFFFFFFF  }
0xb4: {  	[dreg:$0x0] =	wrdreg $0x60  }
0xb5: {  	[dreg:$0x2] =	wrdreg s15  }
0xb6: {  	[dreg:$0x3] =	wrdreg s4  }
0xb7: {  	[dreg:$0x4] =	wrdreg s24  }
0xb8: {  	[dreg:$0x5] =	wrdreg s16  }
0xb9: {  	[dreg:$0x6] =	wrdreg s17  }
0xba: {  	[dreg:$0x7] =	wrdreg $0x9  }
0xbb: {  	_ =	task.clear_ibuf [dreg:s10], $0x8FFFF;
	_ =	strace $0x90000046  }
0xbc: {  	s29 =	simm.s32 $0x9;
	_ =	strace $0x80000048  }
0xbd: {  	_ =	swait.ge [sflag:s29], $0x1  }
0xbe: {  	[sflag:s29] =	ssyncadd.s32 $0xFFFFFFFF  }
0xbf: {  	_ =	strace $0x90000048  }
0xc0: {  	_ =	sfence  }
0xc1: {  	s30 =	sld [smem:$0x0];
	_ =	sdelay $0x2  }
0xc2: {  	s31 =	sshll.u32 s1, $0xD;
	s1 =	sshrl.u32 s1, $0x2  }
0xc3: {  	s3 =	sand.u32 $0x4000, s31;
	s1 =	sadd.s32 s1, s30  }
0xc4: {  	s0 =	sor.u32 s3, s0;
	s1 =	sshll.u32 s1, $0x11  }
0xc5: {  	s0 =	sor.u32 s1, s0  }
0xc6: {  	s0 =	sadd.s32 $0x8F2B, s0  }
0xc7: {  	[sflag:s0] =	ssyncadd.remote.s32 $0x1  }
0xc8: {  	_ =	sfence.sel $0xFFFF  }
0xc9: {  	[dreg:$0x0] =	wrdreg $0xFFFFFFFF;
	(pc) =	sbr.abs _section_cstart, $3  }
0xca: {  	[dreg:$0x1] =	wrdreg $0xFFFFFFFF  }
0xcb: {  	_ =	task.clear_ibuf [dreg:s10], $0x2FFFF;
	_ =	strace $0x9FFFFFFF  }
0xcc: {  	(tm) =	ssettm $0x7FFFFFFF  }
0xcd: {  	_ =	shalt  }
tec
execute0_lowered:
.L_overlay_start_1:
0x0: {  	(tag) =	ssettag $0x1  }
0x1: {  	s0 =	rddreg [dreg:$0x0]  }
0x2: {  	s6 =	rddreg [dreg:$0x1]  }
0x3: {  	s3 =	rddreg [dreg:$0x2]  }
0x4: {  	s1 =	srdreg.scid;
	s2 =	rddreg [dreg:$0x3]  }
0x5: {  	s8 =	stileid.u32;
	s7 =	rddreg [dreg:$0x4];
	s28 =	simm.s32 $0x1B580  }
0x6: {  	s29 =	simm.s32 $0x11;
	s30 =	simm.s32 $0x3;
	s31 =	simm.s32 $0x9  }
0x7: {  	s4 =	sand.u32 $0x1, s1;
	s16 =	sshll.u32 s8, $0x1;
	s1 =	simm.s32 $0x0  }
0x8: {  	s8 =	sshrl.u32 s8, $0x2;
	s13 =	sadd.s32 $0x600, s3;
	s5 =	sor.u32 s4, s16  }
0x9: {  	[smem:$0x7FF] =	sst s1;
	s10 =	smul.u32 $0x138800, s8;
	s17 =	ssub.s32 $0x2, s4  }
0xa: {  	s9 =	sxor.u32 $0x3F, s5;
	s5 =	sshll.u32 s5, $0x7;
	s18 =	sshrl.u32 s17, $0x1  }
0xb: {  	s11 =	sshrl.u32 s9, $0x3;
	s9 =	sshll.u32 s9, $0x7;
	s14 =	sand.u32 $0x380, s5  }
0xc: {  	s3 =	ssub.s32 s17, s18;
	s12 =	smul.u32 $0x138800, s11;
	s9 =	sand.u32 $0x380, s9  }
0xd: {  	s4 =	sor.u32 s10, s14;
	s25 =	sshll.u32 s11, $0xA;
	s11 =	sshll.u32 s11, $0xC  }
0xe: {  	s21 =	sadd.s32 $0x1F400, s4;
	s17 =	sadd.s32 $0x3E800, s4;
	s26 =	sadd.s32 $0x5DC00, s4  }
0xf: {  	s5 =	sor.u32 s9, s12;
	s12 =	sshrl.u32 s4, $0x3;
	s10 =	sshrl.u32 s21, $0x3  }
0x10: {  	s17 =	sshrl.u32 s17, $0x3;
	s15 =	sshrl.u32 s5, $0x3;
	s19 =	sadd.s32 s0, s12  }
0x11: {  	s16 =	sadd.s32 $0x1F400, s5;
	s18 =	sadd.s32 s0, s10;
	s23 =	sadd.s32 s0, s17  }
0x12: {  	s24 =	sadd.s32 $0x3E800, s5;
	s21 =	sadd.s32 $0x5DC00, s5;
	[dreg:$0x6] =	wrdreg s19  }
0x13: {  	s20 =	sadd.s32 s0, s15;
	s16 =	sshrl.u32 s16, $0x3;
	[dreg:$0x8] =	wrdreg s18  }
0x14: {  	[dreg:$0xa] =	wrdreg s23;
	s19 =	sshll.u32 s8, $0xA;
	s8 =	sshll.u32 s8, $0xC  }
0x15: {  	s23 =	sshrl.u32 s26, $0x3;
	s26 =	sadd.s32 s2, s10;
	[dreg:$0x7] =	wrdreg s20  }
0x16: {  	s22 =	sadd.s32 s0, s16;
	s19 =	sor.u32 s19, s14;
	s8 =	sor.u32 s8, s14  }
0x17: {  	s14 =	sor.u32 s9, s25;
	s9 =	sor.u32 s9, s11;
	[dreg:$0x13] =	wrdreg s26  }
0x18: {  	s25 =	sadd.s32 s2, s15;
	s10 =	sadd.s32 s2, s16;
	[dreg:$0x9] =	wrdreg s22  }
0x19: {  	s11 =	sadd.s32 s2, s17;
	s15 =	sadd.s32 s0, s23;
	[dreg:$0x12] =	wrdreg s25  }
0x1a: {  	s17 =	sadd.s32 $0x9C400, s4;
	s19 =	sshrl.u32 s19, $0x3;
	[dreg:$0x14] =	wrdreg s10  }
0x1b: {  	s14 =	sshrl.u32 s14, $0x3;
	s8 =	sshrl.u32 s8, $0x3;
	[dreg:$0x15] =	wrdreg s11  }
0x1c: {  	s22 =	sshrl.u32 s24, $0x3;
	s24 =	sadd.s32 s2, s12;
	[dreg:$0x18] =	wrdreg s15  }
0x1d: {  	s9 =	sshrl.u32 s9, $0x3;
	s19 =	sadd.s32 s13, s19;
	[dreg:$0x11] =	wrdreg s24  }
0x1e: {  	s18 =	sshrl.u32 s17, $0x3;
	s13 =	sadd.s32 s13, s14;
	[dreg:$0xb] =	wrdreg s19  }
0x1f: {  	s10 =	sadd.s32 $0xDAC00, s4;
	s14 =	sadd.s32 s6, s8;
	[dreg:$0xc] =	wrdreg s13  }
0x20: {  	s11 =	sadd.s32 $0xDAC00, s5;
	s6 =	sadd.s32 s6, s9;
	[dreg:$0xd] =	wrdreg s14  }
0x21: {  	s15 =	sadd.s32 $0xFA000, s5;
	s20 =	sadd.s32 s7, s9;
	[dreg:$0xe] =	wrdreg s6  }
0x22: {  	s12 =	sadd.s32 s0, s22;
	s25 =	sadd.s32 s0, s18;
	[dreg:$0x10] =	wrdreg s20  }
0x23: {  	s19 =	sadd.s32 s7, s8;
	s6 =	sshrl.u32 s21, $0x3;
	[dreg:$0x16] =	wrdreg s12  }
0x24: {  	s7 =	sadd.s32 s2, s22;
	s13 =	sadd.s32 $0x7D000, s4;
	[smem:$0x7E9] =	sst s25  }
0x25: {  	s14 =	sadd.s32 $0x7D000, s5;
	s8 =	sadd.s32 s2, s23;
	[dreg:$0xf] =	wrdreg s19  }
0x26: {  	s22 =	sadd.s32 $0xBB800, s4;
	s23 =	sadd.s32 $0xBB800, s5;
	[dreg:$0x17] =	wrdreg s7  }
0x27: {  	s7 =	sshrl.u32 s13, $0x3;
	s9 =	sshrl.u32 s14, $0x3;
	[dreg:$0x19] =	wrdreg s8  }
0x28: {  	s16 =	sadd.s32 s0, s6;
	s6 =	sadd.s32 s2, s6;
	s19 =	sadd.s32 $0x9C400, s5  }
0x29: {  	s24 =	sshrl.u32 s23, $0x3;
	s14 =	sadd.s32 $0xFA000, s4;
	[dreg:$0x1a] =	wrdreg s16  }
0x2a: {  	s4 =	sadd.s32 $0x119400, s4;
	[dreg:$0x1b] =	wrdreg s6;
	s20 =	sadd.s32 s0, s7  }
0x2b: {  	s5 =	sadd.s32 $0x119400, s5;
	s7 =	sadd.s32 s2, s7;
	[dreg:$0x1c] =	wrdreg s20  }
0x2c: {  	s8 =	sshrl.u32 s19, $0x3;
	s21 =	sadd.s32 s0, s9;
	[dreg:$0x1d] =	wrdreg s7  }
0x2d: {  	s9 =	sadd.s32 s2, s9;
	s6 =	sadd.s32 s2, s18;
	[dreg:$0x1e] =	wrdreg s21  }
0x2e: {  	s13 =	sadd.s32 s0, s24;
	s4 =	sshrl.u32 s4, $0x3;
	[dreg:$0x1f] =	wrdreg s9  }
0x2f: {  	s5 =	sshrl.u32 s5, $0x3;
	s7 =	sshrl.u32 s22, $0x3;
	[smem:$0x7EA] =	sst s6  }
0x30: {  	s26 =	sadd.s32 s0, s8;
	s8 =	sadd.s32 s2, s8;
	[smem:$0x7EF] =	sst s13  }
0x31: {  	s6 =	sshrl.u32 s10, $0x3;
	s9 =	sadd.s32 s2, s24;
	[smem:$0x7EB] =	sst s26  }
0x32: {  	s21 =	sadd.s32 s0, s4;
	s24 =	sadd.s32 s2, s4;
	[smem:$0x7EC] =	sst s8  }
0x33: {  	s25 =	sadd.s32 s2, s5;
	s4 =	simm.s32 $0x6;
	[smem:$0x7F0] =	sst s9  }
0x34: {  	s10 =	simm.s32 $0xE;
	s13 =	simm.s32 $0xC;
	[smem:$0x7F7] =	sst s21  }
0x35: {  	s8 =	sshrl.u32 s11, $0x3;
	s12 =	sadd.s32 s0, s7;
	[smem:$0x7FB] =	sst s24  }
0x36: {  	s7 =	sadd.s32 s2, s7;
	s9 =	sshrl.u32 s15, $0x3;
	[smem:$0x7FC] =	sst s25  }
0x37: {  	s16 =	sadd.s32 s0, s6;
	s6 =	sadd.s32 s2, s6;
	[smem:$0x7ED] =	sst s12  }
0x38: {  	s26 =	smax.u32 s3, $0x1;
	s21 =	simm.s32 $0xFA00;
	[smem:$0x7EE] =	sst s7  }
0x39: {  	s3 =	simm.s32 $0x2;
	s11 =	simm.s32 $0xB;
	[smem:$0x7F1] =	sst s16  }
0x3a: {  	s15 =	simm.s32 $0x0;
	s7 =	sshrl.u32 s14, $0x3;
	[smem:$0x7F2] =	sst s6  }
0x3b: {  	s17 =	sadd.s32 s0, s8;
	s18 =	sadd.s32 s2, s8;
	s20 =	sadd.s32 s0, s9  }
0x3c: {  	s23 =	sadd.s32 s2, s9;
	s6 =	simm.s32 $0xD;
	[smem:$0x7F3] =	sst s17  }
0x3d: {  	s8 =	simm.s32 $0x8;
	s9 =	simm.s32 $0xA;
	[smem:$0x7F4] =	sst s18  }
0x3e: {  	s12 =	simm.s32 $0xF;
	s14 =	simm.s32 $0x10;
	[smem:$0x7F6] =	sst s20  }
0x3f: {  	s19 =	sadd.s32 s0, s7;
	s0 =	sadd.s32 s0, s5;
	[smem:$0x7FA] =	sst s23  }
0x40: {  	s22 =	sadd.s32 s2, s7;
	s20 =	simm.s32 $0x400;
	[smem:$0x7F5] =	sst s19  }
0x41: {  	s23 =	simm.s32 $0x13880;
	s2 =	simm.s32 $0x5;
	[smem:$0x7F8] =	sst s0  }
0x42: {  	s5 =	simm.s32 $0x7;
	s7 =	simm.s32 $0x4;
	[smem:$0x7F9] =	sst s22  }
0x43: {  	s19 =	simm.s32 $0x80;
	s22 =	simm.s32 $0x3E80;
	s0 =	simm.s32 $0x1  }
0x44: {  	_ =	strace $0x80000047;
	[smem:$0x7FD] =	sst s26;
	s26 =	simm.s32 $0xBB80  }
.LBB2_1:
0x45: {  	s16 =	rddreg [dreg:$0x6]  }
0x46: {  	[tilespmem:s1], [sflag:$0x1] =	stream.strided.gather [hbm4b:s16+s19], $0x3E80, s20, s19, $0x38;
	[tilespmem:$0x1F900] =	vst v63  }
0x47: {  	s17 =	rddreg [dreg:$0x7]  }
0x48: {  	[tilespmem:s21], [sflag:$0x5] =	stream.strided.gather [hbm4b:s17+s19], $0x3E80, s20, s19, $0x38;
	[tilespmem:$0x1F900] =	vst v63  }
0x49: {  	s18 =	rddreg [dreg:$0x8]  }
0x4a: {  	[tilespmem:s22], [sflag:$0x2] =	stream.strided.gather [hbm4b:s18+s19], $0x3E80, s20, s19, $0x38;
	[tilespmem:$0x1F900] =	vst v63  }
0x4b: {  	s24 =	rddreg [dreg:$0x9]  }
0x4c: {  	[tilespmem:s23], [sflag:$0x6] =	stream.strided.gather [hbm4b:s24+s19], $0x3E80, s20, s19, $0x38;
	[tilespmem:$0x1F900] =	vst v63  }
0x4d: {  	s25 =	rddreg [dreg:$0xa];
	s17 =	simm.s32 $0x7D00  }
0x4e: {  	[tilespmem:s17], [sflag:$0x3] =	stream.strided.gather [hbm4b:s25+s19], $0x3E80, s20, s19, $0x38;
	[tilespmem:$0x1F900] =	vst v63  }
0x4f: {  	s18 =	simm.s32 $0x17700;
	s17 =	rddreg [dreg:$0x16]  }
0x50: {  	[tilespmem:s18], [sflag:$0x7] =	stream.strided.gather [hbm4b:s17+s19], $0x3E80, s20, s19, $0x38;
	[tilespmem:$0x1F900] =	vst v63  }
0x51: {  	s24 =	rddreg [dreg:$0x18]  }
0x52: {  	[tilespmem:s26], [sflag:$0x4] =	stream.strided.gather [hbm4b:s24+s19], $0x3E80, s20, s19, $0x38;
	[tilespmem:$0x1F900] =	vst v63  }
0x53: {  	s25 =	rddreg [dreg:$0x1a]  }
0x54: {  	[tilespmem:s28], [sflag:$0x8] =	stream.strided.gather [hbm4b:s25+s19], $0x3E80, s20, s19, $0x38;
	[tilespmem:$0x1F900] =	vst v63  }
0x55: {  	s17 =	rddreg [dreg:$0xb];
	s18 =	simm.s32 $0x1F800  }
0x56: {  	[tilespmem:s18], [sflag:$0x11] =	stream.linear.gather [hbm4b:s17+s1], $0x80, $0x38;
	[tilespmem:$0x1F900] =	vst v63  }
0x57: {  	_ =	swait.ge [sflag:s29], $0x80  }
0x58: {  	[sflag:s29] =	ssyncset.done $0x0  }
0x59: {  	s25 =	simm.s32 $0x1F880;
	s24 =	rddreg [dreg:$0xc];
	[sflag:s29] =	ssyncadd.s32 $0xFFFFFF80  }
0x5a: {  	[tilespmem:s25], [sflag:$0x11] =	stream.linear.gather [hbm4b:s24+s1], $0x80, $0x38;
	[tilespmem:$0x1F900] =	vst v63  }
0x5b: {  	_ =	swait.ge [sflag:s29], $0x80  }
0x5c: {  	[sflag:s29] =	ssyncset.done $0x0  }
0x5d: {  	[sflag:s29] =	ssyncadd.s32 $0xFFFFFF80  }
0x5e: {  	v2 =	vld [tilespmem:$0x1F800]  }
0x5f: {  	v3 =	vld [tilespmem:$0x1F810]  }
0x60: {  	s18 =	simm.s32 $0x1F400;
	s17 =	rddreg [dreg:$0xd];
	v0 =	vld [tilespmem:$0x1F880]  }
0x61: {  	v1 =	vld [tilespmem:$0x1F890];
	[tilespmem:s18], [sflag:$0x11] =	stream.strided.gather [hbm4b:s17+s19], $0x200, s20, s19, $0x38  }
0x62: {  	_ =	swait.ge [sflag:s29], $0x200  }
0x63: {  	[sflag:s29] =	ssyncset.done $0x0  }
0x64: {  	s25 =	simm.s32 $0x1F600;
	s24 =	rddreg [dreg:$0xe];
	[sflag:s29] =	ssyncadd.s32 $0xFFFFFE00  }
0x65: {  	[tilespmem:s25], [sflag:$0x11] =	stream.strided.gather [hbm4b:s24+s19], $0x200, s20, s19, $0x38;
	[tilespmem:$0x1F900] =	vst v63  }
0x66: {  	_ =	swait.ge [sflag:s29], $0x200  }
0x67: {  	[sflag:s29] =	ssyncset.done $0x0  }
0x68: {  	s17 =	simm.s32 $0x1F440;
	[sflag:s29] =	ssyncadd.s32 $0xFFFFFE00  }
0x69: {  	s16 =	simm.s32 $0x1F640;
	v4 =	vld [tilespmem:s17+$0x30]  }
0x6a: {  	v5 =	vld [tilespmem:s16+$0x30]  }
0x6b: {  	v6 =	vld [tilespmem:s16+$0xFFFFFFC0]  }
0x6c: {  	v8 =	vld [tilespmem:s17+$0xFFFFFFD0]  }
0x6d: {  	v9 =	vld [tilespmem:s16+$0xFFFFFFD0]  }
0x6e: {  	v11 =	vld [tilespmem:s17+$0xFFFFFFE0]  }
0x6f: {  	v12 =	vld [tilespmem:s16+$0xFFFFFFE0];
	v7 =	vmul.f32 v4, v2;
	v10 =	vmul.f32 v5, v3  }
0x70: {  	v15 =	vld [tilespmem:s17+$0xFFFFFFF0];
	v13 =	vmul.f32 v5, v0;
	v14 =	vmul.f32 v4, v1  }
0x71: {  	v16 =	vld [tilespmem:s16+$0xFFFFFFF0];
	v5 =	vmul.f32 v6, v3;
	v4 =	vmul.f32 v6, v0  }
0x72: {  	v17 =	vmul.f32 v8, v2;
	v18 =	vmul.f32 v9, v3;
	v6 =	vadd.f32 v10, v7;
	v7 =	vld [tilespmem:s17+$0x0]  }
0x73: {  	v9 =	vmul.f32 v9, v0;
	v13 =	vadd.f32 v13, v14;
	v14 =	vmul.f32 v8, v1;
	v10 =	vld [tilespmem:s16+$0x0]  }
0x74: {  	v8 =	vld [tilespmem:s17+$0x10];
	[tilespmem:s17+$0x30] =	vst v6;
	v6 =	vadd.f32 v18, v17;
	v17 =	vmul.f32 v11, v2;
	v18 =	vmul.f32 v12, v3  }
0x75: {  	v9 =	vadd.f32 v9, v14;
	v12 =	vmul.f32 v12, v0;
	[tilespmem:s16+$0x30] =	vst v13;
	v13 =	vmul.f32 v11, v1;
	v11 =	vld [tilespmem:s16+$0x10]  }
0x76: {  	v19 =	vmul.f32 v16, v3;
	[tilespmem:s17+$0xFFFFFFD0] =	vst v6;
	v17 =	vadd.f32 v18, v17;
	v18 =	vmul.f32 v15, v2;
	v6 =	vld [tilespmem:s17+$0x20]  }
0x77: {  	v14 =	vmul.f32 v16, v0;
	v15 =	vmul.f32 v15, v1;
	[tilespmem:s16+$0xFFFFFFD0] =	vst v9;
	v13 =	vadd.f32 v12, v13;
	v9 =	vld [tilespmem:s16+$0x20]  }
0x78: {  	s18 =	simm.s32 $0x0;
	s24 =	simm.s32 $0x1F4C0;
	s25 =	simm.s32 $0x1F640;
	v12 =	vld [tilespmem:s17+$0xFFFFFFC0];
	[tilespmem:s17+$0xFFFFFFE0] =	vst v17;
	v16 =	vadd.f32 v19, v18;
	v17 =	vmul.f32 v7, v2;
	v18 =	vmul.f32 v10, v3  }
.LBB2_2:
0x79: {  	v19 =	vld [tilespmem:s24+$0x30];
	[tilespmem:s16+$0xFFFFFFE0] =	vst v13;
	v13 =	vadd.f32 v14, v15;
	v10 =	vmul.f32 v10, v0;
	v7 =	vmul.f32 v7, v1;
	s25 =	sadd.s32 $0x80, s25  }
0x7a: {  	v14 =	vld [tilespmem:s25+$0x30];
	[tilespmem:s17+$0xFFFFFFF0] =	vst v16;
	v15 =	vadd.f32 v18, v17;
	v16 =	vmul.f32 v8, v2;
	v17 =	vmul.f32 v11, v3  }
0x7b: {  	s18 =	sadd.s32 $0x8, s18;
	v8 =	vmul.f32 v8, v1;
	v18 =	vld [tilespmem:s25+$0xFFFFFFC0];
	[tilespmem:s16+$0xFFFFFFF0] =	vst v13;
	v7 =	vadd.f32 v10, v7;
	v10 =	vmul.f32 v11, v0  }
0x7c: {  	p0 =	slt.u32 s18, $0x18;
	v11 =	vld [tilespmem:s24+$0xFFFFFFD0];
	[tilespmem:s17+$0x0] =	vst v15;
	v13 =	vadd.f32 v17, v16;
	v15 =	vmul.f32 v6, v2;
	v16 =	vmul.f32 v9, v3  }
0x7d: {  	v17 =	vld [tilespmem:s25+$0xFFFFFFD0];
	v20 =	vmul.f32 v12, v2;
	v12 =	vmul.f32 v12, v1;
	[tilespmem:s16+$0x0] =	vst v7;
	v7 =	vadd.f32 v10, v8  }
0x7e: {  	v9 =	vmul.f32 v9, v0;
	v6 =	vmul.f32 v6, v1;
	v21 =	vld [tilespmem:s24+$0xFFFFFFE0];
	[tilespmem:s17+$0x10] =	vst v13;
	v8 =	vadd.f32 v16, v15  }
0x7f: {  	v10 =	vmul.f32 v19, v2;
	v13 =	vld [tilespmem:s25+$0xFFFFFFE0];
	v15 =	vmul.f32 v14, v3;
	v16 =	vadd.f32 v5, v20;
	[tilespmem:s16+$0x10] =	vst v7  }
0x80: {  	v19 =	vmul.f32 v19, v1;
	v14 =	vmul.f32 v14, v0;
	v12 =	vadd.f32 v4, v12;
	v20 =	vld [tilespmem:s24+$0xFFFFFFF0];
	[tilespmem:s17+$0x20] =	vst v8  }
0x81: {  	v5 =	vmul.f32 v18, v3;
	v4 =	vmul.f32 v18, v0;
	v18 =	vld [tilespmem:s25+$0xFFFFFFF0];
	v8 =	vadd.f32 v15, v10;
	[tilespmem:s17+$0xFFFFFFC0] =	vst v16;
	s17 =	smov.u32 s24  }
0x82: {  	v15 =	vmul.f32 v11, v2;
	v14 =	vadd.f32 v14, v19;
	v16 =	vmul.f32 v17, v3;
	v7 =	vld [tilespmem:s24+$0x0];
	[tilespmem:s16+$0xFFFFFFC0] =	vst v12  }
0x83: {  	v6 =	vadd.f32 v9, v6;
	v11 =	vmul.f32 v11, v1;
	v12 =	vmul.f32 v17, v0;
	v10 =	vld [tilespmem:s25+$0x0];
	[tilespmem:s24+$0x30] =	vst v8  }
.Ltmp0:
0x84: {  	v9 =	vadd.f32 v16, v15;
	v15 =	vmul.f32 v21, v2;
	v16 =	vmul.f32 v13, v3;
	v8 =	vld [tilespmem:s24+$0x10];
	[tilespmem:s25+$0x30] =	vst v14;
	(pc) =	sbr.rel @p0 .LBB2_2-.Ltmp0, $4  }
0x85: {  	v12 =	vadd.f32 v12, v11;
	v13 =	vmul.f32 v13, v0;
	v14 =	vmul.f32 v21, v1;
	v11 =	vld [tilespmem:s25+$0x10];
	[tilespmem:s16+$0x20] =	vst v6;
	s16 =	smov.u32 s25  }
0x86: {  	v17 =	vmul.f32 v20, v2;
	[tilespmem:s24+$0xFFFFFFD0] =	vst v9;
	v16 =	vadd.f32 v16, v15;
	v19 =	vmul.f32 v18, v3;
	v6 =	vld [tilespmem:s24+$0x20]  }
0x87: {  	v13 =	vadd.f32 v13, v14;
	v14 =	vmul.f32 v18, v0;
	v15 =	vmul.f32 v20, v1;
	[tilespmem:s25+$0xFFFFFFD0] =	vst v12;
	v9 =	vld [tilespmem:s25+$0x20]  }
0x88: {  	s24 =	sadd.s32 $0x80, s24;
	v12 =	vld [tilespmem:s17+$0xFFFFFFC0];
	[tilespmem:s17+$0xFFFFFFE0] =	vst v16;
	v16 =	vadd.f32 v19, v17;
	v17 =	vmul.f32 v7, v2;
	v18 =	vmul.f32 v10, v3  }
0x89: {  	[tilespmem:s16+$0xFFFFFFE0] =	vst v13;
	v13 =	vadd.f32 v14, v15;
	v10 =	vmul.f32 v10, v0;
	v7 =	vmul.f32 v7, v1  }
0x8a: {  	v15 =	vmul.f32 v8, v2;
	[tilespmem:s17+$0xFFFFFFF0] =	vst v16;
	v14 =	vadd.f32 v18, v17;
	v16 =	vmul.f32 v11, v3  }
0x8b: {  	v8 =	vmul.f32 v8, v1;
	[tilespmem:s16+$0xFFFFFFF0] =	vst v13;
	v7 =	vadd.f32 v10, v7;
	v10 =	vmul.f32 v11, v0  }
0x8c: {  	v13 =	vmul.f32 v6, v2;
	[tilespmem:s17+$0x0] =	vst v14;
	v11 =	vadd.f32 v16, v15;
	v14 =	vmul.f32 v9, v3  }
0x8d: {  	v15 =	vmul.f32 v12, v2;
	[tilespmem:s16+$0x0] =	vst v7;
	v7 =	vadd.f32 v10, v8  }
0x8e: {  	v8 =	vmul.f32 v12, v1;
	[tilespmem:s17+$0x10] =	vst v11;
	v10 =	vadd.f32 v14, v13  }
0x8f: {  	v6 =	vmul.f32 v6, v1;
	v9 =	vmul.f32 v9, v0;
	v5 =	vadd.f32 v5, v15;
	[tilespmem:s16+$0x10] =	vst v7  }
0x90: {  	v4 =	vadd.f32 v4, v8;
	[tilespmem:s17+$0x20] =	vst v10  }
0x91: {  	[tilespmem:s17+$0xFFFFFFC0] =	vst v5;
	v5 =	vadd.f32 v9, v6  }
0x92: {  	[tilespmem:s16+$0xFFFFFFC0] =	vst v4  }
0x93: {  	[tilespmem:s16+$0x20] =	vst v5  }
0x94: {  	s18 =	simm.s32 $0x1F400;
	s16 =	rddreg [dreg:$0xf]  }
0x95: {  	[hbm4b:s16+s19] =	stream.strided.scatter [tilespmem:s18], [sflag:$0x11], $0x200, s20, s19, $0x38;
	[tilespmem:$0x1F900] =	vst v63  }
0x96: {  	_ =	swait.ge [sflag:s29], $0x200  }
0x97: {  	[sflag:s29] =	ssyncset.done $0x0  }
0x98: {  	s25 =	simm.s32 $0x1F600;
	s24 =	rddreg [dreg:$0x10];
	[sflag:s29] =	ssyncadd.s32 $0xFFFFFE00  }
0x99: {  	[hbm4b:s24+s19] =	stream.strided.scatter [tilespmem:s25], [sflag:$0x11], $0x200, s20, s19, $0x38;
	[tilespmem:$0x1F900] =	vst v63  }
0x9a: {  	_ =	swait.ge [sflag:s29], $0x200  }
0x9b: {  	[sflag:s29] =	ssyncset.done $0x0  }
0x9c: {  	[sflag:s29] =	ssyncadd.s32 $0xFFFFFE00  }
0x9d: {  	_ =	swait.ge [sflag:s0], $0x3E80  }
0x9e: {  	[sflag:s0] =	ssyncset.done $0x0  }
0x9f: {  	[sflag:s0] =	ssyncadd.s32 $0xFFFFC180  }
0xa0: {  	_ =	swait.ge [sflag:s2], $0x3E80  }
0xa1: {  	[sflag:s2] =	ssyncset.done $0x0  }
0xa2: {  	s17 =	simm.s32 $0x40;
	[sflag:s2] =	ssyncadd.s32 $0xFFFFC180  }
0xa3: {  	s16 =	simm.s32 $0xFA40;
	v4 =	vld [tilespmem:s17+$0x30]  }
0xa4: {  	v5 =	vld [tilespmem:s16+$0x30]  }
0xa5: {  	v6 =	vld [tilespmem:s16+$0xFFFFFFC0]  }
0xa6: {  	v8 =	vld [tilespmem:s17+$0xFFFFFFD0]  }
0xa7: {  	v9 =	vld [tilespmem:s16+$0xFFFFFFD0]  }
0xa8: {  	v11 =	vld [tilespmem:s17+$0xFFFFFFE0]  }
0xa9: {  	v12 =	vld [tilespmem:s16+$0xFFFFFFE0];
	v7 =	vmul.f32 v4, v2;
	v10 =	vmul.f32 v5, v3  }
0xaa: {  	v15 =	vld [tilespmem:s17+$0xFFFFFFF0];
	v13 =	vmul.f32 v5, v0;
	v14 =	vmul.f32 v4, v1  }
0xab: {  	v16 =	vld [tilespmem:s16+$0xFFFFFFF0];
	v5 =	vmul.f32 v6, v3;
	v4 =	vmul.f32 v6, v0  }
0xac: {  	v17 =	vmul.f32 v8, v2;
	v18 =	vmul.f32 v9, v3;
	v6 =	vadd.f32 v10, v7;
	v7 =	vld [tilespmem:s17+$0x0]  }
0xad: {  	v9 =	vmul.f32 v9, v0;
	v13 =	vadd.f32 v13, v14;
	v14 =	vmul.f32 v8, v1;
	v10 =	vld [tilespmem:s16+$0x0]  }
0xae: {  	v8 =	vld [tilespmem:s17+$0x10];
	[tilespmem:s17+$0x30] =	vst v6;
	v6 =	vadd.f32 v18, v17;
	v17 =	vmul.f32 v11, v2;
	v18 =	vmul.f32 v12, v3  }
0xaf: {  	v9 =	vadd.f32 v9, v14;
	v12 =	vmul.f32 v12, v0;
	[tilespmem:s16+$0x30] =	vst v13;
	v13 =	vmul.f32 v11, v1;
	v11 =	vld [tilespmem:s16+$0x10]  }
0xb0: {  	v19 =	vmul.f32 v16, v3;
	[tilespmem:s17+$0xFFFFFFD0] =	vst v6;
	v17 =	vadd.f32 v18, v17;
	v18 =	vmul.f32 v15, v2;
	v6 =	vld [tilespmem:s17+$0x20]  }
0xb1: {  	v14 =	vmul.f32 v16, v0;
	v15 =	vmul.f32 v15, v1;
	[tilespmem:s16+$0xFFFFFFD0] =	vst v9;
	v13 =	vadd.f32 v12, v13;
	v9 =	vld [tilespmem:s16+$0x20]  }
0xb2: {  	s18 =	simm.s32 $0x0;
	s24 =	simm.s32 $0xC0;
	s25 =	simm.s32 $0xFA40;
	v12 =	vld [tilespmem:s17+$0xFFFFFFC0];
	[tilespmem:s17+$0xFFFFFFE0] =	vst v17;
	v16 =	vadd.f32 v19, v18;
	v17 =	vmul.f32 v7, v2;
	v18 =	vmul.f32 v10, v3  }
.LBB2_4:
0xb3: {  	v19 =	vld [tilespmem:s24+$0x30];
	[tilespmem:s16+$0xFFFFFFE0] =	vst v13;
	v13 =	vadd.f32 v14, v15;
	v10 =	vmul.f32 v10, v0;
	v7 =	vmul.f32 v7, v1;
	s25 =	sadd.s32 $0x80, s25  }
0xb4: {  	v14 =	vld [tilespmem:s25+$0x30];
	[tilespmem:s17+$0xFFFFFFF0] =	vst v16;
	v15 =	vadd.f32 v18, v17;
	v16 =	vmul.f32 v8, v2;
	v17 =	vmul.f32 v11, v3  }
0xb5: {  	s18 =	sadd.s32 $0x8, s18;
	v8 =	vmul.f32 v8, v1;
	v18 =	vld [tilespmem:s25+$0xFFFFFFC0];
	[tilespmem:s16+$0xFFFFFFF0] =	vst v13;
	v7 =	vadd.f32 v10, v7;
	v10 =	vmul.f32 v11, v0  }
0xb6: {  	p0 =	slt.u32 s18, $0x3E0;
	v11 =	vld [tilespmem:s24+$0xFFFFFFD0];
	[tilespmem:s17+$0x0] =	vst v15;
	v13 =	vadd.f32 v17, v16;
	v15 =	vmul.f32 v6, v2;
	v16 =	vmul.f32 v9, v3  }
0xb7: {  	v17 =	vld [tilespmem:s25+$0xFFFFFFD0];
	v20 =	vmul.f32 v12, v2;
	v12 =	vmul.f32 v12, v1;
	[tilespmem:s16+$0x0] =	vst v7;
	v7 =	vadd.f32 v10, v8  }
0xb8: {  	v9 =	vmul.f32 v9, v0;
	v6 =	vmul.f32 v6, v1;
	v21 =	vld [tilespmem:s24+$0xFFFFFFE0];
	[tilespmem:s17+$0x10] =	vst v13;
	v8 =	vadd.f32 v16, v15  }
0xb9: {  	v10 =	vmul.f32 v19, v2;
	v13 =	vld [tilespmem:s25+$0xFFFFFFE0];
	v15 =	vmul.f32 v14, v3;
	v16 =	vadd.f32 v5, v20;
	[tilespmem:s16+$0x10] =	vst v7  }
0xba: {  	v19 =	vmul.f32 v19, v1;
	v14 =	vmul.f32 v14, v0;
	v12 =	vadd.f32 v4, v12;
	v20 =	vld [tilespmem:s24+$0xFFFFFFF0];
	[tilespmem:s17+$0x20] =	vst v8  }
0xbb: {  	v5 =	vmul.f32 v18, v3;
	v4 =	vmul.f32 v18, v0;
	v18 =	vld [tilespmem:s25+$0xFFFFFFF0];
	v8 =	vadd.f32 v15, v10;
	[tilespmem:s17+$0xFFFFFFC0] =	vst v16;
	s17 =	smov.u32 s24  }
0xbc: {  	v15 =	vmul.f32 v11, v2;
	v14 =	vadd.f32 v14, v19;
	v16 =	vmul.f32 v17, v3;
	v7 =	vld [tilespmem:s24+$0x0];
	[tilespmem:s16+$0xFFFFFFC0] =	vst v12  }
0xbd: {  	v6 =	vadd.f32 v9, v6;
	v11 =	vmul.f32 v11, v1;
	v12 =	vmul.f32 v17, v0;
	v10 =	vld [tilespmem:s25+$0x0];
	[tilespmem:s24+$0x30] =	vst v8  }
.Ltmp1:
0xbe: {  	v9 =	vadd.f32 v16, v15;
	v15 =	vmul.f32 v21, v2;
	v16 =	vmul.f32 v13, v3;
	v8 =	vld [tilespmem:s24+$0x10];
	[tilespmem:s25+$0x30] =	vst v14;
	(pc) =	sbr.rel @p0 .LBB2_4-.Ltmp1, $4  }
0xbf: {  	v12 =	vadd.f32 v12, v11;
	v13 =	vmul.f32 v13, v0;
	v14 =	vmul.f32 v21, v1;
	v11 =	vld [tilespmem:s25+$0x10];
	[tilespmem:s16+$0x20] =	vst v6;
	s16 =	smov.u32 s25  }
0xc0: {  	v17 =	vmul.f32 v20, v2;
	[tilespmem:s24+$0xFFFFFFD0] =	vst v9;
	v16 =	vadd.f32 v16, v15;
	v19 =	vmul.f32 v18, v3;
	v6 =	vld [tilespmem:s24+$0x20]  }
0xc1: {  	v13 =	vadd.f32 v13, v14;
	v14 =	vmul.f32 v18, v0;
	v15 =	vmul.f32 v20, v1;
	[tilespmem:s25+$0xFFFFFFD0] =	vst v12;
	v9 =	vld [tilespmem:s25+$0x20]  }
0xc2: {  	s24 =	sadd.s32 $0x80, s24;
	v12 =	vld [tilespmem:s17+$0xFFFFFFC0];
	[tilespmem:s17+$0xFFFFFFE0] =	vst v16;
	v16 =	vadd.f32 v19, v17;
	v17 =	vmul.f32 v7, v2;
	v18 =	vmul.f32 v10, v3  }
0xc3: {  	[tilespmem:s16+$0xFFFFFFE0] =	vst v13;
	v13 =	vadd.f32 v14, v15;
	v10 =	vmul.f32 v10, v0;
	v7 =	vmul.f32 v7, v1  }
0xc4: {  	v15 =	vmul.f32 v8, v2;
	[tilespmem:s17+$0xFFFFFFF0] =	vst v16;
	v14 =	vadd.f32 v18, v17;
	v16 =	vmul.f32 v11, v3  }
0xc5: {  	v8 =	vmul.f32 v8, v1;
	[tilespmem:s16+$0xFFFFFFF0] =	vst v13;
	v7 =	vadd.f32 v10, v7;
	v10 =	vmul.f32 v11, v0  }
0xc6: {  	v13 =	vmul.f32 v6, v2;
	[tilespmem:s17+$0x0] =	vst v14;
	v11 =	vadd.f32 v16, v15;
	v14 =	vmul.f32 v9, v3  }
0xc7: {  	v15 =	vmul.f32 v12, v2;
	[tilespmem:s16+$0x0] =	vst v7;
	v7 =	vadd.f32 v10, v8  }
0xc8: {  	v8 =	vmul.f32 v12, v1;
	[tilespmem:s17+$0x10] =	vst v11;
	v10 =	vadd.f32 v14, v13  }
0xc9: {  	v6 =	vmul.f32 v6, v1;
	v9 =	vmul.f32 v9, v0;
	v5 =	vadd.f32 v5, v15;
	[tilespmem:s16+$0x10] =	vst v7  }
0xca: {  	v4 =	vadd.f32 v4, v8;
	[tilespmem:s17+$0x20] =	vst v10  }
0xcb: {  	[tilespmem:s17+$0xFFFFFFC0] =	vst v5;
	v5 =	vadd.f32 v9, v6  }
0xcc: {  	[tilespmem:s16+$0xFFFFFFC0] =	vst v4  }
0xcd: {  	[tilespmem:s16+$0x20] =	vst v5  }
0xce: {  	s16 =	rddreg [dreg:$0x11]  }
0xcf: {  	[hbm4b:s16+s19] =	stream.strided.scatter [tilespmem:s1], [sflag:$0x9], $0x3E80, s20, s19, $0x38;
	[tilespmem:$0x1F900] =	vst v63  }
0xd0: {  	s25 =	rddreg [dreg:$0x12]  }
0xd1: {  	[hbm4b:s25+s19] =	stream.strided.scatter [tilespmem:s21], [sflag:$0xD], $0x3E80, s20, s19, $0x38;
	[tilespmem:$0x1F900] =	vst v63  }
0xd2: {  	_ =	swait.ge [sflag:s3], $0x3E80  }
0xd3: {  	[sflag:s3] =	ssyncset.done $0x0  }
0xd4: {  	[sflag:s3] =	ssyncadd.s32 $0xFFFFC180  }
0xd5: {  	_ =	swait.ge [sflag:s4], $0x3E80  }
0xd6: {  	[sflag:s4] =	ssyncset.done $0x0  }
0xd7: {  	s17 =	simm.s32 $0x3EC0;
	[sflag:s4] =	ssyncadd.s32 $0xFFFFC180  }
0xd8: {  	s16 =	simm.s32 $0x138C0;
	v4 =	vld [tilespmem:s17+$0x30]  }
0xd9: {  	v5 =	vld [tilespmem:s16+$0x30]  }
0xda: {  	v6 =	vld [tilespmem:s16+$0xFFFFFFC0]  }
0xdb: {  	v8 =	vld [tilespmem:s17+$0xFFFFFFD0]  }
0xdc: {  	v9 =	vld [tilespmem:s16+$0xFFFFFFD0]  }
0xdd: {  	v11 =	vld [tilespmem:s17+$0xFFFFFFE0]  }
0xde: {  	v12 =	vld [tilespmem:s16+$0xFFFFFFE0];
	v7 =	vmul.f32 v4, v2;
	v10 =	vmul.f32 v5, v3  }
0xdf: {  	v15 =	vld [tilespmem:s17+$0xFFFFFFF0];
	v13 =	vmul.f32 v5, v0;
	v14 =	vmul.f32 v4, v1  }
0xe0: {  	v16 =	vld [tilespmem:s16+$0xFFFFFFF0];
	v5 =	vmul.f32 v6, v3;
	v4 =	vmul.f32 v6, v0  }
0xe1: {  	v17 =	vmul.f32 v8, v2;
	v18 =	vmul.f32 v9, v3;
	v6 =	vadd.f32 v10, v7;
	v7 =	vld [tilespmem:s17+$0x0]  }
0xe2: {  	v9 =	vmul.f32 v9, v0;
	v13 =	vadd.f32 v13, v14;
	v14 =	vmul.f32 v8, v1;
	v10 =	vld [tilespmem:s16+$0x0]  }
0xe3: {  	v8 =	vld [tilespmem:s17+$0x10];
	[tilespmem:s17+$0x30] =	vst v6;
	v6 =	vadd.f32 v18, v17;
	v17 =	vmul.f32 v11, v2;
	v18 =	vmul.f32 v12, v3  }
0xe4: {  	v9 =	vadd.f32 v9, v14;
	v12 =	vmul.f32 v12, v0;
	[tilespmem:s16+$0x30] =	vst v13;
	v13 =	vmul.f32 v11, v1;
	v11 =	vld [tilespmem:s16+$0x10]  }
0xe5: {  	v19 =	vmul.f32 v16, v3;
	[tilespmem:s17+$0xFFFFFFD0] =	vst v6;
	v17 =	vadd.f32 v18, v17;
	v18 =	vmul.f32 v15, v2;
	v6 =	vld [tilespmem:s17+$0x20]  }
0xe6: {  	v14 =	vmul.f32 v16, v0;
	v15 =	vmul.f32 v15, v1;
	[tilespmem:s16+$0xFFFFFFD0] =	vst v9;
	v13 =	vadd.f32 v12, v13;
	v9 =	vld [tilespmem:s16+$0x20]  }
0xe7: {  	s18 =	simm.s32 $0x0;
	s24 =	simm.s32 $0x3F40;
	s25 =	simm.s32 $0x138C0;
	v12 =	vld [tilespmem:s17+$0xFFFFFFC0];
	[tilespmem:s17+$0xFFFFFFE0] =	vst v17;
	v16 =	vadd.f32 v19, v18;
	v17 =	vmul.f32 v7, v2;
	v18 =	vmul.f32 v10, v3  }
.LBB2_6:
0xe8: {  	v19 =	vld [tilespmem:s24+$0x30];
	[tilespmem:s16+$0xFFFFFFE0] =	vst v13;
	v13 =	vadd.f32 v14, v15;
	v10 =	vmul.f32 v10, v0;
	v7 =	vmul.f32 v7, v1;
	s25 =	sadd.s32 $0x80, s25  }
0xe9: {  	v14 =	vld [tilespmem:s25+$0x30];
	[tilespmem:s17+$0xFFFFFFF0] =	vst v16;
	v15 =	vadd.f32 v18, v17;
	v16 =	vmul.f32 v8, v2;
	v17 =	vmul.f32 v11, v3  }
0xea: {  	s18 =	sadd.s32 $0x8, s18;
	v8 =	vmul.f32 v8, v1;
	v18 =	vld [tilespmem:s25+$0xFFFFFFC0];
	[tilespmem:s16+$0xFFFFFFF0] =	vst v13;
	v7 =	vadd.f32 v10, v7;
	v10 =	vmul.f32 v11, v0  }
0xeb: {  	p0 =	slt.u32 s18, $0x3E0;
	v11 =	vld [tilespmem:s24+$0xFFFFFFD0];
	[tilespmem:s17+$0x0] =	vst v15;
	v13 =	vadd.f32 v17, v16;
	v15 =	vmul.f32 v6, v2;
	v16 =	vmul.f32 v9, v3  }
0xec: {  	v17 =	vld [tilespmem:s25+$0xFFFFFFD0];
	v20 =	vmul.f32 v12, v2;
	v12 =	vmul.f32 v12, v1;
	[tilespmem:s16+$0x0] =	vst v7;
	v7 =	vadd.f32 v10, v8  }
0xed: {  	v9 =	vmul.f32 v9, v0;
	v6 =	vmul.f32 v6, v1;
	v21 =	vld [tilespmem:s24+$0xFFFFFFE0];
	[tilespmem:s17+$0x10] =	vst v13;
	v8 =	vadd.f32 v16, v15  }
0xee: {  	v10 =	vmul.f32 v19, v2;
	v13 =	vld [tilespmem:s25+$0xFFFFFFE0];
	v15 =	vmul.f32 v14, v3;
	v16 =	vadd.f32 v5, v20;
	[tilespmem:s16+$0x10] =	vst v7  }
0xef: {  	v19 =	vmul.f32 v19, v1;
	v14 =	vmul.f32 v14, v0;
	v12 =	vadd.f32 v4, v12;
	v20 =	vld [tilespmem:s24+$0xFFFFFFF0];
	[tilespmem:s17+$0x20] =	vst v8  }
0xf0: {  	v5 =	vmul.f32 v18, v3;
	v4 =	vmul.f32 v18, v0;
	v18 =	vld [tilespmem:s25+$0xFFFFFFF0];
	v8 =	vadd.f32 v15, v10;
	[tilespmem:s17+$0xFFFFFFC0] =	vst v16;
	s17 =	smov.u32 s24  }
0xf1: {  	v15 =	vmul.f32 v11, v2;
	v14 =	vadd.f32 v14, v19;
	v16 =	vmul.f32 v17, v3;
	v7 =	vld [tilespmem:s24+$0x0];
	[tilespmem:s16+$0xFFFFFFC0] =	vst v12  }
0xf2: {  	v6 =	vadd.f32 v9, v6;
	v11 =	vmul.f32 v11, v1;
	v12 =	vmul.f32 v17, v0;
	v10 =	vld [tilespmem:s25+$0x0];
	[tilespmem:s24+$0x30] =	vst v8  }
.Ltmp2:
0xf3: {  	v9 =	vadd.f32 v16, v15;
	v15 =	vmul.f32 v21, v2;
	v16 =	vmul.f32 v13, v3;
	v8 =	vld [tilespmem:s24+$0x10];
	[tilespmem:s25+$0x30] =	vst v14;
	(pc) =	sbr.rel @p0 .LBB2_6-.Ltmp2, $4  }
0xf4: {  	v12 =	vadd.f32 v12, v11;
	v13 =	vmul.f32 v13, v0;
	v14 =	vmul.f32 v21, v1;
	v11 =	vld [tilespmem:s25+$0x10];
	[tilespmem:s16+$0x20] =	vst v6;
	s16 =	smov.u32 s25  }
0xf5: {  	v17 =	vmul.f32 v20, v2;
	[tilespmem:s24+$0xFFFFFFD0] =	vst v9;
	v16 =	vadd.f32 v16, v15;
	v19 =	vmul.f32 v18, v3;
	v6 =	vld [tilespmem:s24+$0x20]  }
0xf6: {  	v13 =	vadd.f32 v13, v14;
	v14 =	vmul.f32 v18, v0;
	v15 =	vmul.f32 v20, v1;
	[tilespmem:s25+$0xFFFFFFD0] =	vst v12;
	v9 =	vld [tilespmem:s25+$0x20]  }
0xf7: {  	s24 =	sadd.s32 $0x80, s24;
	v12 =	vld [tilespmem:s17+$0xFFFFFFC0];
	[tilespmem:s17+$0xFFFFFFE0] =	vst v16;
	v16 =	vadd.f32 v19, v17;
	v17 =	vmul.f32 v7, v2;
	v18 =	vmul.f32 v10, v3  }
0xf8: {  	[tilespmem:s16+$0xFFFFFFE0] =	vst v13;
	v13 =	vadd.f32 v14, v15;
	v10 =	vmul.f32 v10, v0;
	v7 =	vmul.f32 v7, v1  }
0xf9: {  	v15 =	vmul.f32 v8, v2;
	[tilespmem:s17+$0xFFFFFFF0] =	vst v16;
	v14 =	vadd.f32 v18, v17;
	v16 =	vmul.f32 v11, v3  }
0xfa: {  	v8 =	vmul.f32 v8, v1;
	[tilespmem:s16+$0xFFFFFFF0] =	vst v13;
	v7 =	vadd.f32 v10, v7;
	v10 =	vmul.f32 v11, v0  }
0xfb: {  	v13 =	vmul.f32 v6, v2;
	[tilespmem:s17+$0x0] =	vst v14;
	v11 =	vadd.f32 v16, v15;
	v14 =	vmul.f32 v9, v3  }
0xfc: {  	v15 =	vmul.f32 v12, v2;
	[tilespmem:s16+$0x0] =	vst v7;
	v7 =	vadd.f32 v10, v8  }
0xfd: {  	v8 =	vmul.f32 v12, v1;
	[tilespmem:s17+$0x10] =	vst v11;
	v10 =	vadd.f32 v14, v13  }
0xfe: {  	v6 =	vmul.f32 v6, v1;
	v9 =	vmul.f32 v9, v0;
	v5 =	vadd.f32 v5, v15;
	[tilespmem:s16+$0x10] =	vst v7  }
0xff: {  	v4 =	vadd.f32 v4, v8;
	[tilespmem:s17+$0x20] =	vst v10  }
0x100: {  	[tilespmem:s17+$0xFFFFFFC0] =	vst v5;
	v5 =	vadd.f32 v9, v6  }
0x101: {  	[tilespmem:s16+$0xFFFFFFC0] =	vst v4  }
0x102: {  	[tilespmem:s16+$0x20] =	vst v5  }
0x103: {  	s16 =	rddreg [dreg:$0x13]  }
0x104: {  	[hbm4b:s16+s19] =	stream.strided.scatter [tilespmem:s22], [sflag:$0xA], $0x3E80, s20, s19, $0x38;
	[tilespmem:$0x1F900] =	vst v63  }
0x105: {  	s25 =	rddreg [dreg:$0x14]  }
0x106: {  	[hbm4b:s25+s19] =	stream.strided.scatter [tilespmem:s23], [sflag:$0xE], $0x3E80, s20, s19, $0x38;
	[tilespmem:$0x1F900] =	vst v63  }
0x107: {  	_ =	swait.ge [sflag:s30], $0x3E80  }
0x108: {  	[sflag:s30] =	ssyncset.done $0x0  }
0x109: {  	[sflag:s30] =	ssyncadd.s32 $0xFFFFC180  }
0x10a: {  	_ =	swait.ge [sflag:s5], $0x3E80  }
0x10b: {  	[sflag:s5] =	ssyncset.done $0x0  }
0x10c: {  	s17 =	simm.s32 $0x7D40;
	[sflag:s5] =	ssyncadd.s32 $0xFFFFC180  }
0x10d: {  	s16 =	simm.s32 $0x17740;
	v4 =	vld [tilespmem:s17+$0x30]  }
0x10e: {  	v5 =	vld [tilespmem:s16+$0x30]  }
0x10f: {  	v6 =	vld [tilespmem:s16+$0xFFFFFFC0]  }
0x110: {  	v8 =	vld [tilespmem:s17+$0xFFFFFFD0]  }
0x111: {  	v9 =	vld [tilespmem:s16+$0xFFFFFFD0]  }
0x112: {  	v11 =	vld [tilespmem:s17+$0xFFFFFFE0]  }
0x113: {  	v12 =	vld [tilespmem:s16+$0xFFFFFFE0];
	v7 =	vmul.f32 v4, v2;
	v10 =	vmul.f32 v5, v3  }
0x114: {  	v15 =	vld [tilespmem:s17+$0xFFFFFFF0];
	v13 =	vmul.f32 v5, v0;
	v14 =	vmul.f32 v4, v1  }
0x115: {  	v16 =	vld [tilespmem:s16+$0xFFFFFFF0];
	v5 =	vmul.f32 v6, v3;
	v4 =	vmul.f32 v6, v0  }
0x116: {  	v17 =	vmul.f32 v8, v2;
	v18 =	vmul.f32 v9, v3;
	v6 =	vadd.f32 v10, v7;
	v7 =	vld [tilespmem:s17+$0x0]  }
0x117: {  	v9 =	vmul.f32 v9, v0;
	v13 =	vadd.f32 v13, v14;
	v14 =	vmul.f32 v8, v1;
	v10 =	vld [tilespmem:s16+$0x0]  }
0x118: {  	v8 =	vld [tilespmem:s17+$0x10];
	[tilespmem:s17+$0x30] =	vst v6;
	v6 =	vadd.f32 v18, v17;
	v17 =	vmul.f32 v11, v2;
	v18 =	vmul.f32 v12, v3  }
0x119: {  	v9 =	vadd.f32 v9, v14;
	v12 =	vmul.f32 v12, v0;
	[tilespmem:s16+$0x30] =	vst v13;
	v13 =	vmul.f32 v11, v1;
	v11 =	vld [tilespmem:s16+$0x10]  }
0x11a: {  	v19 =	vmul.f32 v16, v3;
	[tilespmem:s17+$0xFFFFFFD0] =	vst v6;
	v17 =	vadd.f32 v18, v17;
	v18 =	vmul.f32 v15, v2;
	v6 =	vld [tilespmem:s17+$0x20]  }
0x11b: {  	v14 =	vmul.f32 v16, v0;
	v15 =	vmul.f32 v15, v1;
	[tilespmem:s16+$0xFFFFFFD0] =	vst v9;
	v13 =	vadd.f32 v12, v13;
	v9 =	vld [tilespmem:s16+$0x20]  }
0x11c: {  	s18 =	simm.s32 $0x0;
	s24 =	simm.s32 $0x7DC0;
	s25 =	simm.s32 $0x17740;
	v12 =	vld [tilespmem:s17+$0xFFFFFFC0];
	[tilespmem:s17+$0xFFFFFFE0] =	vst v17;
	v16 =	vadd.f32 v19, v18;
	v17 =	vmul.f32 v7, v2;
	v18 =	vmul.f32 v10, v3  }
.LBB2_8:
0x11d: {  	v19 =	vld [tilespmem:s24+$0x30];
	[tilespmem:s16+$0xFFFFFFE0] =	vst v13;
	v13 =	vadd.f32 v14, v15;
	v10 =	vmul.f32 v10, v0;
	v7 =	vmul.f32 v7, v1;
	s25 =	sadd.s32 $0x80, s25  }
0x11e: {  	v14 =	vld [tilespmem:s25+$0x30];
	[tilespmem:s17+$0xFFFFFFF0] =	vst v16;
	v15 =	vadd.f32 v18, v17;
	v16 =	vmul.f32 v8, v2;
	v17 =	vmul.f32 v11, v3  }
0x11f: {  	s18 =	sadd.s32 $0x8, s18;
	v8 =	vmul.f32 v8, v1;
	v18 =	vld [tilespmem:s25+$0xFFFFFFC0];
	[tilespmem:s16+$0xFFFFFFF0] =	vst v13;
	v7 =	vadd.f32 v10, v7;
	v10 =	vmul.f32 v11, v0  }
0x120: {  	p0 =	slt.u32 s18, $0x3E0;
	v11 =	vld [tilespmem:s24+$0xFFFFFFD0];
	[tilespmem:s17+$0x0] =	vst v15;
	v13 =	vadd.f32 v17, v16;
	v15 =	vmul.f32 v6, v2;
	v16 =	vmul.f32 v9, v3  }
0x121: {  	v17 =	vld [tilespmem:s25+$0xFFFFFFD0];
	v20 =	vmul.f32 v12, v2;
	v12 =	vmul.f32 v12, v1;
	[tilespmem:s16+$0x0] =	vst v7;
	v7 =	vadd.f32 v10, v8  }
0x122: {  	v9 =	vmul.f32 v9, v0;
	v6 =	vmul.f32 v6, v1;
	v21 =	vld [tilespmem:s24+$0xFFFFFFE0];
	[tilespmem:s17+$0x10] =	vst v13;
	v8 =	vadd.f32 v16, v15  }
0x123: {  	v10 =	vmul.f32 v19, v2;
	v13 =	vld [tilespmem:s25+$0xFFFFFFE0];
	v15 =	vmul.f32 v14, v3;
	v16 =	vadd.f32 v5, v20;
	[tilespmem:s16+$0x10] =	vst v7  }
0x124: {  	v19 =	vmul.f32 v19, v1;
	v14 =	vmul.f32 v14, v0;
	v12 =	vadd.f32 v4, v12;
	v20 =	vld [tilespmem:s24+$0xFFFFFFF0];
	[tilespmem:s17+$0x20] =	vst v8  }
0x125: {  	v5 =	vmul.f32 v18, v3;
	v4 =	vmul.f32 v18, v0;
	v18 =	vld [tilespmem:s25+$0xFFFFFFF0];
	v8 =	vadd.f32 v15, v10;
	[tilespmem:s17+$0xFFFFFFC0] =	vst v16;
	s17 =	smov.u32 s24  }
0x126: {  	v15 =	vmul.f32 v11, v2;
	v14 =	vadd.f32 v14, v19;
	v16 =	vmul.f32 v17, v3;
	v7 =	vld [tilespmem:s24+$0x0];
	[tilespmem:s16+$0xFFFFFFC0] =	vst v12  }
0x127: {  	v6 =	vadd.f32 v9, v6;
	v11 =	vmul.f32 v11, v1;
	v12 =	vmul.f32 v17, v0;
	v10 =	vld [tilespmem:s25+$0x0];
	[tilespmem:s24+$0x30] =	vst v8  }
.Ltmp3:
0x128: {  	v9 =	vadd.f32 v16, v15;
	v15 =	vmul.f32 v21, v2;
	v16 =	vmul.f32 v13, v3;
	v8 =	vld [tilespmem:s24+$0x10];
	[tilespmem:s25+$0x30] =	vst v14;
	(pc) =	sbr.rel @p0 .LBB2_8-.Ltmp3, $4  }
0x129: {  	v12 =	vadd.f32 v12, v11;
	v13 =	vmul.f32 v13, v0;
	v14 =	vmul.f32 v21, v1;
	v11 =	vld [tilespmem:s25+$0x10];
	[tilespmem:s16+$0x20] =	vst v6;
	s16 =	smov.u32 s25  }
0x12a: {  	v17 =	vmul.f32 v20, v2;
	[tilespmem:s24+$0xFFFFFFD0] =	vst v9;
	v16 =	vadd.f32 v16, v15;
	v19 =	vmul.f32 v18, v3;
	v6 =	vld [tilespmem:s24+$0x20]  }
0x12b: {  	v13 =	vadd.f32 v13, v14;
	v14 =	vmul.f32 v18, v0;
	v15 =	vmul.f32 v20, v1;
	[tilespmem:s25+$0xFFFFFFD0] =	vst v12;
	v9 =	vld [tilespmem:s25+$0x20]  }
0x12c: {  	s24 =	sadd.s32 $0x80, s24;
	v12 =	vld [tilespmem:s17+$0xFFFFFFC0];
	[tilespmem:s17+$0xFFFFFFE0] =	vst v16;
	v16 =	vadd.f32 v19, v17;
	v17 =	vmul.f32 v7, v2;
	v18 =	vmul.f32 v10, v3  }
0x12d: {  	[tilespmem:s16+$0xFFFFFFE0] =	vst v13;
	v13 =	vadd.f32 v14, v15;
	v10 =	vmul.f32 v10, v0;
	v7 =	vmul.f32 v7, v1  }
0x12e: {  	v15 =	vmul.f32 v8, v2;
	[tilespmem:s17+$0xFFFFFFF0] =	vst v16;
	v14 =	vadd.f32 v18, v17;
	v16 =	vmul.f32 v11, v3  }
0x12f: {  	v8 =	vmul.f32 v8, v1;
	[tilespmem:s16+$0xFFFFFFF0] =	vst v13;
	v7 =	vadd.f32 v10, v7;
	v10 =	vmul.f32 v11, v0  }
0x130: {  	v13 =	vmul.f32 v6, v2;
	[tilespmem:s17+$0x0] =	vst v14;
	v11 =	vadd.f32 v16, v15;
	v14 =	vmul.f32 v9, v3  }
0x131: {  	v15 =	vmul.f32 v12, v2;
	[tilespmem:s16+$0x0] =	vst v7;
	v7 =	vadd.f32 v10, v8  }
0x132: {  	v8 =	vmul.f32 v12, v1;
	[tilespmem:s17+$0x10] =	vst v11;
	v10 =	vadd.f32 v14, v13  }
0x133: {  	v6 =	vmul.f32 v6, v1;
	v9 =	vmul.f32 v9, v0;
	v5 =	vadd.f32 v5, v15;
	[tilespmem:s16+$0x10] =	vst v7  }
0x134: {  	v4 =	vadd.f32 v4, v8;
	[tilespmem:s17+$0x20] =	vst v10  }
0x135: {  	[tilespmem:s17+$0xFFFFFFC0] =	vst v5;
	v5 =	vadd.f32 v9, v6  }
0x136: {  	[tilespmem:s16+$0xFFFFFFC0] =	vst v4  }
0x137: {  	[tilespmem:s16+$0x20] =	vst v5  }
0x138: {  	s25 =	simm.s32 $0x7D00;
	s16 =	rddreg [dreg:$0x15]  }
0x139: {  	[hbm4b:s16+s19] =	stream.strided.scatter [tilespmem:s25], [sflag:$0xB], $0x3E80, s20, s19, $0x38;
	[tilespmem:$0x1F900] =	vst v63  }
0x13a: {  	s18 =	simm.s32 $0x17700;
	s17 =	rddreg [dreg:$0x17]  }
0x13b: {  	[hbm4b:s17+s19] =	stream.strided.scatter [tilespmem:s18], [sflag:$0xF], $0x3E80, s20, s19, $0x38;
	[tilespmem:$0x1F900] =	vst v63  }
0x13c: {  	_ =	swait.ge [sflag:s31], $0x3E80  }
0x13d: {  	[sflag:s31] =	ssyncset.done $0x0  }
0x13e: {  	[sflag:s31] =	ssyncadd.s32 $0xFFFFC180  }
0x13f: {  	_ =	swait.ge [sflag:s6], $0x3E80  }
0x140: {  	[sflag:s6] =	ssyncset.done $0x0  }
0x141: {  	s24 =	rddreg [dreg:$0x1c];
	[sflag:s6] =	ssyncadd.s32 $0xFFFFC180  }
0x142: {  	[tilespmem:s1], [sflag:$0x1] =	stream.strided.gather [hbm4b:s24+s19], $0x3E80, s20, s19, $0x38;
	[tilespmem:$0x1F900] =	vst v63  }
0x143: {  	s25 =	rddreg [dreg:$0x1e]  }
0x144: {  	[tilespmem:s21], [sflag:$0x5] =	stream.strided.gather [hbm4b:s25+s19], $0x3E80, s20, s19, $0x38;
	[tilespmem:$0x1F900] =	vst v63  }
0x145: {  	_ =	swait.ge [sflag:s7], $0x3E80  }
0x146: {  	[sflag:s7] =	ssyncset.done $0x0  }
0x147: {  	[sflag:s7] =	ssyncadd.s32 $0xFFFFC180  }
0x148: {  	_ =	swait.ge [sflag:s8], $0x3E80  }
0x149: {  	[sflag:s8] =	ssyncset.done $0x0  }
0x14a: {  	s17 =	simm.s32 $0xBBC0;
	[sflag:s8] =	ssyncadd.s32 $0xFFFFC180  }
0x14b: {  	s16 =	simm.s32 $0x1B5C0;
	v4 =	vld [tilespmem:s17+$0x30]  }
0x14c: {  	v5 =	vld [tilespmem:s16+$0x30]  }
0x14d: {  	v6 =	vld [tilespmem:s16+$0xFFFFFFC0]  }
0x14e: {  	v8 =	vld [tilespmem:s17+$0xFFFFFFD0]  }
0x14f: {  	v9 =	vld [tilespmem:s16+$0xFFFFFFD0]  }
0x150: {  	v11 =	vld [tilespmem:s17+$0xFFFFFFE0]  }
0x151: {  	v12 =	vld [tilespmem:s16+$0xFFFFFFE0];
	v7 =	vmul.f32 v4, v2;
	v10 =	vmul.f32 v5, v3  }
0x152: {  	v15 =	vld [tilespmem:s17+$0xFFFFFFF0];
	v13 =	vmul.f32 v5, v0;
	v14 =	vmul.f32 v4, v1  }
0x153: {  	v16 =	vld [tilespmem:s16+$0xFFFFFFF0];
	v5 =	vmul.f32 v6, v3;
	v4 =	vmul.f32 v6, v0  }
0x154: {  	v17 =	vmul.f32 v8, v2;
	v18 =	vmul.f32 v9, v3;
	v6 =	vadd.f32 v10, v7;
	v7 =	vld [tilespmem:s17+$0x0]  }
0x155: {  	v9 =	vmul.f32 v9, v0;
	v13 =	vadd.f32 v13, v14;
	v14 =	vmul.f32 v8, v1;
	v10 =	vld [tilespmem:s16+$0x0]  }
0x156: {  	v8 =	vld [tilespmem:s17+$0x10];
	[tilespmem:s17+$0x30] =	vst v6;
	v6 =	vadd.f32 v18, v17;
	v17 =	vmul.f32 v11, v2;
	v18 =	vmul.f32 v12, v3  }
0x157: {  	v9 =	vadd.f32 v9, v14;
	v12 =	vmul.f32 v12, v0;
	[tilespmem:s16+$0x30] =	vst v13;
	v13 =	vmul.f32 v11, v1;
	v11 =	vld [tilespmem:s16+$0x10]  }
0x158: {  	v19 =	vmul.f32 v16, v3;
	[tilespmem:s17+$0xFFFFFFD0] =	vst v6;
	v17 =	vadd.f32 v18, v17;
	v18 =	vmul.f32 v15, v2;
	v6 =	vld [tilespmem:s17+$0x20]  }
0x159: {  	v14 =	vmul.f32 v16, v0;
	v15 =	vmul.f32 v15, v1;
	[tilespmem:s16+$0xFFFFFFD0] =	vst v9;
	v13 =	vadd.f32 v12, v13;
	v9 =	vld [tilespmem:s16+$0x20]  }
0x15a: {  	s18 =	simm.s32 $0x0;
	s24 =	simm.s32 $0xBC40;
	s25 =	simm.s32 $0x1B5C0;
	v12 =	vld [tilespmem:s17+$0xFFFFFFC0];
	[tilespmem:s17+$0xFFFFFFE0] =	vst v17;
	v16 =	vadd.f32 v19, v18;
	v17 =	vmul.f32 v7, v2;
	v18 =	vmul.f32 v10, v3  }
.LBB2_10:
0x15b: {  	v19 =	vld [tilespmem:s24+$0x30];
	[tilespmem:s16+$0xFFFFFFE0] =	vst v13;
	v13 =	vadd.f32 v14, v15;
	v10 =	vmul.f32 v10, v0;
	v7 =	vmul.f32 v7, v1;
	s25 =	sadd.s32 $0x80, s25  }
0x15c: {  	v14 =	vld [tilespmem:s25+$0x30];
	[tilespmem:s17+$0xFFFFFFF0] =	vst v16;
	v15 =	vadd.f32 v18, v17;
	v16 =	vmul.f32 v8, v2;
	v17 =	vmul.f32 v11, v3  }
0x15d: {  	s18 =	sadd.s32 $0x8, s18;
	v8 =	vmul.f32 v8, v1;
	v18 =	vld [tilespmem:s25+$0xFFFFFFC0];
	[tilespmem:s16+$0xFFFFFFF0] =	vst v13;
	v7 =	vadd.f32 v10, v7;
	v10 =	vmul.f32 v11, v0  }
0x15e: {  	p0 =	slt.u32 s18, $0x3E0;
	v11 =	vld [tilespmem:s24+$0xFFFFFFD0];
	[tilespmem:s17+$0x0] =	vst v15;
	v13 =	vadd.f32 v17, v16;
	v15 =	vmul.f32 v6, v2;
	v16 =	vmul.f32 v9, v3  }
0x15f: {  	v17 =	vld [tilespmem:s25+$0xFFFFFFD0];
	v20 =	vmul.f32 v12, v2;
	v12 =	vmul.f32 v12, v1;
	[tilespmem:s16+$0x0] =	vst v7;
	v7 =	vadd.f32 v10, v8  }
0x160: {  	v9 =	vmul.f32 v9, v0;
	v6 =	vmul.f32 v6, v1;
	v21 =	vld [tilespmem:s24+$0xFFFFFFE0];
	[tilespmem:s17+$0x10] =	vst v13;
	v8 =	vadd.f32 v16, v15  }
0x161: {  	v10 =	vmul.f32 v19, v2;
	v13 =	vld [tilespmem:s25+$0xFFFFFFE0];
	v15 =	vmul.f32 v14, v3;
	v16 =	vadd.f32 v5, v20;
	[tilespmem:s16+$0x10] =	vst v7  }
0x162: {  	v19 =	vmul.f32 v19, v1;
	v14 =	vmul.f32 v14, v0;
	v12 =	vadd.f32 v4, v12;
	v20 =	vld [tilespmem:s24+$0xFFFFFFF0];
	[tilespmem:s17+$0x20] =	vst v8  }
0x163: {  	v5 =	vmul.f32 v18, v3;
	v4 =	vmul.f32 v18, v0;
	v18 =	vld [tilespmem:s25+$0xFFFFFFF0];
	v8 =	vadd.f32 v15, v10;
	[tilespmem:s17+$0xFFFFFFC0] =	vst v16;
	s17 =	smov.u32 s24  }
0x164: {  	v15 =	vmul.f32 v11, v2;
	v14 =	vadd.f32 v14, v19;
	v16 =	vmul.f32 v17, v3;
	v7 =	vld [tilespmem:s24+$0x0];
	[tilespmem:s16+$0xFFFFFFC0] =	vst v12  }
0x165: {  	v6 =	vadd.f32 v9, v6;
	v11 =	vmul.f32 v11, v1;
	v12 =	vmul.f32 v17, v0;
	v10 =	vld [tilespmem:s25+$0x0];
	[tilespmem:s24+$0x30] =	vst v8  }
.Ltmp4:
0x166: {  	v9 =	vadd.f32 v16, v15;
	v15 =	vmul.f32 v21, v2;
	v16 =	vmul.f32 v13, v3;
	v8 =	vld [tilespmem:s24+$0x10];
	[tilespmem:s25+$0x30] =	vst v14;
	(pc) =	sbr.rel @p0 .LBB2_10-.Ltmp4, $4  }
0x167: {  	v12 =	vadd.f32 v12, v11;
	v13 =	vmul.f32 v13, v0;
	v14 =	vmul.f32 v21, v1;
	v11 =	vld [tilespmem:s25+$0x10];
	[tilespmem:s16+$0x20] =	vst v6;
	s16 =	smov.u32 s25  }
0x168: {  	v17 =	vmul.f32 v20, v2;
	[tilespmem:s24+$0xFFFFFFD0] =	vst v9;
	v16 =	vadd.f32 v16, v15;
	v19 =	vmul.f32 v18, v3;
	v6 =	vld [tilespmem:s24+$0x20]  }
0x169: {  	v13 =	vadd.f32 v13, v14;
	v14 =	vmul.f32 v18, v0;
	v15 =	vmul.f32 v20, v1;
	[tilespmem:s25+$0xFFFFFFD0] =	vst v12;
	v9 =	vld [tilespmem:s25+$0x20]  }
0x16a: {  	s24 =	sadd.s32 $0x80, s24;
	v12 =	vld [tilespmem:s17+$0xFFFFFFC0];
	[tilespmem:s17+$0xFFFFFFE0] =	vst v16;
	v16 =	vadd.f32 v19, v17;
	v17 =	vmul.f32 v7, v2;
	v18 =	vmul.f32 v10, v3  }
0x16b: {  	[tilespmem:s16+$0xFFFFFFE0] =	vst v13;
	v13 =	vadd.f32 v14, v15;
	v10 =	vmul.f32 v10, v0;
	v7 =	vmul.f32 v7, v1  }
0x16c: {  	v15 =	vmul.f32 v8, v2;
	[tilespmem:s17+$0xFFFFFFF0] =	vst v16;
	v14 =	vadd.f32 v18, v17;
	v16 =	vmul.f32 v11, v3  }
0x16d: {  	v8 =	vmul.f32 v8, v1;
	[tilespmem:s16+$0xFFFFFFF0] =	vst v13;
	v7 =	vadd.f32 v10, v7;
	v10 =	vmul.f32 v11, v0  }
0x16e: {  	v13 =	vmul.f32 v6, v2;
	[tilespmem:s17+$0x0] =	vst v14;
	v11 =	vadd.f32 v16, v15;
	v14 =	vmul.f32 v9, v3  }
0x16f: {  	v15 =	vmul.f32 v12, v2;
	[tilespmem:s16+$0x0] =	vst v7;
	v7 =	vadd.f32 v10, v8  }
0x170: {  	v8 =	vmul.f32 v12, v1;
	[tilespmem:s17+$0x10] =	vst v11;
	v10 =	vadd.f32 v14, v13  }
0x171: {  	v6 =	vmul.f32 v6, v1;
	v9 =	vmul.f32 v9, v0;
	v5 =	vadd.f32 v5, v15;
	[tilespmem:s16+$0x10] =	vst v7  }
0x172: {  	v4 =	vadd.f32 v4, v8;
	[tilespmem:s17+$0x20] =	vst v10  }
0x173: {  	[tilespmem:s17+$0xFFFFFFC0] =	vst v5;
	v5 =	vadd.f32 v9, v6  }
0x174: {  	[tilespmem:s16+$0xFFFFFFC0] =	vst v4  }
0x175: {  	[tilespmem:s16+$0x20] =	vst v5  }
0x176: {  	s16 =	rddreg [dreg:$0x19]  }
0x177: {  	[hbm4b:s16+s19] =	stream.strided.scatter [tilespmem:s26], [sflag:$0xC], $0x3E80, s20, s19, $0x38;
	[tilespmem:$0x1F900] =	vst v63  }
0x178: {  	s18 =	rddreg [dreg:$0x1b]  }
0x179: {  	[hbm4b:s18+s19] =	stream.strided.scatter [tilespmem:s28], [sflag:$0x10], $0x3E80, s20, s19, $0x38;
	[tilespmem:$0x1F900] =	vst v63  }
0x17a: {  	_ =	swait.ge [sflag:s9], $0x3E80  }
0x17b: {  	[sflag:s9] =	ssyncset.done $0x0  }
0x17c: {  	[sflag:s9] =	ssyncadd.s32 $0xFFFFC180  }
0x17d: {  	_ =	swait.ge [sflag:s10], $0x3E80  }
0x17e: {  	s24 =	sld [smem:$0x7E9]  }
0x17f: {  	[sflag:s10] =	ssyncset.done $0x0  }
0x180: {  	s25 =	sld [smem:$0x7EB];
	[sflag:s10] =	ssyncadd.s32 $0xFFFFC180  }
0x181: {  	[tilespmem:s22], [sflag:$0x2] =	stream.strided.gather [hbm4b:s24+s19], $0x3E80, s20, s19, $0x38;
	[tilespmem:$0x1F900] =	vst v63  }
0x182: {  	_ = 	snop  }
0x183: {  	[tilespmem:s23], [sflag:$0x6] =	stream.strided.gather [hbm4b:s25+s19], $0x3E80, s20, s19, $0x38;
	[tilespmem:$0x1F900] =	vst v63  }
0x184: {  	_ =	swait.ge [sflag:s0], $0x3E80  }
0x185: {  	[sflag:s0] =	ssyncset.done $0x0  }
0x186: {  	[sflag:s0] =	ssyncadd.s32 $0xFFFFC180  }
0x187: {  	_ =	swait.ge [sflag:s2], $0x3E80  }
0x188: {  	[sflag:s2] =	ssyncset.done $0x0  }
0x189: {  	s17 =	simm.s32 $0x40;
	[sflag:s2] =	ssyncadd.s32 $0xFFFFC180  }
0x18a: {  	s16 =	simm.s32 $0xFA40;
	v4 =	vld [tilespmem:s17+$0x30]  }
0x18b: {  	v5 =	vld [tilespmem:s16+$0x30]  }
0x18c: {  	v6 =	vld [tilespmem:s16+$0xFFFFFFC0]  }
0x18d: {  	v8 =	vld [tilespmem:s17+$0xFFFFFFD0]  }
0x18e: {  	v9 =	vld [tilespmem:s16+$0xFFFFFFD0]  }
0x18f: {  	v11 =	vld [tilespmem:s17+$0xFFFFFFE0]  }
0x190: {  	v12 =	vld [tilespmem:s16+$0xFFFFFFE0];
	v7 =	vmul.f32 v4, v2;
	v10 =	vmul.f32 v5, v3  }
0x191: {  	v15 =	vld [tilespmem:s17+$0xFFFFFFF0];
	v13 =	vmul.f32 v5, v0;
	v14 =	vmul.f32 v4, v1  }
0x192: {  	v16 =	vld [tilespmem:s16+$0xFFFFFFF0];
	v5 =	vmul.f32 v6, v3;
	v4 =	vmul.f32 v6, v0  }
0x193: {  	v17 =	vmul.f32 v8, v2;
	v18 =	vmul.f32 v9, v3;
	v6 =	vadd.f32 v10, v7;
	v7 =	vld [tilespmem:s17+$0x0]  }
0x194: {  	v9 =	vmul.f32 v9, v0;
	v13 =	vadd.f32 v13, v14;
	v14 =	vmul.f32 v8, v1;
	v10 =	vld [tilespmem:s16+$0x0]  }
0x195: {  	v8 =	vld [tilespmem:s17+$0x10];
	[tilespmem:s17+$0x30] =	vst v6;
	v6 =	vadd.f32 v18, v17;
	v17 =	vmul.f32 v11, v2;
	v18 =	vmul.f32 v12, v3  }
0x196: {  	v9 =	vadd.f32 v9, v14;
	v12 =	vmul.f32 v12, v0;
	[tilespmem:s16+$0x30] =	vst v13;
	v13 =	vmul.f32 v11, v1;
	v11 =	vld [tilespmem:s16+$0x10]  }
0x197: {  	v19 =	vmul.f32 v16, v3;
	[tilespmem:s17+$0xFFFFFFD0] =	vst v6;
	v17 =	vadd.f32 v18, v17;
	v18 =	vmul.f32 v15, v2;
	v6 =	vld [tilespmem:s17+$0x20]  }
0x198: {  	v14 =	vmul.f32 v16, v0;
	v15 =	vmul.f32 v15, v1;
	[tilespmem:s16+$0xFFFFFFD0] =	vst v9;
	v13 =	vadd.f32 v12, v13;
	v9 =	vld [tilespmem:s16+$0x20]  }
0x199: {  	s18 =	simm.s32 $0x0;
	s24 =	simm.s32 $0xC0;
	s25 =	simm.s32 $0xFA40;
	v12 =	vld [tilespmem:s17+$0xFFFFFFC0];
	[tilespmem:s17+$0xFFFFFFE0] =	vst v17;
	v16 =	vadd.f32 v19, v18;
	v17 =	vmul.f32 v7, v2;
	v18 =	vmul.f32 v10, v3  }
.LBB2_12:
0x19a: {  	v19 =	vld [tilespmem:s24+$0x30];
	[tilespmem:s16+$0xFFFFFFE0] =	vst v13;
	v13 =	vadd.f32 v14, v15;
	v10 =	vmul.f32 v10, v0;
	v7 =	vmul.f32 v7, v1;
	s25 =	sadd.s32 $0x80, s25  }
0x19b: {  	v14 =	vld [tilespmem:s25+$0x30];
	[tilespmem:s17+$0xFFFFFFF0] =	vst v16;
	v15 =	vadd.f32 v18, v17;
	v16 =	vmul.f32 v8, v2;
	v17 =	vmul.f32 v11, v3  }
0x19c: {  	s18 =	sadd.s32 $0x8, s18;
	v8 =	vmul.f32 v8, v1;
	v18 =	vld [tilespmem:s25+$0xFFFFFFC0];
	[tilespmem:s16+$0xFFFFFFF0] =	vst v13;
	v7 =	vadd.f32 v10, v7;
	v10 =	vmul.f32 v11, v0  }
0x19d: {  	p0 =	slt.u32 s18, $0x3E0;
	v11 =	vld [tilespmem:s24+$0xFFFFFFD0];
	[tilespmem:s17+$0x0] =	vst v15;
	v13 =	vadd.f32 v17, v16;
	v15 =	vmul.f32 v6, v2;
	v16 =	vmul.f32 v9, v3  }
0x19e: {  	v17 =	vld [tilespmem:s25+$0xFFFFFFD0];
	v20 =	vmul.f32 v12, v2;
	v12 =	vmul.f32 v12, v1;
	[tilespmem:s16+$0x0] =	vst v7;
	v7 =	vadd.f32 v10, v8  }
0x19f: {  	v9 =	vmul.f32 v9, v0;
	v6 =	vmul.f32 v6, v1;
	v21 =	vld [tilespmem:s24+$0xFFFFFFE0];
	[tilespmem:s17+$0x10] =	vst v13;
	v8 =	vadd.f32 v16, v15  }
0x1a0: {  	v10 =	vmul.f32 v19, v2;
	v13 =	vld [tilespmem:s25+$0xFFFFFFE0];
	v15 =	vmul.f32 v14, v3;
	v16 =	vadd.f32 v5, v20;
	[tilespmem:s16+$0x10] =	vst v7  }
0x1a1: {  	v19 =	vmul.f32 v19, v1;
	v14 =	vmul.f32 v14, v0;
	v12 =	vadd.f32 v4, v12;
	v20 =	vld [tilespmem:s24+$0xFFFFFFF0];
	[tilespmem:s17+$0x20] =	vst v8  }
0x1a2: {  	v5 =	vmul.f32 v18, v3;
	v4 =	vmul.f32 v18, v0;
	v18 =	vld [tilespmem:s25+$0xFFFFFFF0];
	v8 =	vadd.f32 v15, v10;
	[tilespmem:s17+$0xFFFFFFC0] =	vst v16;
	s17 =	smov.u32 s24  }
0x1a3: {  	v15 =	vmul.f32 v11, v2;
	v14 =	vadd.f32 v14, v19;
	v16 =	vmul.f32 v17, v3;
	v7 =	vld [tilespmem:s24+$0x0];
	[tilespmem:s16+$0xFFFFFFC0] =	vst v12  }
0x1a4: {  	v6 =	vadd.f32 v9, v6;
	v11 =	vmul.f32 v11, v1;
	v12 =	vmul.f32 v17, v0;
	v10 =	vld [tilespmem:s25+$0x0];
	[tilespmem:s24+$0x30] =	vst v8  }
.Ltmp5:
0x1a5: {  	v9 =	vadd.f32 v16, v15;
	v15 =	vmul.f32 v21, v2;
	v16 =	vmul.f32 v13, v3;
	v8 =	vld [tilespmem:s24+$0x10];
	[tilespmem:s25+$0x30] =	vst v14;
	(pc) =	sbr.rel @p0 .LBB2_12-.Ltmp5, $4  }
0x1a6: {  	v12 =	vadd.f32 v12, v11;
	v13 =	vmul.f32 v13, v0;
	v14 =	vmul.f32 v21, v1;
	v11 =	vld [tilespmem:s25+$0x10];
	[tilespmem:s16+$0x20] =	vst v6;
	s16 =	smov.u32 s25  }
0x1a7: {  	v17 =	vmul.f32 v20, v2;
	[tilespmem:s24+$0xFFFFFFD0] =	vst v9;
	v16 =	vadd.f32 v16, v15;
	v19 =	vmul.f32 v18, v3;
	v6 =	vld [tilespmem:s24+$0x20]  }
0x1a8: {  	v13 =	vadd.f32 v13, v14;
	v14 =	vmul.f32 v18, v0;
	v15 =	vmul.f32 v20, v1;
	[tilespmem:s25+$0xFFFFFFD0] =	vst v12;
	v9 =	vld [tilespmem:s25+$0x20]  }
0x1a9: {  	s24 =	sadd.s32 $0x80, s24;
	v12 =	vld [tilespmem:s17+$0xFFFFFFC0];
	[tilespmem:s17+$0xFFFFFFE0] =	vst v16;
	v16 =	vadd.f32 v19, v17;
	v17 =	vmul.f32 v7, v2;
	v18 =	vmul.f32 v10, v3  }
0x1aa: {  	[tilespmem:s16+$0xFFFFFFE0] =	vst v13;
	v13 =	vadd.f32 v14, v15;
	v10 =	vmul.f32 v10, v0;
	v7 =	vmul.f32 v7, v1  }
0x1ab: {  	v15 =	vmul.f32 v8, v2;
	[tilespmem:s17+$0xFFFFFFF0] =	vst v16;
	v14 =	vadd.f32 v18, v17;
	v16 =	vmul.f32 v11, v3  }
0x1ac: {  	v8 =	vmul.f32 v8, v1;
	[tilespmem:s16+$0xFFFFFFF0] =	vst v13;
	v7 =	vadd.f32 v10, v7;
	v10 =	vmul.f32 v11, v0  }
0x1ad: {  	v13 =	vmul.f32 v6, v2;
	[tilespmem:s17+$0x0] =	vst v14;
	v11 =	vadd.f32 v16, v15;
	v14 =	vmul.f32 v9, v3  }
0x1ae: {  	v15 =	vmul.f32 v12, v2;
	[tilespmem:s16+$0x0] =	vst v7;
	v7 =	vadd.f32 v10, v8  }
0x1af: {  	v8 =	vmul.f32 v12, v1;
	[tilespmem:s17+$0x10] =	vst v11;
	v10 =	vadd.f32 v14, v13  }
0x1b0: {  	v6 =	vmul.f32 v6, v1;
	v9 =	vmul.f32 v9, v0;
	v5 =	vadd.f32 v5, v15;
	[tilespmem:s16+$0x10] =	vst v7  }
0x1b1: {  	v4 =	vadd.f32 v4, v8;
	[tilespmem:s17+$0x20] =	vst v10  }
0x1b2: {  	[tilespmem:s17+$0xFFFFFFC0] =	vst v5;
	v5 =	vadd.f32 v9, v6  }
0x1b3: {  	[tilespmem:s16+$0xFFFFFFC0] =	vst v4  }
0x1b4: {  	[tilespmem:s16+$0x20] =	vst v5  }
0x1b5: {  	s16 =	rddreg [dreg:$0x1d]  }
0x1b6: {  	[hbm4b:s16+s19] =	stream.strided.scatter [tilespmem:s1], [sflag:$0x9], $0x3E80, s20, s19, $0x38;
	[tilespmem:$0x1F900] =	vst v63  }
0x1b7: {  	s25 =	rddreg [dreg:$0x1f]  }
0x1b8: {  	[hbm4b:s25+s19] =	stream.strided.scatter [tilespmem:s21], [sflag:$0xD], $0x3E80, s20, s19, $0x38;
	[tilespmem:$0x1F900] =	vst v63  }
0x1b9: {  	_ =	swait.ge [sflag:s11], $0x3E80  }
0x1ba: {  	[sflag:s11] =	ssyncset.done $0x0  }
0x1bb: {  	[sflag:s11] =	ssyncadd.s32 $0xFFFFC180  }
0x1bc: {  	_ =	swait.ge [sflag:s12], $0x3E80  }
0x1bd: {  	s17 =	sld [smem:$0x7ED]  }
0x1be: {  	[sflag:s12] =	ssyncset.done $0x0  }
0x1bf: {  	s18 =	simm.s32 $0x7D00;
	s24 =	sld [smem:$0x7EF];
	[sflag:s12] =	ssyncadd.s32 $0xFFFFC180  }
0x1c0: {  	[tilespmem:s18], [sflag:$0x3] =	stream.strided.gather [hbm4b:s17+s19], $0x3E80, s20, s19, $0x38;
	[tilespmem:$0x1F900] =	vst v63  }
0x1c1: {  	s25 =	simm.s32 $0x17700  }
0x1c2: {  	[tilespmem:s25], [sflag:$0x7] =	stream.strided.gather [hbm4b:s24+s19], $0x3E80, s20, s19, $0x38;
	[tilespmem:$0x1F900] =	vst v63  }
0x1c3: {  	_ =	swait.ge [sflag:s3], $0x3E80  }
0x1c4: {  	[sflag:s3] =	ssyncset.done $0x0  }
0x1c5: {  	[sflag:s3] =	ssyncadd.s32 $0xFFFFC180  }
0x1c6: {  	_ =	swait.ge [sflag:s4], $0x3E80  }
0x1c7: {  	[sflag:s4] =	ssyncset.done $0x0  }
0x1c8: {  	s17 =	simm.s32 $0x3EC0;
	[sflag:s4] =	ssyncadd.s32 $0xFFFFC180  }
0x1c9: {  	s16 =	simm.s32 $0x138C0;
	v4 =	vld [tilespmem:s17+$0x30]  }
0x1ca: {  	v5 =	vld [tilespmem:s16+$0x30]  }
0x1cb: {  	v6 =	vld [tilespmem:s16+$0xFFFFFFC0]  }
0x1cc: {  	v8 =	vld [tilespmem:s17+$0xFFFFFFD0]  }
0x1cd: {  	v9 =	vld [tilespmem:s16+$0xFFFFFFD0]  }
0x1ce: {  	v11 =	vld [tilespmem:s17+$0xFFFFFFE0]  }
0x1cf: {  	v12 =	vld [tilespmem:s16+$0xFFFFFFE0];
	v7 =	vmul.f32 v4, v2;
	v10 =	vmul.f32 v5, v3  }
0x1d0: {  	v15 =	vld [tilespmem:s17+$0xFFFFFFF0];
	v13 =	vmul.f32 v5, v0;
	v14 =	vmul.f32 v4, v1  }
0x1d1: {  	v16 =	vld [tilespmem:s16+$0xFFFFFFF0];
	v5 =	vmul.f32 v6, v3;
	v4 =	vmul.f32 v6, v0  }
0x1d2: {  	v17 =	vmul.f32 v8, v2;
	v18 =	vmul.f32 v9, v3;
	v6 =	vadd.f32 v10, v7;
	v7 =	vld [tilespmem:s17+$0x0]  }
0x1d3: {  	v9 =	vmul.f32 v9, v0;
	v13 =	vadd.f32 v13, v14;
	v14 =	vmul.f32 v8, v1;
	v10 =	vld [tilespmem:s16+$0x0]  }
0x1d4: {  	v8 =	vld [tilespmem:s17+$0x10];
	[tilespmem:s17+$0x30] =	vst v6;
	v6 =	vadd.f32 v18, v17;
	v17 =	vmul.f32 v11, v2;
	v18 =	vmul.f32 v12, v3  }
0x1d5: {  	v9 =	vadd.f32 v9, v14;
	v12 =	vmul.f32 v12, v0;
	[tilespmem:s16+$0x30] =	vst v13;
	v13 =	vmul.f32 v11, v1;
	v11 =	vld [tilespmem:s16+$0x10]  }
0x1d6: {  	v19 =	vmul.f32 v16, v3;
	[tilespmem:s17+$0xFFFFFFD0] =	vst v6;
	v17 =	vadd.f32 v18, v17;
	v18 =	vmul.f32 v15, v2;
	v6 =	vld [tilespmem:s17+$0x20]  }
0x1d7: {  	v14 =	vmul.f32 v16, v0;
	v15 =	vmul.f32 v15, v1;
	[tilespmem:s16+$0xFFFFFFD0] =	vst v9;
	v13 =	vadd.f32 v12, v13;
	v9 =	vld [tilespmem:s16+$0x20]  }
0x1d8: {  	s18 =	simm.s32 $0x0;
	s24 =	simm.s32 $0x3F40;
	s25 =	simm.s32 $0x138C0;
	v12 =	vld [tilespmem:s17+$0xFFFFFFC0];
	[tilespmem:s17+$0xFFFFFFE0] =	vst v17;
	v16 =	vadd.f32 v19, v18;
	v17 =	vmul.f32 v7, v2;
	v18 =	vmul.f32 v10, v3  }
.LBB2_14:
0x1d9: {  	v19 =	vld [tilespmem:s24+$0x30];
	[tilespmem:s16+$0xFFFFFFE0] =	vst v13;
	v13 =	vadd.f32 v14, v15;
	v10 =	vmul.f32 v10, v0;
	v7 =	vmul.f32 v7, v1;
	s25 =	sadd.s32 $0x80, s25  }
0x1da: {  	v14 =	vld [tilespmem:s25+$0x30];
	[tilespmem:s17+$0xFFFFFFF0] =	vst v16;
	v15 =	vadd.f32 v18, v17;
	v16 =	vmul.f32 v8, v2;
	v17 =	vmul.f32 v11, v3  }
0x1db: {  	s18 =	sadd.s32 $0x8, s18;
	v8 =	vmul.f32 v8, v1;
	v18 =	vld [tilespmem:s25+$0xFFFFFFC0];
	[tilespmem:s16+$0xFFFFFFF0] =	vst v13;
	v7 =	vadd.f32 v10, v7;
	v10 =	vmul.f32 v11, v0  }
0x1dc: {  	p0 =	slt.u32 s18, $0x3E0;
	v11 =	vld [tilespmem:s24+$0xFFFFFFD0];
	[tilespmem:s17+$0x0] =	vst v15;
	v13 =	vadd.f32 v17, v16;
	v15 =	vmul.f32 v6, v2;
	v16 =	vmul.f32 v9, v3  }
0x1dd: {  	v17 =	vld [tilespmem:s25+$0xFFFFFFD0];
	v20 =	vmul.f32 v12, v2;
	v12 =	vmul.f32 v12, v1;
	[tilespmem:s16+$0x0] =	vst v7;
	v7 =	vadd.f32 v10, v8  }
0x1de: {  	v9 =	vmul.f32 v9, v0;
	v6 =	vmul.f32 v6, v1;
	v21 =	vld [tilespmem:s24+$0xFFFFFFE0];
	[tilespmem:s17+$0x10] =	vst v13;
	v8 =	vadd.f32 v16, v15  }
0x1df: {  	v10 =	vmul.f32 v19, v2;
	v13 =	vld [tilespmem:s25+$0xFFFFFFE0];
	v15 =	vmul.f32 v14, v3;
	v16 =	vadd.f32 v5, v20;
	[tilespmem:s16+$0x10] =	vst v7  }
0x1e0: {  	v19 =	vmul.f32 v19, v1;
	v14 =	vmul.f32 v14, v0;
	v12 =	vadd.f32 v4, v12;
	v20 =	vld [tilespmem:s24+$0xFFFFFFF0];
	[tilespmem:s17+$0x20] =	vst v8  }
0x1e1: {  	v5 =	vmul.f32 v18, v3;
	v4 =	vmul.f32 v18, v0;
	v18 =	vld [tilespmem:s25+$0xFFFFFFF0];
	v8 =	vadd.f32 v15, v10;
	[tilespmem:s17+$0xFFFFFFC0] =	vst v16;
	s17 =	smov.u32 s24  }
0x1e2: {  	v15 =	vmul.f32 v11, v2;
	v14 =	vadd.f32 v14, v19;
	v16 =	vmul.f32 v17, v3;
	v7 =	vld [tilespmem:s24+$0x0];
	[tilespmem:s16+$0xFFFFFFC0] =	vst v12  }
0x1e3: {  	v6 =	vadd.f32 v9, v6;
	v11 =	vmul.f32 v11, v1;
	v12 =	vmul.f32 v17, v0;
	v10 =	vld [tilespmem:s25+$0x0];
	[tilespmem:s24+$0x30] =	vst v8  }
.Ltmp6:
0x1e4: {  	v9 =	vadd.f32 v16, v15;
	v15 =	vmul.f32 v21, v2;
	v16 =	vmul.f32 v13, v3;
	v8 =	vld [tilespmem:s24+$0x10];
	[tilespmem:s25+$0x30] =	vst v14;
	(pc) =	sbr.rel @p0 .LBB2_14-.Ltmp6, $4  }
0x1e5: {  	v12 =	vadd.f32 v12, v11;
	v13 =	vmul.f32 v13, v0;
	v14 =	vmul.f32 v21, v1;
	v11 =	vld [tilespmem:s25+$0x10];
	[tilespmem:s16+$0x20] =	vst v6;
	s16 =	smov.u32 s25  }
0x1e6: {  	v17 =	vmul.f32 v20, v2;
	[tilespmem:s24+$0xFFFFFFD0] =	vst v9;
	v16 =	vadd.f32 v16, v15;
	v19 =	vmul.f32 v18, v3;
	v6 =	vld [tilespmem:s24+$0x20]  }
0x1e7: {  	v13 =	vadd.f32 v13, v14;
	v14 =	vmul.f32 v18, v0;
	v15 =	vmul.f32 v20, v1;
	[tilespmem:s25+$0xFFFFFFD0] =	vst v12;
	v9 =	vld [tilespmem:s25+$0x20]  }
0x1e8: {  	s24 =	sadd.s32 $0x80, s24;
	v12 =	vld [tilespmem:s17+$0xFFFFFFC0];
	[tilespmem:s17+$0xFFFFFFE0] =	vst v16;
	v16 =	vadd.f32 v19, v17;
	v17 =	vmul.f32 v7, v2;
	v18 =	vmul.f32 v10, v3  }
0x1e9: {  	[tilespmem:s16+$0xFFFFFFE0] =	vst v13;
	v13 =	vadd.f32 v14, v15;
	v10 =	vmul.f32 v10, v0;
	v7 =	vmul.f32 v7, v1  }
0x1ea: {  	v15 =	vmul.f32 v8, v2;
	[tilespmem:s17+$0xFFFFFFF0] =	vst v16;
	v14 =	vadd.f32 v18, v17;
	v16 =	vmul.f32 v11, v3  }
0x1eb: {  	v8 =	vmul.f32 v8, v1;
	[tilespmem:s16+$0xFFFFFFF0] =	vst v13;
	v7 =	vadd.f32 v10, v7;
	v10 =	vmul.f32 v11, v0  }
0x1ec: {  	v13 =	vmul.f32 v6, v2;
	[tilespmem:s17+$0x0] =	vst v14;
	v11 =	vadd.f32 v16, v15;
	v14 =	vmul.f32 v9, v3  }
0x1ed: {  	v15 =	vmul.f32 v12, v2;
	[tilespmem:s16+$0x0] =	vst v7;
	v7 =	vadd.f32 v10, v8  }
0x1ee: {  	v8 =	vmul.f32 v12, v1;
	[tilespmem:s17+$0x10] =	vst v11;
	v10 =	vadd.f32 v14, v13  }
0x1ef: {  	v6 =	vmul.f32 v6, v1;
	v9 =	vmul.f32 v9, v0;
	v5 =	vadd.f32 v5, v15;
	[tilespmem:s16+$0x10] =	vst v7  }
0x1f0: {  	v4 =	vadd.f32 v4, v8;
	[tilespmem:s17+$0x20] =	vst v10  }
0x1f1: {  	[tilespmem:s17+$0xFFFFFFC0] =	vst v5;
	v5 =	vadd.f32 v9, v6  }
0x1f2: {  	[tilespmem:s16+$0xFFFFFFC0] =	vst v4  }
0x1f3: {  	[tilespmem:s16+$0x20] =	vst v5  }
0x1f4: {  	s16 =	sld [smem:$0x7EA];
	_ =	sdelay $0x1  }
0x1f5: {  	s18 =	sld [smem:$0x7EC]  }
0x1f6: {  	[hbm4b:s16+s19] =	stream.strided.scatter [tilespmem:s22], [sflag:$0xA], $0x3E80, s20, s19, $0x38;
	[tilespmem:$0x1F900] =	vst v63  }
0x1f7: {  	_ = 	snop  }
0x1f8: {  	[hbm4b:s18+s19] =	stream.strided.scatter [tilespmem:s23], [sflag:$0xE], $0x3E80, s20, s19, $0x38;
	[tilespmem:$0x1F900] =	vst v63  }
0x1f9: {  	_ =	swait.ge [sflag:s13], $0x3E80  }
0x1fa: {  	[sflag:s13] =	ssyncset.done $0x0  }
0x1fb: {  	[sflag:s13] =	ssyncadd.s32 $0xFFFFC180  }
0x1fc: {  	_ =	swait.ge [sflag:s14], $0x3E80  }
0x1fd: {  	s24 =	sld [smem:$0x7F1]  }
0x1fe: {  	[sflag:s14] =	ssyncset.done $0x0  }
0x1ff: {  	s25 =	sld [smem:$0x7F3];
	[sflag:s14] =	ssyncadd.s32 $0xFFFFC180  }
0x200: {  	[tilespmem:s26], [sflag:$0x4] =	stream.strided.gather [hbm4b:s24+s19], $0x3E80, s20, s19, $0x38;
	[tilespmem:$0x1F900] =	vst v63  }
0x201: {  	_ = 	snop  }
0x202: {  	[tilespmem:s28], [sflag:$0x8] =	stream.strided.gather [hbm4b:s25+s19], $0x3E80, s20, s19, $0x38;
	[tilespmem:$0x1F900] =	vst v63  }
0x203: {  	_ =	swait.ge [sflag:s30], $0x3E80  }
0x204: {  	[sflag:s30] =	ssyncset.done $0x0  }
0x205: {  	[sflag:s30] =	ssyncadd.s32 $0xFFFFC180  }
0x206: {  	_ =	swait.ge [sflag:s5], $0x3E80  }
0x207: {  	[sflag:s5] =	ssyncset.done $0x0  }
0x208: {  	s17 =	simm.s32 $0x7D40;
	[sflag:s5] =	ssyncadd.s32 $0xFFFFC180  }
0x209: {  	s16 =	simm.s32 $0x17740;
	v4 =	vld [tilespmem:s17+$0x30]  }
0x20a: {  	v5 =	vld [tilespmem:s16+$0x30]  }
0x20b: {  	v6 =	vld [tilespmem:s16+$0xFFFFFFC0]  }
0x20c: {  	v8 =	vld [tilespmem:s17+$0xFFFFFFD0]  }
0x20d: {  	v9 =	vld [tilespmem:s16+$0xFFFFFFD0]  }
0x20e: {  	v11 =	vld [tilespmem:s17+$0xFFFFFFE0]  }
0x20f: {  	v12 =	vld [tilespmem:s16+$0xFFFFFFE0];
	v7 =	vmul.f32 v4, v2;
	v10 =	vmul.f32 v5, v3  }
0x210: {  	v15 =	vld [tilespmem:s17+$0xFFFFFFF0];
	v13 =	vmul.f32 v5, v0;
	v14 =	vmul.f32 v4, v1  }
0x211: {  	v16 =	vld [tilespmem:s16+$0xFFFFFFF0];
	v5 =	vmul.f32 v6, v3;
	v4 =	vmul.f32 v6, v0  }
0x212: {  	v17 =	vmul.f32 v8, v2;
	v18 =	vmul.f32 v9, v3;
	v6 =	vadd.f32 v10, v7;
	v7 =	vld [tilespmem:s17+$0x0]  }
0x213: {  	v9 =	vmul.f32 v9, v0;
	v13 =	vadd.f32 v13, v14;
	v14 =	vmul.f32 v8, v1;
	v10 =	vld [tilespmem:s16+$0x0]  }
0x214: {  	v8 =	vld [tilespmem:s17+$0x10];
	[tilespmem:s17+$0x30] =	vst v6;
	v6 =	vadd.f32 v18, v17;
	v17 =	vmul.f32 v11, v2;
	v18 =	vmul.f32 v12, v3  }
0x215: {  	v9 =	vadd.f32 v9, v14;
	v12 =	vmul.f32 v12, v0;
	[tilespmem:s16+$0x30] =	vst v13;
	v13 =	vmul.f32 v11, v1;
	v11 =	vld [tilespmem:s16+$0x10]  }
0x216: {  	v19 =	vmul.f32 v16, v3;
	[tilespmem:s17+$0xFFFFFFD0] =	vst v6;
	v17 =	vadd.f32 v18, v17;
	v18 =	vmul.f32 v15, v2;
	v6 =	vld [tilespmem:s17+$0x20]  }
0x217: {  	v14 =	vmul.f32 v16, v0;
	v15 =	vmul.f32 v15, v1;
	[tilespmem:s16+$0xFFFFFFD0] =	vst v9;
	v13 =	vadd.f32 v12, v13;
	v9 =	vld [tilespmem:s16+$0x20]  }
0x218: {  	s18 =	simm.s32 $0x0;
	s24 =	simm.s32 $0x7DC0;
	s25 =	simm.s32 $0x17740;
	v12 =	vld [tilespmem:s17+$0xFFFFFFC0];
	[tilespmem:s17+$0xFFFFFFE0] =	vst v17;
	v16 =	vadd.f32 v19, v18;
	v17 =	vmul.f32 v7, v2;
	v18 =	vmul.f32 v10, v3  }
.LBB2_16:
0x219: {  	v19 =	vld [tilespmem:s24+$0x30];
	[tilespmem:s16+$0xFFFFFFE0] =	vst v13;
	v13 =	vadd.f32 v14, v15;
	v10 =	vmul.f32 v10, v0;
	v7 =	vmul.f32 v7, v1;
	s25 =	sadd.s32 $0x80, s25  }
0x21a: {  	v14 =	vld [tilespmem:s25+$0x30];
	[tilespmem:s17+$0xFFFFFFF0] =	vst v16;
	v15 =	vadd.f32 v18, v17;
	v16 =	vmul.f32 v8, v2;
	v17 =	vmul.f32 v11, v3  }
0x21b: {  	s18 =	sadd.s32 $0x8, s18;
	v8 =	vmul.f32 v8, v1;
	v18 =	vld [tilespmem:s25+$0xFFFFFFC0];
	[tilespmem:s16+$0xFFFFFFF0] =	vst v13;
	v7 =	vadd.f32 v10, v7;
	v10 =	vmul.f32 v11, v0  }
0x21c: {  	p0 =	slt.u32 s18, $0x3E0;
	v11 =	vld [tilespmem:s24+$0xFFFFFFD0];
	[tilespmem:s17+$0x0] =	vst v15;
	v13 =	vadd.f32 v17, v16;
	v15 =	vmul.f32 v6, v2;
	v16 =	vmul.f32 v9, v3  }
0x21d: {  	v17 =	vld [tilespmem:s25+$0xFFFFFFD0];
	v20 =	vmul.f32 v12, v2;
	v12 =	vmul.f32 v12, v1;
	[tilespmem:s16+$0x0] =	vst v7;
	v7 =	vadd.f32 v10, v8  }
0x21e: {  	v9 =	vmul.f32 v9, v0;
	v6 =	vmul.f32 v6, v1;
	v21 =	vld [tilespmem:s24+$0xFFFFFFE0];
	[tilespmem:s17+$0x10] =	vst v13;
	v8 =	vadd.f32 v16, v15  }
0x21f: {  	v10 =	vmul.f32 v19, v2;
	v13 =	vld [tilespmem:s25+$0xFFFFFFE0];
	v15 =	vmul.f32 v14, v3;
	v16 =	vadd.f32 v5, v20;
	[tilespmem:s16+$0x10] =	vst v7  }
0x220: {  	v19 =	vmul.f32 v19, v1;
	v14 =	vmul.f32 v14, v0;
	v12 =	vadd.f32 v4, v12;
	v20 =	vld [tilespmem:s24+$0xFFFFFFF0];
	[tilespmem:s17+$0x20] =	vst v8  }
0x221: {  	v5 =	vmul.f32 v18, v3;
	v4 =	vmul.f32 v18, v0;
	v18 =	vld [tilespmem:s25+$0xFFFFFFF0];
	v8 =	vadd.f32 v15, v10;
	[tilespmem:s17+$0xFFFFFFC0] =	vst v16;
	s17 =	smov.u32 s24  }
0x222: {  	v15 =	vmul.f32 v11, v2;
	v14 =	vadd.f32 v14, v19;
	v16 =	vmul.f32 v17, v3;
	v7 =	vld [tilespmem:s24+$0x0];
	[tilespmem:s16+$0xFFFFFFC0] =	vst v12  }
0x223: {  	v6 =	vadd.f32 v9, v6;
	v11 =	vmul.f32 v11, v1;
	v12 =	vmul.f32 v17, v0;
	v10 =	vld [tilespmem:s25+$0x0];
	[tilespmem:s24+$0x30] =	vst v8  }
.Ltmp7:
0x224: {  	v9 =	vadd.f32 v16, v15;
	v15 =	vmul.f32 v21, v2;
	v16 =	vmul.f32 v13, v3;
	v8 =	vld [tilespmem:s24+$0x10];
	[tilespmem:s25+$0x30] =	vst v14;
	(pc) =	sbr.rel @p0 .LBB2_16-.Ltmp7, $4  }
0x225: {  	v12 =	vadd.f32 v12, v11;
	v13 =	vmul.f32 v13, v0;
	v14 =	vmul.f32 v21, v1;
	v11 =	vld [tilespmem:s25+$0x10];
	[tilespmem:s16+$0x20] =	vst v6;
	s16 =	smov.u32 s25  }
0x226: {  	v17 =	vmul.f32 v20, v2;
	[tilespmem:s24+$0xFFFFFFD0] =	vst v9;
	v16 =	vadd.f32 v16, v15;
	v19 =	vmul.f32 v18, v3;
	v6 =	vld [tilespmem:s24+$0x20]  }
0x227: {  	v13 =	vadd.f32 v13, v14;
	v14 =	vmul.f32 v18, v0;
	v15 =	vmul.f32 v20, v1;
	[tilespmem:s25+$0xFFFFFFD0] =	vst v12;
	v9 =	vld [tilespmem:s25+$0x20]  }
0x228: {  	s24 =	sadd.s32 $0x80, s24;
	v12 =	vld [tilespmem:s17+$0xFFFFFFC0];
	[tilespmem:s17+$0xFFFFFFE0] =	vst v16;
	v16 =	vadd.f32 v19, v17;
	v17 =	vmul.f32 v7, v2;
	v18 =	vmul.f32 v10, v3  }
0x229: {  	[tilespmem:s16+$0xFFFFFFE0] =	vst v13;
	v13 =	vadd.f32 v14, v15;
	v10 =	vmul.f32 v10, v0;
	v7 =	vmul.f32 v7, v1  }
0x22a: {  	v15 =	vmul.f32 v8, v2;
	[tilespmem:s17+$0xFFFFFFF0] =	vst v16;
	v14 =	vadd.f32 v18, v17;
	v16 =	vmul.f32 v11, v3  }
0x22b: {  	v8 =	vmul.f32 v8, v1;
	[tilespmem:s16+$0xFFFFFFF0] =	vst v13;
	v7 =	vadd.f32 v10, v7;
	v10 =	vmul.f32 v11, v0  }
0x22c: {  	v13 =	vmul.f32 v6, v2;
	[tilespmem:s17+$0x0] =	vst v14;
	v11 =	vadd.f32 v16, v15;
	v14 =	vmul.f32 v9, v3  }
0x22d: {  	v15 =	vmul.f32 v12, v2;
	[tilespmem:s16+$0x0] =	vst v7;
	v7 =	vadd.f32 v10, v8  }
0x22e: {  	v8 =	vmul.f32 v12, v1;
	[tilespmem:s17+$0x10] =	vst v11;
	v10 =	vadd.f32 v14, v13  }
0x22f: {  	v6 =	vmul.f32 v6, v1;
	v9 =	vmul.f32 v9, v0;
	v5 =	vadd.f32 v5, v15;
	[tilespmem:s16+$0x10] =	vst v7  }
0x230: {  	v4 =	vadd.f32 v4, v8;
	[tilespmem:s17+$0x20] =	vst v10  }
0x231: {  	[tilespmem:s17+$0xFFFFFFC0] =	vst v5;
	v5 =	vadd.f32 v9, v6  }
0x232: {  	[tilespmem:s16+$0xFFFFFFC0] =	vst v4  }
0x233: {  	[tilespmem:s16+$0x20] =	vst v5  }
0x234: {  	s16 =	sld [smem:$0x7EE];
	_ =	sdelay $0x1  }
0x235: {  	s25 =	simm.s32 $0x7D00;
	s17 =	sld [smem:$0x7F0]  }
0x236: {  	[hbm4b:s16+s19] =	stream.strided.scatter [tilespmem:s25], [sflag:$0xB], $0x3E80, s20, s19, $0x38;
	[tilespmem:$0x1F900] =	vst v63  }
0x237: {  	s18 =	simm.s32 $0x17700  }
0x238: {  	[hbm4b:s17+s19] =	stream.strided.scatter [tilespmem:s18], [sflag:$0xF], $0x3E80, s20, s19, $0x38;
	[tilespmem:$0x1F900] =	vst v63  }
0x239: {  	_ =	swait.ge [sflag:s31], $0x3E80  }
0x23a: {  	[sflag:s31] =	ssyncset.done $0x0  }
0x23b: {  	[sflag:s31] =	ssyncadd.s32 $0xFFFFC180  }
0x23c: {  	_ =	swait.ge [sflag:s6], $0x3E80  }
0x23d: {  	s24 =	sld [smem:$0x7F5]  }
0x23e: {  	[sflag:s6] =	ssyncset.done $0x0  }
0x23f: {  	s25 =	sld [smem:$0x7F6];
	[sflag:s6] =	ssyncadd.s32 $0xFFFFC180  }
0x240: {  	[tilespmem:s1], [sflag:$0x1] =	stream.strided.gather [hbm4b:s24+s19], $0x3E80, s20, s19, $0x38;
	[tilespmem:$0x1F900] =	vst v63  }
0x241: {  	_ = 	snop  }
0x242: {  	[tilespmem:s21], [sflag:$0x5] =	stream.strided.gather [hbm4b:s25+s19], $0x3E80, s20, s19, $0x38;
	[tilespmem:$0x1F900] =	vst v63  }
0x243: {  	_ =	swait.ge [sflag:s7], $0x3E80  }
0x244: {  	[sflag:s7] =	ssyncset.done $0x0  }
0x245: {  	[sflag:s7] =	ssyncadd.s32 $0xFFFFC180  }
0x246: {  	_ =	swait.ge [sflag:s8], $0x3E80  }
0x247: {  	[sflag:s8] =	ssyncset.done $0x0  }
0x248: {  	s17 =	simm.s32 $0xBBC0;
	[sflag:s8] =	ssyncadd.s32 $0xFFFFC180  }
0x249: {  	s16 =	simm.s32 $0x1B5C0;
	v4 =	vld [tilespmem:s17+$0x30]  }
0x24a: {  	v5 =	vld [tilespmem:s16+$0x30]  }
0x24b: {  	v6 =	vld [tilespmem:s16+$0xFFFFFFC0]  }
0x24c: {  	v8 =	vld [tilespmem:s17+$0xFFFFFFD0]  }
0x24d: {  	v9 =	vld [tilespmem:s16+$0xFFFFFFD0]  }
0x24e: {  	v11 =	vld [tilespmem:s17+$0xFFFFFFE0]  }
0x24f: {  	v12 =	vld [tilespmem:s16+$0xFFFFFFE0];
	v7 =	vmul.f32 v4, v2;
	v10 =	vmul.f32 v5, v3  }
0x250: {  	v15 =	vld [tilespmem:s17+$0xFFFFFFF0];
	v13 =	vmul.f32 v5, v0;
	v14 =	vmul.f32 v4, v1  }
0x251: {  	v16 =	vld [tilespmem:s16+$0xFFFFFFF0];
	v5 =	vmul.f32 v6, v3;
	v4 =	vmul.f32 v6, v0  }
0x252: {  	v17 =	vmul.f32 v8, v2;
	v18 =	vmul.f32 v9, v3;
	v6 =	vadd.f32 v10, v7;
	v7 =	vld [tilespmem:s17+$0x0]  }
0x253: {  	v9 =	vmul.f32 v9, v0;
	v13 =	vadd.f32 v13, v14;
	v14 =	vmul.f32 v8, v1;
	v10 =	vld [tilespmem:s16+$0x0]  }
0x254: {  	v8 =	vld [tilespmem:s17+$0x10];
	[tilespmem:s17+$0x30] =	vst v6;
	v6 =	vadd.f32 v18, v17;
	v17 =	vmul.f32 v11, v2;
	v18 =	vmul.f32 v12, v3  }
0x255: {  	v9 =	vadd.f32 v9, v14;
	v12 =	vmul.f32 v12, v0;
	[tilespmem:s16+$0x30] =	vst v13;
	v13 =	vmul.f32 v11, v1;
	v11 =	vld [tilespmem:s16+$0x10]  }
0x256: {  	v19 =	vmul.f32 v16, v3;
	[tilespmem:s17+$0xFFFFFFD0] =	vst v6;
	v17 =	vadd.f32 v18, v17;
	v18 =	vmul.f32 v15, v2;
	v6 =	vld [tilespmem:s17+$0x20]  }
0x257: {  	v14 =	vmul.f32 v16, v0;
	v15 =	vmul.f32 v15, v1;
	[tilespmem:s16+$0xFFFFFFD0] =	vst v9;
	v13 =	vadd.f32 v12, v13;
	v9 =	vld [tilespmem:s16+$0x20]  }
0x258: {  	s18 =	simm.s32 $0x0;
	s24 =	simm.s32 $0xBC40;
	s25 =	simm.s32 $0x1B5C0;
	v12 =	vld [tilespmem:s17+$0xFFFFFFC0];
	[tilespmem:s17+$0xFFFFFFE0] =	vst v17;
	v16 =	vadd.f32 v19, v18;
	v17 =	vmul.f32 v7, v2;
	v18 =	vmul.f32 v10, v3  }
.LBB2_18:
0x259: {  	v19 =	vld [tilespmem:s24+$0x30];
	[tilespmem:s16+$0xFFFFFFE0] =	vst v13;
	v13 =	vadd.f32 v14, v15;
	v10 =	vmul.f32 v10, v0;
	v7 =	vmul.f32 v7, v1;
	s25 =	sadd.s32 $0x80, s25  }
0x25a: {  	v14 =	vld [tilespmem:s25+$0x30];
	[tilespmem:s17+$0xFFFFFFF0] =	vst v16;
	v15 =	vadd.f32 v18, v17;
	v16 =	vmul.f32 v8, v2;
	v17 =	vmul.f32 v11, v3  }
0x25b: {  	s18 =	sadd.s32 $0x8, s18;
	v8 =	vmul.f32 v8, v1;
	v18 =	vld [tilespmem:s25+$0xFFFFFFC0];
	[tilespmem:s16+$0xFFFFFFF0] =	vst v13;
	v7 =	vadd.f32 v10, v7;
	v10 =	vmul.f32 v11, v0  }
0x25c: {  	p0 =	slt.u32 s18, $0x3E0;
	v11 =	vld [tilespmem:s24+$0xFFFFFFD0];
	[tilespmem:s17+$0x0] =	vst v15;
	v13 =	vadd.f32 v17, v16;
	v15 =	vmul.f32 v6, v2;
	v16 =	vmul.f32 v9, v3  }
0x25d: {  	v17 =	vld [tilespmem:s25+$0xFFFFFFD0];
	v20 =	vmul.f32 v12, v2;
	v12 =	vmul.f32 v12, v1;
	[tilespmem:s16+$0x0] =	vst v7;
	v7 =	vadd.f32 v10, v8  }
0x25e: {  	v9 =	vmul.f32 v9, v0;
	v6 =	vmul.f32 v6, v1;
	v21 =	vld [tilespmem:s24+$0xFFFFFFE0];
	[tilespmem:s17+$0x10] =	vst v13;
	v8 =	vadd.f32 v16, v15  }
0x25f: {  	v10 =	vmul.f32 v19, v2;
	v13 =	vld [tilespmem:s25+$0xFFFFFFE0];
	v15 =	vmul.f32 v14, v3;
	v16 =	vadd.f32 v5, v20;
	[tilespmem:s16+$0x10] =	vst v7  }
0x260: {  	v19 =	vmul.f32 v19, v1;
	v14 =	vmul.f32 v14, v0;
	v12 =	vadd.f32 v4, v12;
	v20 =	vld [tilespmem:s24+$0xFFFFFFF0];
	[tilespmem:s17+$0x20] =	vst v8  }
0x261: {  	v5 =	vmul.f32 v18, v3;
	v4 =	vmul.f32 v18, v0;
	v18 =	vld [tilespmem:s25+$0xFFFFFFF0];
	v8 =	vadd.f32 v15, v10;
	[tilespmem:s17+$0xFFFFFFC0] =	vst v16;
	s17 =	smov.u32 s24  }
0x262: {  	v15 =	vmul.f32 v11, v2;
	v14 =	vadd.f32 v14, v19;
	v16 =	vmul.f32 v17, v3;
	v7 =	vld [tilespmem:s24+$0x0];
	[tilespmem:s16+$0xFFFFFFC0] =	vst v12  }
0x263: {  	v6 =	vadd.f32 v9, v6;
	v11 =	vmul.f32 v11, v1;
	v12 =	vmul.f32 v17, v0;
	v10 =	vld [tilespmem:s25+$0x0];
	[tilespmem:s24+$0x30] =	vst v8  }
.Ltmp8:
0x264: {  	v9 =	vadd.f32 v16, v15;
	v15 =	vmul.f32 v21, v2;
	v16 =	vmul.f32 v13, v3;
	v8 =	vld [tilespmem:s24+$0x10];
	[tilespmem:s25+$0x30] =	vst v14;
	(pc) =	sbr.rel @p0 .LBB2_18-.Ltmp8, $4  }
0x265: {  	v12 =	vadd.f32 v12, v11;
	v13 =	vmul.f32 v13, v0;
	v14 =	vmul.f32 v21, v1;
	v11 =	vld [tilespmem:s25+$0x10];
	[tilespmem:s16+$0x20] =	vst v6;
	s16 =	smov.u32 s25  }
0x266: {  	v17 =	vmul.f32 v20, v2;
	[tilespmem:s24+$0xFFFFFFD0] =	vst v9;
	v16 =	vadd.f32 v16, v15;
	v19 =	vmul.f32 v18, v3;
	v6 =	vld [tilespmem:s24+$0x20]  }
0x267: {  	v13 =	vadd.f32 v13, v14;
	v14 =	vmul.f32 v18, v0;
	v15 =	vmul.f32 v20, v1;
	[tilespmem:s25+$0xFFFFFFD0] =	vst v12;
	v9 =	vld [tilespmem:s25+$0x20]  }
0x268: {  	s24 =	sadd.s32 $0x80, s24;
	v12 =	vld [tilespmem:s17+$0xFFFFFFC0];
	[tilespmem:s17+$0xFFFFFFE0] =	vst v16;
	v16 =	vadd.f32 v19, v17;
	v17 =	vmul.f32 v7, v2;
	v18 =	vmul.f32 v10, v3  }
0x269: {  	[tilespmem:s16+$0xFFFFFFE0] =	vst v13;
	v13 =	vadd.f32 v14, v15;
	v10 =	vmul.f32 v10, v0;
	v7 =	vmul.f32 v7, v1  }
0x26a: {  	v15 =	vmul.f32 v8, v2;
	[tilespmem:s17+$0xFFFFFFF0] =	vst v16;
	v14 =	vadd.f32 v18, v17;
	v16 =	vmul.f32 v11, v3  }
0x26b: {  	v8 =	vmul.f32 v8, v1;
	[tilespmem:s16+$0xFFFFFFF0] =	vst v13;
	v7 =	vadd.f32 v10, v7;
	v10 =	vmul.f32 v11, v0  }
0x26c: {  	v13 =	vmul.f32 v6, v2;
	[tilespmem:s17+$0x0] =	vst v14;
	v11 =	vadd.f32 v16, v15;
	v14 =	vmul.f32 v9, v3  }
0x26d: {  	v15 =	vmul.f32 v12, v2;
	[tilespmem:s16+$0x0] =	vst v7;
	v7 =	vadd.f32 v10, v8  }
0x26e: {  	v8 =	vmul.f32 v12, v1;
	[tilespmem:s17+$0x10] =	vst v11;
	v10 =	vadd.f32 v14, v13  }
0x26f: {  	v6 =	vmul.f32 v6, v1;
	v9 =	vmul.f32 v9, v0;
	v5 =	vadd.f32 v5, v15;
	[tilespmem:s16+$0x10] =	vst v7  }
0x270: {  	v4 =	vadd.f32 v4, v8;
	[tilespmem:s17+$0x20] =	vst v10  }
0x271: {  	[tilespmem:s17+$0xFFFFFFC0] =	vst v5;
	v5 =	vadd.f32 v9, v6  }
0x272: {  	[tilespmem:s16+$0xFFFFFFC0] =	vst v4  }
0x273: {  	[tilespmem:s16+$0x20] =	vst v5  }
0x274: {  	s16 =	sld [smem:$0x7F2];
	_ =	sdelay $0x1  }
0x275: {  	s18 =	sld [smem:$0x7F4]  }
0x276: {  	[hbm4b:s16+s19] =	stream.strided.scatter [tilespmem:s26], [sflag:$0xC], $0x3E80, s20, s19, $0x38;
	[tilespmem:$0x1F900] =	vst v63  }
0x277: {  	_ = 	snop  }
0x278: {  	[hbm4b:s18+s19] =	stream.strided.scatter [tilespmem:s28], [sflag:$0x10], $0x3E80, s20, s19, $0x38;
	[tilespmem:$0x1F900] =	vst v63  }
0x279: {  	_ =	swait.ge [sflag:s9], $0x3E80  }
0x27a: {  	[sflag:s9] =	ssyncset.done $0x0  }
0x27b: {  	[sflag:s9] =	ssyncadd.s32 $0xFFFFC180  }
0x27c: {  	_ =	swait.ge [sflag:s10], $0x3E80  }
0x27d: {  	s24 =	sld [smem:$0x7F7]  }
0x27e: {  	[sflag:s10] =	ssyncset.done $0x0  }
0x27f: {  	s25 =	sld [smem:$0x7F8];
	[sflag:s10] =	ssyncadd.s32 $0xFFFFC180  }
0x280: {  	[tilespmem:s22], [sflag:$0x2] =	stream.strided.gather [hbm4b:s24+s19], $0x3E80, s20, s19, $0x38;
	[tilespmem:$0x1F900] =	vst v63  }
0x281: {  	_ = 	snop  }
0x282: {  	[tilespmem:s23], [sflag:$0x6] =	stream.strided.gather [hbm4b:s25+s19], $0x3E80, s20, s19, $0x38;
	[tilespmem:$0x1F900] =	vst v63  }
0x283: {  	_ =	swait.ge [sflag:s0], $0x3E80  }
0x284: {  	[sflag:s0] =	ssyncset.done $0x0  }
0x285: {  	[sflag:s0] =	ssyncadd.s32 $0xFFFFC180  }
0x286: {  	_ =	swait.ge [sflag:s2], $0x3E80  }
0x287: {  	[sflag:s2] =	ssyncset.done $0x0  }
0x288: {  	s17 =	simm.s32 $0x40;
	[sflag:s2] =	ssyncadd.s32 $0xFFFFC180  }
0x289: {  	s16 =	simm.s32 $0xFA40;
	v4 =	vld [tilespmem:s17+$0x30]  }
0x28a: {  	v5 =	vld [tilespmem:s16+$0x30]  }
0x28b: {  	v6 =	vld [tilespmem:s16+$0xFFFFFFC0]  }
0x28c: {  	v8 =	vld [tilespmem:s17+$0xFFFFFFD0]  }
0x28d: {  	v9 =	vld [tilespmem:s16+$0xFFFFFFD0]  }
0x28e: {  	v11 =	vld [tilespmem:s17+$0xFFFFFFE0]  }
0x28f: {  	v12 =	vld [tilespmem:s16+$0xFFFFFFE0];
	v7 =	vmul.f32 v4, v2;
	v10 =	vmul.f32 v5, v3  }
0x290: {  	v15 =	vld [tilespmem:s17+$0xFFFFFFF0];
	v13 =	vmul.f32 v5, v0;
	v14 =	vmul.f32 v4, v1  }
0x291: {  	v16 =	vld [tilespmem:s16+$0xFFFFFFF0];
	v5 =	vmul.f32 v6, v3;
	v4 =	vmul.f32 v6, v0  }
0x292: {  	v17 =	vmul.f32 v8, v2;
	v18 =	vmul.f32 v9, v3;
	v6 =	vadd.f32 v10, v7;
	v7 =	vld [tilespmem:s17+$0x0]  }
0x293: {  	v9 =	vmul.f32 v9, v0;
	v13 =	vadd.f32 v13, v14;
	v14 =	vmul.f32 v8, v1;
	v10 =	vld [tilespmem:s16+$0x0]  }
0x294: {  	v8 =	vld [tilespmem:s17+$0x10];
	[tilespmem:s17+$0x30] =	vst v6;
	v6 =	vadd.f32 v18, v17;
	v17 =	vmul.f32 v11, v2;
	v18 =	vmul.f32 v12, v3  }
0x295: {  	v9 =	vadd.f32 v9, v14;
	v12 =	vmul.f32 v12, v0;
	[tilespmem:s16+$0x30] =	vst v13;
	v13 =	vmul.f32 v11, v1;
	v11 =	vld [tilespmem:s16+$0x10]  }
0x296: {  	v19 =	vmul.f32 v16, v3;
	[tilespmem:s17+$0xFFFFFFD0] =	vst v6;
	v17 =	vadd.f32 v18, v17;
	v18 =	vmul.f32 v15, v2;
	v6 =	vld [tilespmem:s17+$0x20]  }
0x297: {  	v14 =	vmul.f32 v16, v0;
	v15 =	vmul.f32 v15, v1;
	[tilespmem:s16+$0xFFFFFFD0] =	vst v9;
	v13 =	vadd.f32 v12, v13;
	v9 =	vld [tilespmem:s16+$0x20]  }
0x298: {  	s18 =	simm.s32 $0x0;
	s24 =	simm.s32 $0xC0;
	s25 =	simm.s32 $0xFA40;
	v12 =	vld [tilespmem:s17+$0xFFFFFFC0];
	[tilespmem:s17+$0xFFFFFFE0] =	vst v17;
	v16 =	vadd.f32 v19, v18;
	v17 =	vmul.f32 v7, v2;
	v18 =	vmul.f32 v10, v3  }
.LBB2_20:
0x299: {  	v19 =	vld [tilespmem:s24+$0x30];
	[tilespmem:s16+$0xFFFFFFE0] =	vst v13;
	v13 =	vadd.f32 v14, v15;
	v10 =	vmul.f32 v10, v0;
	v7 =	vmul.f32 v7, v1;
	s25 =	sadd.s32 $0x80, s25  }
0x29a: {  	v14 =	vld [tilespmem:s25+$0x30];
	[tilespmem:s17+$0xFFFFFFF0] =	vst v16;
	v15 =	vadd.f32 v18, v17;
	v16 =	vmul.f32 v8, v2;
	v17 =	vmul.f32 v11, v3  }
0x29b: {  	s18 =	sadd.s32 $0x8, s18;
	v8 =	vmul.f32 v8, v1;
	v18 =	vld [tilespmem:s25+$0xFFFFFFC0];
	[tilespmem:s16+$0xFFFFFFF0] =	vst v13;
	v7 =	vadd.f32 v10, v7;
	v10 =	vmul.f32 v11, v0  }
0x29c: {  	p0 =	slt.u32 s18, $0x3E0;
	v11 =	vld [tilespmem:s24+$0xFFFFFFD0];
	[tilespmem:s17+$0x0] =	vst v15;
	v13 =	vadd.f32 v17, v16;
	v15 =	vmul.f32 v6, v2;
	v16 =	vmul.f32 v9, v3  }
0x29d: {  	v17 =	vld [tilespmem:s25+$0xFFFFFFD0];
	v20 =	vmul.f32 v12, v2;
	v12 =	vmul.f32 v12, v1;
	[tilespmem:s16+$0x0] =	vst v7;
	v7 =	vadd.f32 v10, v8  }
0x29e: {  	v9 =	vmul.f32 v9, v0;
	v6 =	vmul.f32 v6, v1;
	v21 =	vld [tilespmem:s24+$0xFFFFFFE0];
	[tilespmem:s17+$0x10] =	vst v13;
	v8 =	vadd.f32 v16, v15  }
0x29f: {  	v10 =	vmul.f32 v19, v2;
	v13 =	vld [tilespmem:s25+$0xFFFFFFE0];
	v15 =	vmul.f32 v14, v3;
	v16 =	vadd.f32 v5, v20;
	[tilespmem:s16+$0x10] =	vst v7  }
0x2a0: {  	v19 =	vmul.f32 v19, v1;
	v14 =	vmul.f32 v14, v0;
	v12 =	vadd.f32 v4, v12;
	v20 =	vld [tilespmem:s24+$0xFFFFFFF0];
	[tilespmem:s17+$0x20] =	vst v8  }
0x2a1: {  	v5 =	vmul.f32 v18, v3;
	v4 =	vmul.f32 v18, v0;
	v18 =	vld [tilespmem:s25+$0xFFFFFFF0];
	v8 =	vadd.f32 v15, v10;
	[tilespmem:s17+$0xFFFFFFC0] =	vst v16;
	s17 =	smov.u32 s24  }
0x2a2: {  	v15 =	vmul.f32 v11, v2;
	v14 =	vadd.f32 v14, v19;
	v16 =	vmul.f32 v17, v3;
	v7 =	vld [tilespmem:s24+$0x0];
	[tilespmem:s16+$0xFFFFFFC0] =	vst v12  }
0x2a3: {  	v6 =	vadd.f32 v9, v6;
	v11 =	vmul.f32 v11, v1;
	v12 =	vmul.f32 v17, v0;
	v10 =	vld [tilespmem:s25+$0x0];
	[tilespmem:s24+$0x30] =	vst v8  }
.Ltmp9:
0x2a4: {  	v9 =	vadd.f32 v16, v15;
	v15 =	vmul.f32 v21, v2;
	v16 =	vmul.f32 v13, v3;
	v8 =	vld [tilespmem:s24+$0x10];
	[tilespmem:s25+$0x30] =	vst v14;
	(pc) =	sbr.rel @p0 .LBB2_20-.Ltmp9, $4  }
0x2a5: {  	v12 =	vadd.f32 v12, v11;
	v13 =	vmul.f32 v13, v0;
	v14 =	vmul.f32 v21, v1;
	v11 =	vld [tilespmem:s25+$0x10];
	[tilespmem:s16+$0x20] =	vst v6;
	s16 =	smov.u32 s25  }
0x2a6: {  	v17 =	vmul.f32 v20, v2;
	[tilespmem:s24+$0xFFFFFFD0] =	vst v9;
	v16 =	vadd.f32 v16, v15;
	v19 =	vmul.f32 v18, v3;
	v6 =	vld [tilespmem:s24+$0x20]  }
0x2a7: {  	v13 =	vadd.f32 v13, v14;
	v14 =	vmul.f32 v18, v0;
	v15 =	vmul.f32 v20, v1;
	[tilespmem:s25+$0xFFFFFFD0] =	vst v12;
	v9 =	vld [tilespmem:s25+$0x20]  }
0x2a8: {  	s24 =	sadd.s32 $0x80, s24;
	v12 =	vld [tilespmem:s17+$0xFFFFFFC0];
	[tilespmem:s17+$0xFFFFFFE0] =	vst v16;
	v16 =	vadd.f32 v19, v17;
	v17 =	vmul.f32 v7, v2;
	v18 =	vmul.f32 v10, v3  }
0x2a9: {  	[tilespmem:s16+$0xFFFFFFE0] =	vst v13;
	v13 =	vadd.f32 v14, v15;
	v10 =	vmul.f32 v10, v0;
	v7 =	vmul.f32 v7, v1  }
0x2aa: {  	v15 =	vmul.f32 v8, v2;
	[tilespmem:s17+$0xFFFFFFF0] =	vst v16;
	v14 =	vadd.f32 v18, v17;
	v16 =	vmul.f32 v11, v3  }
0x2ab: {  	v8 =	vmul.f32 v8, v1;
	[tilespmem:s16+$0xFFFFFFF0] =	vst v13;
	v7 =	vadd.f32 v10, v7;
	v10 =	vmul.f32 v11, v0  }
0x2ac: {  	v13 =	vmul.f32 v6, v2;
	[tilespmem:s17+$0x0] =	vst v14;
	v11 =	vadd.f32 v16, v15;
	v14 =	vmul.f32 v9, v3  }
0x2ad: {  	v15 =	vmul.f32 v12, v2;
	[tilespmem:s16+$0x0] =	vst v7;
	v7 =	vadd.f32 v10, v8  }
0x2ae: {  	v8 =	vmul.f32 v12, v1;
	[tilespmem:s17+$0x10] =	vst v11;
	v10 =	vadd.f32 v14, v13  }
0x2af: {  	v6 =	vmul.f32 v6, v1;
	v9 =	vmul.f32 v9, v0;
	v5 =	vadd.f32 v5, v15;
	[tilespmem:s16+$0x10] =	vst v7  }
0x2b0: {  	v4 =	vadd.f32 v4, v8;
	[tilespmem:s17+$0x20] =	vst v10  }
0x2b1: {  	[tilespmem:s17+$0xFFFFFFC0] =	vst v5;
	v5 =	vadd.f32 v9, v6  }
0x2b2: {  	[tilespmem:s16+$0xFFFFFFC0] =	vst v4  }
0x2b3: {  	[tilespmem:s16+$0x20] =	vst v5  }
0x2b4: {  	s16 =	sld [smem:$0x7F9];
	_ =	sdelay $0x1  }
0x2b5: {  	s25 =	sld [smem:$0x7FA]  }
0x2b6: {  	[hbm4b:s16+s19] =	stream.strided.scatter [tilespmem:s1], [sflag:$0x9], $0x3E80, s20, s19, $0x38;
	[tilespmem:$0x1F900] =	vst v63  }
0x2b7: {  	_ = 	snop  }
0x2b8: {  	[hbm4b:s25+s19] =	stream.strided.scatter [tilespmem:s21], [sflag:$0xD], $0x3E80, s20, s19, $0x38;
	[tilespmem:$0x1F900] =	vst v63  }
0x2b9: {  	_ =	swait.ge [sflag:s3], $0x3E80  }
0x2ba: {  	[sflag:s3] =	ssyncset.done $0x0  }
0x2bb: {  	[sflag:s3] =	ssyncadd.s32 $0xFFFFC180  }
0x2bc: {  	_ =	swait.ge [sflag:s4], $0x3E80  }
0x2bd: {  	[sflag:s4] =	ssyncset.done $0x0  }
0x2be: {  	s17 =	simm.s32 $0x3EC0;
	[sflag:s4] =	ssyncadd.s32 $0xFFFFC180  }
0x2bf: {  	s16 =	simm.s32 $0x138C0;
	v4 =	vld [tilespmem:s17+$0x30]  }
0x2c0: {  	v5 =	vld [tilespmem:s16+$0x30]  }
0x2c1: {  	v6 =	vld [tilespmem:s16+$0xFFFFFFC0]  }
0x2c2: {  	v8 =	vld [tilespmem:s17+$0xFFFFFFD0]  }
0x2c3: {  	v9 =	vld [tilespmem:s16+$0xFFFFFFD0]  }
0x2c4: {  	v11 =	vld [tilespmem:s17+$0xFFFFFFE0]  }
0x2c5: {  	v12 =	vld [tilespmem:s16+$0xFFFFFFE0];
	v7 =	vmul.f32 v4, v2;
	v10 =	vmul.f32 v5, v3  }
0x2c6: {  	v15 =	vld [tilespmem:s17+$0xFFFFFFF0];
	v13 =	vmul.f32 v5, v0;
	v14 =	vmul.f32 v4, v1  }
0x2c7: {  	v16 =	vld [tilespmem:s16+$0xFFFFFFF0];
	v5 =	vmul.f32 v6, v3;
	v4 =	vmul.f32 v6, v0  }
0x2c8: {  	v17 =	vmul.f32 v8, v2;
	v18 =	vmul.f32 v9, v3;
	v6 =	vadd.f32 v10, v7;
	v7 =	vld [tilespmem:s17+$0x0]  }
0x2c9: {  	v9 =	vmul.f32 v9, v0;
	v13 =	vadd.f32 v13, v14;
	v14 =	vmul.f32 v8, v1;
	v10 =	vld [tilespmem:s16+$0x0]  }
0x2ca: {  	v8 =	vld [tilespmem:s17+$0x10];
	[tilespmem:s17+$0x30] =	vst v6;
	v6 =	vadd.f32 v18, v17;
	v17 =	vmul.f32 v11, v2;
	v18 =	vmul.f32 v12, v3  }
0x2cb: {  	v9 =	vadd.f32 v9, v14;
	v12 =	vmul.f32 v12, v0;
	[tilespmem:s16+$0x30] =	vst v13;
	v13 =	vmul.f32 v11, v1;
	v11 =	vld [tilespmem:s16+$0x10]  }
0x2cc: {  	v19 =	vmul.f32 v16, v3;
	[tilespmem:s17+$0xFFFFFFD0] =	vst v6;
	v17 =	vadd.f32 v18, v17;
	v18 =	vmul.f32 v15, v2;
	v6 =	vld [tilespmem:s17+$0x20]  }
0x2cd: {  	v14 =	vmul.f32 v16, v0;
	v15 =	vmul.f32 v15, v1;
	[tilespmem:s16+$0xFFFFFFD0] =	vst v9;
	v13 =	vadd.f32 v12, v13;
	v9 =	vld [tilespmem:s16+$0x20]  }
0x2ce: {  	s18 =	simm.s32 $0x0;
	s24 =	simm.s32 $0x3F40;
	s25 =	simm.s32 $0x138C0;
	v12 =	vld [tilespmem:s17+$0xFFFFFFC0];
	[tilespmem:s17+$0xFFFFFFE0] =	vst v17;
	v16 =	vadd.f32 v19, v18;
	v17 =	vmul.f32 v7, v2;
	v18 =	vmul.f32 v10, v3  }
.LBB2_22:
0x2cf: {  	v19 =	vld [tilespmem:s24+$0x30];
	[tilespmem:s16+$0xFFFFFFE0] =	vst v13;
	v13 =	vadd.f32 v14, v15;
	v10 =	vmul.f32 v10, v0;
	v7 =	vmul.f32 v7, v1;
	s25 =	sadd.s32 $0x80, s25  }
0x2d0: {  	v14 =	vld [tilespmem:s25+$0x30];
	[tilespmem:s17+$0xFFFFFFF0] =	vst v16;
	v15 =	vadd.f32 v18, v17;
	v16 =	vmul.f32 v8, v2;
	v17 =	vmul.f32 v11, v3  }
0x2d1: {  	s18 =	sadd.s32 $0x8, s18;
	v8 =	vmul.f32 v8, v1;
	v18 =	vld [tilespmem:s25+$0xFFFFFFC0];
	[tilespmem:s16+$0xFFFFFFF0] =	vst v13;
	v7 =	vadd.f32 v10, v7;
	v10 =	vmul.f32 v11, v0  }
0x2d2: {  	p0 =	slt.u32 s18, $0x3E0;
	v11 =	vld [tilespmem:s24+$0xFFFFFFD0];
	[tilespmem:s17+$0x0] =	vst v15;
	v13 =	vadd.f32 v17, v16;
	v15 =	vmul.f32 v6, v2;
	v16 =	vmul.f32 v9, v3  }
0x2d3: {  	v17 =	vld [tilespmem:s25+$0xFFFFFFD0];
	v20 =	vmul.f32 v12, v2;
	v12 =	vmul.f32 v12, v1;
	[tilespmem:s16+$0x0] =	vst v7;
	v7 =	vadd.f32 v10, v8  }
0x2d4: {  	v9 =	vmul.f32 v9, v0;
	v6 =	vmul.f32 v6, v1;
	v21 =	vld [tilespmem:s24+$0xFFFFFFE0];
	[tilespmem:s17+$0x10] =	vst v13;
	v8 =	vadd.f32 v16, v15  }
0x2d5: {  	v10 =	vmul.f32 v19, v2;
	v13 =	vld [tilespmem:s25+$0xFFFFFFE0];
	v15 =	vmul.f32 v14, v3;
	v16 =	vadd.f32 v5, v20;
	[tilespmem:s16+$0x10] =	vst v7  }
0x2d6: {  	v19 =	vmul.f32 v19, v1;
	v14 =	vmul.f32 v14, v0;
	v12 =	vadd.f32 v4, v12;
	v20 =	vld [tilespmem:s24+$0xFFFFFFF0];
	[tilespmem:s17+$0x20] =	vst v8  }
0x2d7: {  	v5 =	vmul.f32 v18, v3;
	v4 =	vmul.f32 v18, v0;
	v18 =	vld [tilespmem:s25+$0xFFFFFFF0];
	v8 =	vadd.f32 v15, v10;
	[tilespmem:s17+$0xFFFFFFC0] =	vst v16;
	s17 =	smov.u32 s24  }
0x2d8: {  	v15 =	vmul.f32 v11, v2;
	v14 =	vadd.f32 v14, v19;
	v16 =	vmul.f32 v17, v3;
	v7 =	vld [tilespmem:s24+$0x0];
	[tilespmem:s16+$0xFFFFFFC0] =	vst v12  }
0x2d9: {  	v6 =	vadd.f32 v9, v6;
	v11 =	vmul.f32 v11, v1;
	v12 =	vmul.f32 v17, v0;
	v10 =	vld [tilespmem:s25+$0x0];
	[tilespmem:s24+$0x30] =	vst v8  }
.Ltmp10:
0x2da: {  	v9 =	vadd.f32 v16, v15;
	v15 =	vmul.f32 v21, v2;
	v16 =	vmul.f32 v13, v3;
	v8 =	vld [tilespmem:s24+$0x10];
	[tilespmem:s25+$0x30] =	vst v14;
	(pc) =	sbr.rel @p0 .LBB2_22-.Ltmp10, $4  }
0x2db: {  	v12 =	vadd.f32 v12, v11;
	v13 =	vmul.f32 v13, v0;
	v14 =	vmul.f32 v21, v1;
	v11 =	vld [tilespmem:s25+$0x10];
	[tilespmem:s16+$0x20] =	vst v6;
	s16 =	smov.u32 s25  }
0x2dc: {  	v17 =	vmul.f32 v20, v2;
	[tilespmem:s24+$0xFFFFFFD0] =	vst v9;
	v16 =	vadd.f32 v16, v15;
	v19 =	vmul.f32 v18, v3;
	v6 =	vld [tilespmem:s24+$0x20]  }
0x2dd: {  	v13 =	vadd.f32 v13, v14;
	v14 =	vmul.f32 v18, v0;
	v15 =	vmul.f32 v20, v1;
	[tilespmem:s25+$0xFFFFFFD0] =	vst v12;
	v9 =	vld [tilespmem:s25+$0x20]  }
0x2de: {  	s24 =	sadd.s32 $0x80, s24;
	v12 =	vld [tilespmem:s17+$0xFFFFFFC0];
	[tilespmem:s17+$0xFFFFFFE0] =	vst v16;
	v16 =	vadd.f32 v19, v17;
	v17 =	vmul.f32 v7, v2;
	v18 =	vmul.f32 v10, v3  }
0x2df: {  	[tilespmem:s16+$0xFFFFFFE0] =	vst v13;
	v50 =	vadd.f32 v14, v15;
	v10 =	vmul.f32 v10, v0;
	v7 =	vmul.f32 v7, v1  }
0x2e0: {  	v52 =	vmul.f32 v8, v2;
	[tilespmem:s17+$0xFFFFFFF0] =	vst v16;
	v51 =	vadd.f32 v18, v17;
	v53 =	vmul.f32 v11, v3  }
0x2e1: {  	v55 =	vmul.f32 v8, v1;
	v54 =	vmul.f32 v11, v0;
	[tilespmem:s16+$0xFFFFFFF0] =	vst v50;
	v7 =	vadd.f32 v10, v7  }
0x2e2: {  	v57 =	vmul.f32 v6, v2;
	[tilespmem:s17+$0x0] =	vst v51;
	v56 =	vadd.f32 v53, v52;
	v58 =	vmul.f32 v9, v3  }
0x2e3: {  	v60 =	vadd.f32 v54, v55;
	v59 =	vmul.f32 v12, v2;
	[tilespmem:s16+$0x0] =	vst v7  }
0x2e4: {  	v63 =	vmul.f32 v6, v1;
	v62 =	vmul.f32 v9, v0;
	[tilespmem:s17+$0x10] =	vst v56;
	v3 =	vadd.f32 v58, v57  }
0x2e5: {  	v61 =	vmul.f32 v12, v1;
	v2 =	vadd.f32 v5, v59;
	[tilespmem:s16+$0x10] =	vst v60  }
0x2e6: {  	v0 =	vadd.f32 v62, v63;
	[tilespmem:s17+$0x20] =	vst v3  }
0x2e7: {  	v4 =	vadd.f32 v4, v61;
	[tilespmem:s17+$0xFFFFFFC0] =	vst v2  }
0x2e8: {  	[tilespmem:s16+$0x20] =	vst v0  }
0x2e9: {  	[tilespmem:s16+$0xFFFFFFC0] =	vst v4  }
0x2ea: {  	s16 =	sld [smem:$0x7FB];
	_ =	sdelay $0x1  }
0x2eb: {  	s24 =	sld [smem:$0x7FC]  }
0x2ec: {  	[hbm4b:s16+s19] =	stream.strided.scatter [tilespmem:s22], [sflag:$0xA], $0x3E80, s20, s19, $0x38;
	[tilespmem:$0x1F900] =	vst v63  }
0x2ed: {  	_ = 	snop  }
0x2ee: {  	[hbm4b:s24+s19] =	stream.strided.scatter [tilespmem:s23], [sflag:$0xE], $0x3E80, s20, s19, $0x38;
	[tilespmem:$0x1F900] =	vst v63  }
0x2ef: {  	_ =	swait.ge [sflag:s11], $0x3E80  }
0x2f0: {  	[sflag:s11] =	ssyncset.done $0x0  }
0x2f1: {  	[sflag:s11] =	ssyncadd.s32 $0xFFFFC180  }
0x2f2: {  	_ =	swait.ge [sflag:s12], $0x3E80  }
0x2f3: {  	[sflag:s12] =	ssyncset.done $0x0  }
0x2f4: {  	[sflag:s12] =	ssyncadd.s32 $0xFFFFC180  }
0x2f5: {  	_ =	swait.ge [sflag:s13], $0x3E80  }
0x2f6: {  	[sflag:s13] =	ssyncset.done $0x0  }
0x2f7: {  	[sflag:s13] =	ssyncadd.s32 $0xFFFFC180  }
0x2f8: {  	_ =	swait.ge [sflag:s14], $0x3E80  }
0x2f9: {  	[sflag:s14] =	ssyncset.done $0x0  }
0x2fa: {  	[sflag:s14] =	ssyncadd.s32 $0xFFFFC180  }
0x2fb: {  	_ =	swait.ge [sflag:s31], $0x3E80  }
0x2fc: {  	[sflag:s31] =	ssyncset.done $0x0  }
0x2fd: {  	[sflag:s31] =	ssyncadd.s32 $0xFFFFC180  }
0x2fe: {  	_ =	swait.ge [sflag:s6], $0x3E80  }
0x2ff: {  	[sflag:s6] =	ssyncset.done $0x0  }
0x300: {  	[sflag:s6] =	ssyncadd.s32 $0xFFFFC180  }
0x301: {  	_ =	swait.ge [sflag:s9], $0x3E80  }
0x302: {  	[sflag:s9] =	ssyncset.done $0x0  }
0x303: {  	[sflag:s9] =	ssyncadd.s32 $0xFFFFC180  }
0x304: {  	_ =	swait.ge [sflag:s10], $0x3E80  }
0x305: {  	s25 =	sld [smem:$0x7FD];
	_ =	sdelay $0x1  }
0x306: {  	s15 =	sadd.s32 $0x1, s15  }
0x307: {  	p0 =	sne.s32 s15, s25  }
.Ltmp11:
0x308: {  	_ = 	snop;
	(pc) =	sbr.rel @p0 .LBB2_1-.Ltmp11, $3  }
0x309: {  	_ =	sdelay $0x1  }
0x30a: {  	[sflag:s10] =	ssyncset.done $0x0  }
0x30b: {  	[sflag:s10] =	ssyncadd.s32 $0xFFFFC180  }
0x30c: {  	_ =	sfence.sel $0x180000  }
0x30d: {  	[bflag:$0x0] =	sbarrier.arrive $0xFFFF  }
0x30e: {  	_ =	strace $0x90000047  }
0x30f: {  	s0 =	stileid.u32;
	[bflag:$0x2] =	sbarrier.arrive $0xFFFF  }
0x310: {  	p0 =	sne.s32 s0, $0x0;
	s0 =	rddreg [dreg:$0x5]  }
0x311: {  	s0 =	sadd.s32 @!p0 $0x100000, s0  }
0x312: {  	[sflag:s0] =	ssyncadd.tile.s32 @!p0 $0x1;
	_ =	shalt  }
.Lfunc_end2:
_tile_overlayer_lowered:
.L_overlay_start_2:
0x313: {  	(tag) =	ssettag $0x2  }
0x314: {  	s0 =	rddreg [dreg:$0x0];
	s2 =	stileid.u32  }
0x315: {  	s1 =	rddreg [dreg:$0x1];
	p0 =	sne.s32 s2, $0x0  }
0x316: {  	s3 =	rddreg [dreg:$0x2];
	[bflag:$0x3] =	sbarrier.arrive $0xFFFF;
	s2 =	simm.s32 @!p0 $0x1C11  }
0x317: {  	[timem:s3], [sflag:s2] =	dma.local @!p0 [hbm:s0], s1  }
0x318: {  	s0 =	simm.s32 @!p0 $0x11  }
0x319: {  	_ =	swait.ge @!p0 [sflag:s0], s1  }
0x31a: {  	s1 =	ssub.s32 @!p0 $0x0, s1;
	[sflag:s0] =	ssyncset.done @!p0 $0x0  }
0x31b: {  	[sflag:s0] =	ssyncadd.s32 @!p0 s1  }
0x31c: {  	[bflag:$0x3] =	sbarrier.arrive $0xFFFF  }
0x31d: {  	_ =	shalt  }

</sc_bundles>
